<compile_context>
chip_gen: v7x
topology: tpu7x:2x2x1
jax: 0.10.2.dev20260603
libtpu: 0.0.44.dev20260713+nightly
codegen_flags: <defaults>
</compile_context>

<pallas_src>
import functools

import jax
import jax.numpy as jnp
from jax import lax
from jax.experimental import pallas as pl
from jax.experimental.pallas import tpu as pltpu
from jax.experimental.pallas import tpu_sc as plsc

D = 64
NC = 2
NS = 16
NW = NC * NS
N_NODES = 1000000
CW = 512
N_FULL = N_NODES // CW
TAIL_LO = N_FULL * CW
TAIL_W = N_NODES - TAIL_LO
CHUNKS_BASE = N_FULL // NW
CHUNKS_EXTRA = N_FULL - CHUNKS_BASE * NW
IDX_PIECE = 8192
MAXJJ = (CHUNKS_BASE + CHUNKS_EXTRA + 2) // 3
BKT_CAP = 2080
CH_CAP = 560


def _iota16():
    return lax.iota(jnp.int32, 16)


def _in_range(vec, lo, hi):
    ge = lax.min(lax.max(vec - lo + 1, 0), 1)
    lt = lax.min(lax.max(hi - vec, 0), 1)
    return ge * lt


def _compact_append(ref_a, ref_b, va, vb, mi, cnt, trash):
    pos = plsc.cumsum(mi)
    dst = (cnt + pos - 1) * mi + (trash + _iota16()) * (1 - mi)
    plsc.store_scatter(ref_a, [dst], va)
    plsc.store_scatter(ref_b, [dst], vb)
    return cnt + pos[15]


def _sc_scan_fn(total):
    n_vec = total // 16

    def body(tbl, idx_hbm, out_hbm, idx_v, buf0, buf1, buf2, tail_v,
             bkt_r, bkt_s, chr_v, chs_v, stage, hg_s, semc, semo):
        wid = lax.axis_index("s") * NC + lax.axis_index("c")
        is0 = 1 - lax.min(wid, 1)
        nch = CHUNKS_BASE + CHUNKS_EXTRA * is0
        ch0 = wid * CHUNKS_BASE + CHUNKS_EXTRA * (1 - is0)
        c_lo = ch0 * CW
        c_hi = c_lo + nch * CW + TAIL_W * lax.max(wid - (NW - 2), 0)

        pltpu.async_copy(tbl.at[:, pl.ds(c_lo, CW)], buf0, semc)
        pltpu.async_copy(tbl.at[:, pl.ds(c_lo + CW, CW)], buf1, semc)
        pltpu.async_copy(tbl.at[:, pl.ds(c_lo + 2 * CW, CW)], buf2, semc)

        hg_s[0] = 0

        cnt0 = jnp.int32(0)
        for piece in range(total // IDX_PIECE):
            pltpu.sync_copy(idx_hbm.at[pl.ds(piece * IDX_PIECE, IDX_PIECE)],
                            idx_v)

            def p1(g, cnt, _piece=piece):
                vec = idx_v[pl.ds(g * 16, 16)]
                mi = _in_range(vec, c_lo, c_hi)
                slots = _iota16() + (_piece * IDX_PIECE + g * 16)
                return _compact_append(bkt_r, bkt_s, vec, slots, mi, cnt,
                                       BKT_CAP - 16)

            cnt0 = lax.fori_loop(0, IDX_PIECE // 16, p1, cnt0)
        nb = cnt0
        nbv = lax.shift_right_logical(nb + 15, 4)

        def extract_hits(lo, buf, ccnt):
            def exhit(i, carry):
                r = chr_v[pl.ds(i, 16)][0]
                slot = chs_v[pl.ds(i, 16)][0]
                rr = r - lo
                hg = hg_s[0]
                ring = lax.bitwise_and(hg, jnp.int32(15))

                @pl.when(hg >= 16)
                def _():
                    pltpu.make_async_copy(
                        out_hbm.at[pl.ds(0, 128)],
                        stage.at[pl.ds(0, 128)], semo).wait()

                for grp in range(4):
                    val = plsc.load_gather(
                        buf, [_iota16() + grp * 16,
                              jnp.broadcast_to(rr, (16,))])
                    stage[pl.ds(ring * 128 + grp * 16, 16)] = val
                pltpu.async_copy(stage.at[pl.ds(ring * 128, 128)],
                                 out_hbm.at[pl.ds(slot * 128, 128)], semo)
                hg_s[0] = hg + 1
                return carry

            lax.fori_loop(0, ccnt, exhit, jnp.int32(0))

        def scan_bucket(lo, width):
            def sv(v, ccnt):
                vecr = bkt_r[pl.ds(v * 16, 16)]
                vecs = bkt_s[pl.ds(v * 16, 16)]
                mi = _in_range(vecr, lo, lo + width)
                mi = mi * _in_range(_iota16() + v * 16, 0, nb)
                return _compact_append(chr_v, chs_v, vecr, vecs, mi, ccnt,
                                       CH_CAP - 16)

            return lax.fori_loop(0, nbv, sv, jnp.int32(0))

        def process(j, buf):
            lo = c_lo + j * CW
            pltpu.make_async_copy(tbl.at[:, pl.ds(lo, CW)], buf, semc).wait()
            ccnt = scan_bucket(lo, CW)
            extract_hits(lo, buf, ccnt)

            @pl.when(j + 3 < nch)
            def _():
                pltpu.async_copy(tbl.at[:, pl.ds(lo + 3 * CW, CW)], buf, semc)

        def jj_body(jj, carry):
            j0 = jj * 3

            @pl.when(j0 < nch)
            def _():
                process(j0, buf0)

            @pl.when(j0 + 1 < nch)
            def _():
                process(j0 + 1, buf1)

            @pl.when(j0 + 2 < nch)
            def _():
                process(j0 + 2, buf2)

            return carry

        lax.fori_loop(0, MAXJJ, jj_body, jnp.int32(0))

        @pl.when(wid == NW - 1)
        def _():
            pltpu.sync_copy(tbl.at[:, pl.ds(TAIL_LO, TAIL_W)], tail_v)
            ccnt = scan_bucket(jnp.int32(TAIL_LO), jnp.int32(TAIL_W))
            extract_hits(jnp.int32(TAIL_LO), tail_v, ccnt)

        def drain(i, carry):
            pltpu.make_async_copy(out_hbm.at[pl.ds(0, 128)],
                                  stage.at[pl.ds(0, 128)], semo).wait()
            return carry

        lax.fori_loop(0, lax.min(hg_s[0], jnp.int32(16)), drain, jnp.int32(0))

    return body


@functools.lru_cache(maxsize=None)
def _make_sc_scan(total):
    mesh = plsc.VectorSubcoreMesh(core_axis_name="c", subcore_axis_name="s")
    return pl.kernel(
        _sc_scan_fn(total),
        mesh=mesh,
        out_type=jax.ShapeDtypeStruct((total * 128,), jnp.float32),
        scratch_types=[
            pltpu.VMEM((IDX_PIECE,), jnp.int32),
            pltpu.VMEM((D, CW), jnp.float32),
            pltpu.VMEM((D, CW), jnp.float32),
            pltpu.VMEM((D, CW), jnp.float32),
            pltpu.VMEM((D, TAIL_W), jnp.float32),
            pltpu.VMEM((BKT_CAP,), jnp.int32),
            pltpu.VMEM((BKT_CAP,), jnp.int32),
            pltpu.VMEM((CH_CAP,), jnp.int32),
            pltpu.VMEM((CH_CAP,), jnp.int32),
            pltpu.VMEM((16 * 128,), jnp.float32),
            pltpu.SMEM((1,), jnp.int32),
            pltpu.SemaphoreType.DMA,
            pltpu.SemaphoreType.DMA,
        ],
        compiler_params=pltpu.CompilerParams(
            use_tc_tiling_on_sc=True, needs_layout_passes=False),
    )


def _bilinear_body(b_ref, g1_ref, g2_ref, w_ref, out_ref):
    g1 = g1_ref[:, :D]
    g2 = g2_ref[:, :D]
    t = jnp.dot(g1, w_ref[...], preferred_element_type=jnp.float32)
    p = jnp.sum(t * g2, axis=1) + b_ref[0]
    out_ref[...] = p.reshape(out_ref.shape)


@functools.lru_cache(maxsize=None)
def _make_bilinear(batch, blk):
    nblk = batch // blk
    return pl.pallas_call(
        _bilinear_body,
        grid=(nblk,),
        in_specs=[
            pl.BlockSpec(memory_space=pltpu.SMEM),
            pl.BlockSpec((blk, 128), lambda i: (i, 0)),
            pl.BlockSpec((blk, 128), lambda i, _n=nblk: (i + _n, 0)),
            pl.BlockSpec((D, D), lambda i: (0, 0)),
        ],
        out_specs=pl.BlockSpec((1, 1, blk), lambda i: (i, 0, 0)),
        out_shape=jax.ShapeDtypeStruct((nblk, 1, blk), jnp.float32),
    )


def kernel(indice_pairs, Z, W, b):
    batch = indice_pairs.shape[0]
    total = 2 * batch
    idx_flat = jnp.transpose(indice_pairs).reshape(total).astype(jnp.int32)
    g_flat = _make_sc_scan(total)(Z.T, idx_flat)
    g = g_flat.reshape(total, 128)
    blk = 4096
    pred = _make_bilinear(batch, blk)(b.reshape(1), g, g, W)
    return pred.reshape(batch)

# --- scband reference (transcript-rebuilt; emitter-appended) ---
"""Pipeline reference for scband-active-fe-26783416058458 (READ-ONLY COPY).

The authoritative reference and input builder live on the scoring server;
editing this copy changes nothing except your own understanding.
"""

import jax, jax.numpy as jnp
import numpy as np

NUM_NODES = 1000000
EMBED_D = 64
BATCH = 16384


def setup_inputs(seed: int = 0) -> dict:
    key = jax.random.key(seed)
    k_idx, k_tab, k_w, k_b = jax.random.split(key, 4)
    indice_pairs = jax.random.randint(k_idx, (BATCH, 2), 0, NUM_NODES, dtype=jnp.int64 if jax.config.read('jax_enable_x64') else jnp.int32)
    # FE representation model: learned embedding table z = model() -> [num_nodes, embedding_d]
    Z = jax.random.normal(k_tab, (NUM_NODES, EMBED_D), dtype=jnp.float32) * 0.02
    # BiLinearRegressionNetwork: y = z1^T W z2 + b (torch.nn.Bilinear with out_features=1)
    W = jax.random.normal(k_w, (EMBED_D, EMBED_D), dtype=jnp.float32) * (1.0 / np.sqrt(EMBED_D))
    b = jnp.zeros((), dtype=jnp.float32)
    return {"indice_pairs": indice_pairs, "Z": Z, "W": W, "b": b}


def reference(indice_pairs, Z, W, b):
    # forward_embedding: gather pairs of node embeddings from the table
    z1 = jnp.take(Z, indice_pairs[:, 0], axis=0)  # [B, d]
    z2 = jnp.take(Z, indice_pairs[:, 1], axis=0)  # [B, d]
    # Bilinear regression head: y_i = z1_i^T W z2_i + b
    pred = jnp.einsum('bd,de,be->b', z1, W, z2) + b
    return pred

if __name__ == "__main__":
    import jax
    _d = setup_inputs()
    print(jax.jit(kernel)(*tuple(_d.values())))

</pallas_src>

<mosaic_0001>
#map = affine_map<(d0, d1) -> (0, 0)>
#map1 = affine_map<(d0, d1) -> (0)>
module attributes {stable_mosaic.version = 14 : i64} {
  func.func @body(%arg0: i32, %arg1: i32, %arg2: memref<64x1000000xf32, #tpu.memory_space<hbm>>, %arg3: memref<32768xi32, #tpu.memory_space<hbm>>, %arg4: memref<4194304xf32, #tpu.memory_space<hbm>>, %arg5: memref<8192xi32, #tpu.memory_space<vmem>>, %arg6: memref<64x512xf32, #tpu.memory_space<vmem>>, %arg7: memref<64x512xf32, #tpu.memory_space<vmem>>, %arg8: memref<64x512xf32, #tpu.memory_space<vmem>>, %arg9: memref<64x64xf32, #tpu.memory_space<vmem>>, %arg10: memref<2080xi32, #tpu.memory_space<vmem>>, %arg11: memref<2080xi32, #tpu.memory_space<vmem>>, %arg12: memref<560xi32, #tpu.memory_space<vmem>>, %arg13: memref<560xi32, #tpu.memory_space<vmem>>, %arg14: memref<2048xf32, #tpu.memory_space<vmem>>, %arg15: memref<1xi32, #tpu.memory_space<smem>>, %arg16: memref<!tpu.dma_semaphore, #tpu.memory_space<semaphore_mem>>, %arg17: memref<!tpu.dma_semaphore, #tpu.memory_space<semaphore_mem>>) attributes {dimension_semantics = [#tpu.dimension_semantics<core_parallel>, #tpu.dimension_semantics<subcore_parallel>], iteration_bounds = array<i64: 2, 16>, scalar_prefetch = 0 : i64, scratch_operands = 13 : i64, tpu.core_type = #tpu.core_type<sc_vector_subcore>, window_params = [{transform_indices = #map}, {transform_indices = #map1}, {transform_indices = #map1}]} {
    %mul3A = arith.constant 2 : i32
    %mul3A_0 = arith.muli %arg1, %mul3A : i32
    %add3A = arith.addi %mul3A_0, %arg0 : i32
    %min3A = arith.constant 1 : i32
    %min3A_1 = arith.minsi %add3A, %min3A : i32
    %sub3A = arith.constant 1 : i32
    %sub3A_2 = arith.subi %sub3A, %min3A_1 : i32
    %mul3A_3 = arith.constant 1 : i32
    %mul3A_4 = arith.muli %mul3A_3, %sub3A_2 : i32
    %add3A_5 = arith.constant 61 : i32
    %add3A_6 = arith.addi %add3A_5, %mul3A_4 : i32
    %mul3A_7 = arith.constant 61 : i32
    %mul3A_8 = arith.muli %add3A, %mul3A_7 : i32
    %sub3A_9 = arith.constant 1 : i32
    %sub3A_10 = arith.subi %sub3A_9, %sub3A_2 : i32
    %mul3A_11 = arith.constant 1 : i32
    %mul3A_12 = arith.muli %mul3A_11, %sub3A_10 : i32
    %add3A_13 = arith.addi %mul3A_8, %mul3A_12 : i32
    %mul3A_14 = arith.constant 512 : i32
    %mul3A_15 = arith.muli %add3A_13, %mul3A_14 : i32
    %mul3A_16 = arith.constant 512 : i32
    %mul3A_17 = arith.muli %add3A_6, %mul3A_16 : i32
    %add3A_18 = arith.addi %mul3A_15, %mul3A_17 : i32
    %sub3A_19 = arith.constant 30 : i32
    %sub3A_20 = arith.subi %add3A, %sub3A_19 : i32
    %max3A = arith.constant 0 : i32
    %max3A_21 = arith.maxsi %sub3A_20, %max3A : i32
    %mul3A_22 = arith.constant 64 : i32
    %mul3A_23 = arith.muli %mul3A_22, %max3A_21 : i32
    %add3A_24 = arith.addi %add3A_18, %mul3A_23 : i32
    %dma_start3A = arith.constant 0 : i32
    %dma_start3A_25 = tpu.memref_slice %arg2[%dma_start3A, %mul3A_15] : memref<64x1000000xf32, #tpu.memory_space<hbm>> -> memref<64x512xf32, #tpu.memory_space<hbm>>
    %dma_start3A_26 = arith.constant 0 : i32
    %dma_start3A_27 = tpu.memref_slice %arg2[%dma_start3A_26, %mul3A_15] : memref<64x1000000xf32, #tpu.memory_space<hbm>> -> memref<64x512xf32, #tpu.memory_space<hbm>>
    tpu.enqueue_dma source(%dma_start3A_27 : memref<64x512xf32, #tpu.memory_space<hbm>>) target(%arg6 : memref<64x512xf32, #tpu.memory_space<vmem>>) target_semaphore(%arg16 : memref<!tpu.dma_semaphore, #tpu.memory_space<semaphore_mem>>)
    %add3A_28 = arith.constant 512 : i32
    %add3A_29 = arith.addi %mul3A_15, %add3A_28 : i32
    %dma_start3A_30 = arith.constant 0 : i32
    %dma_start3A_31 = tpu.memref_slice %arg2[%dma_start3A_30, %add3A_29] : memref<64x1000000xf32, #tpu.memory_space<hbm>> -> memref<64x512xf32, #tpu.memory_space<hbm>>
    %dma_start3A_32 = arith.constant 0 : i32
    %dma_start3A_33 = tpu.memref_slice %arg2[%dma_start3A_32, %add3A_29] : memref<64x1000000xf32, #tpu.memory_space<hbm>> -> memref<64x512xf32, #tpu.memory_space<hbm>>
    tpu.enqueue_dma source(%dma_start3A_33 : memref<64x512xf32, #tpu.memory_space<hbm>>) target(%arg7 : memref<64x512xf32, #tpu.memory_space<vmem>>) target_semaphore(%arg16 : memref<!tpu.dma_semaphore, #tpu.memory_space<semaphore_mem>>)
    %add3A_34 = arith.constant 1024 : i32
    %add3A_35 = arith.addi %mul3A_15, %add3A_34 : i32
    %dma_start3A_36 = arith.constant 0 : i32
    %dma_start3A_37 = tpu.memref_slice %arg2[%dma_start3A_36, %add3A_35] : memref<64x1000000xf32, #tpu.memory_space<hbm>> -> memref<64x512xf32, #tpu.memory_space<hbm>>
    %dma_start3A_38 = arith.constant 0 : i32
    %dma_start3A_39 = tpu.memref_slice %arg2[%dma_start3A_38, %add3A_35] : memref<64x1000000xf32, #tpu.memory_space<hbm>> -> memref<64x512xf32, #tpu.memory_space<hbm>>
    tpu.enqueue_dma source(%dma_start3A_39 : memref<64x512xf32, #tpu.memory_space<hbm>>) target(%arg8 : memref<64x512xf32, #tpu.memory_space<vmem>>) target_semaphore(%arg16 : memref<!tpu.dma_semaphore, #tpu.memory_space<semaphore_mem>>)
    %swap3A = arith.constant 0 : i32
    %swap3A_40 = arith.constant 0 : i32
    %swap3A_41 = arith.index_cast %swap3A_40 : i32 to index
    %swap3A_42 = memref.load %arg15[%swap3A_41] : memref<1xi32, #tpu.memory_space<smem>>
    memref.store %swap3A, %arg15[%swap3A_41] : memref<1xi32, #tpu.memory_space<smem>>
    "tpu.region"() ({
      %run_scoped3A = tpu.sem_alloc : memref<!tpu.dma_semaphore, #tpu.memory_space<semaphore_mem>>
      %dma_start3A_91 = arith.constant 0 : i32
      %dma_start3A_92 = tpu.memref_slice %arg3[%dma_start3A_91] : memref<32768xi32, #tpu.memory_space<hbm>> -> memref<8192xi32, #tpu.memory_space<hbm>>
      %dma_start3A_93 = arith.constant 0 : i32
      %dma_start3A_94 = tpu.memref_slice %arg3[%dma_start3A_93] : memref<32768xi32, #tpu.memory_space<hbm>> -> memref<8192xi32, #tpu.memory_space<hbm>>
      tpu.enqueue_dma source(%dma_start3A_94 : memref<8192xi32, #tpu.memory_space<hbm>>) target(%arg5 : memref<8192xi32, #tpu.memory_space<vmem>>) target_semaphore(%run_scoped3A : memref<!tpu.dma_semaphore, #tpu.memory_space<semaphore_mem>>)
      %dma_wait3A = arith.constant 0 : i32
      %dma_wait3A_95 = tpu.memref_slice %arg3[%dma_wait3A] : memref<32768xi32, #tpu.memory_space<hbm>> -> memref<8192xi32, #tpu.memory_space<hbm>>
      %dma_wait3A_96 = arith.constant 0 : i32
      %dma_wait3A_97 = tpu.memref_slice %arg3[%dma_wait3A_96] : memref<32768xi32, #tpu.memory_space<hbm>> -> memref<8192xi32, #tpu.memory_space<hbm>>
      tpu.wait_dma2 semaphore(%run_scoped3A : memref<!tpu.dma_semaphore, #tpu.memory_space<semaphore_mem>>) src(%dma_wait3A_97 : memref<8192xi32, #tpu.memory_space<hbm>>) dst(%arg5 : memref<8192xi32, #tpu.memory_space<vmem>>)
      tpu.yield
    }) : () -> ()
    %scan3A = arith.constant 0 : i32
    %scan3A_43 = arith.constant 0 : i32
    %scan3A_44 = arith.constant 512 : i32
    %scan3A_45 = arith.addi %scan3A_43, %scan3A_44 : i32
    %scan3A_46 = arith.constant 1 : i32
    %scan3A_47 = scf.for %scan3A_91 = %scan3A_43 to %scan3A_45 step %scan3A_46 iter_args(%scan3A_92 = %scan3A) -> (i32)  : i32 {
      %mul3A_93 = arith.constant 16 : i32
      %mul3A_94 = arith.muli %scan3A_91, %mul3A_93 : i32
      %get3A_95 = arith.index_cast %mul3A_94 : i32 to index
      %get3A_96 = tpu.vector_load %arg5[%get3A_95] {strides = array<i32>} : memref<8192xi32, #tpu.memory_space<vmem>>, vector<16xi32>,
      %sub3A_97 = vector.broadcast %mul3A_15 : i32 to vector<16xi32>
      %sub3A_98 = arith.subi %get3A_96, %sub3A_97 : vector<16xi32>
      %add3A_99 = arith.constant 1 : i32
      %add3A_100 = vector.broadcast %add3A_99 : i32 to vector<16xi32>
      %add3A_101 = arith.addi %sub3A_98, %add3A_100 : vector<16xi32>
      %max3A_102 = arith.constant 0 : i32
      %max3A_103 = vector.broadcast %max3A_102 : i32 to vector<16xi32>
      %max3A_104 = arith.maxsi %add3A_101, %max3A_103 : vector<16xi32>
      %min3A_105 = arith.constant 1 : i32
      %min3A_106 = vector.broadcast %min3A_105 : i32 to vector<16xi32>
      %min3A_107 = arith.minsi %max3A_104, %min3A_106 : vector<16xi32>
      %sub3A_108 = vector.broadcast %add3A_24 : i32 to vector<16xi32>
      %sub3A_109 = arith.subi %sub3A_108, %get3A_96 : vector<16xi32>
      %max3A_110 = arith.constant 0 : i32
      %max3A_111 = vector.broadcast %max3A_110 : i32 to vector<16xi32>
      %max3A_112 = arith.maxsi %sub3A_109, %max3A_111 : vector<16xi32>
      %min3A_113 = arith.constant 1 : i32
      %min3A_114 = vector.broadcast %min3A_113 : i32 to vector<16xi32>
      %min3A_115 = arith.minsi %max3A_112, %min3A_114 : vector<16xi32>
      %mul3A_116 = arith.muli %min3A_107, %min3A_115 : vector<16xi32>
      %iota3A = tpu.iota {dimensions = array<i32: 0>} : vector<16xi32>
      %mul3A_117 = arith.constant 16 : i32
      %mul3A_118 = arith.muli %scan3A_91, %mul3A_117 : i32
      %add3A_119 = arith.constant 0 : i32
      %add3A_120 = arith.addi %add3A_119, %mul3A_118 : i32
      %add3A_121 = vector.broadcast %add3A_120 : i32 to vector<16xi32>
      %add3A_122 = arith.addi %iota3A, %add3A_121 : vector<16xi32>
      %broadcast_in_dim3A = arith.constant true
      %broadcast_in_dim3A_123 = vector.broadcast %broadcast_in_dim3A : i1 to vector<16xi1>
      %masked_cumsum3A = tpu.scan <sum>, %mul3A_116 masked %broadcast_in_dim3A_123 : vector<16xi32>, vector<16xi1> -> vector<16xi32>
      %add3A_124 = vector.broadcast %scan3A_92 : i32 to vector<16xi32>
      %add3A_125 = arith.addi %add3A_124, %masked_cumsum3A : vector<16xi32>
      %sub3A_126 = arith.constant 1 : i32
      %sub3A_127 = vector.broadcast %sub3A_126 : i32 to vector<16xi32>
      %sub3A_128 = arith.subi %add3A_125, %sub3A_127 : vector<16xi32>
      %mul3A_129 = arith.muli %sub3A_128, %mul3A_116 : vector<16xi32>
      %iota3A_130 = tpu.iota {dimensions = array<i32: 0>} : vector<16xi32>
      %add3A_131 = arith.constant 2064 : i32
      %add3A_132 = vector.broadcast %add3A_131 : i32 to vector<16xi32>
      %add3A_133 = arith.addi %add3A_132, %iota3A_130 : vector<16xi32>
      %sub3A_134 = arith.constant 1 : i32
      %sub3A_135 = vector.broadcast %sub3A_134 : i32 to vector<16xi32>
      %sub3A_136 = arith.subi %sub3A_135, %mul3A_116 : vector<16xi32>
      %mul3A_137 = arith.muli %add3A_133, %sub3A_136 : vector<16xi32>
      %add3A_138 = arith.addi %mul3A_129, %mul3A_137 : vector<16xi32>
      tpu.vector_store_idx %arg10[%add3A_138], %get3A_96 : memref<2080xi32, #tpu.memory_space<vmem>>[vector<16xi32>], vector<16xi32>,
      tpu.vector_store_idx %arg11[%add3A_138], %add3A_122 : memref<2080xi32, #tpu.memory_space<vmem>>[vector<16xi32>], vector<16xi32>,
      %slice3A = vector.extract_strided_slice %masked_cumsum3A {offsets = [15], sizes = [1], strides = [1]} : vector<16xi32> to vector<1xi32>
      %squeeze3A = vector.extract %slice3A[0] : i32 from vector<1xi32>
      %add3A_139 = arith.addi %scan3A_92, %squeeze3A : i32
      scf.yield %add3A_139 : i32
    }
    %scan3A_48 = arith.constant 512 : i32
    "tpu.region"() ({
      %run_scoped3A = tpu.sem_alloc : memref<!tpu.dma_semaphore, #tpu.memory_space<semaphore_mem>>
      %dma_start3A_91 = arith.constant 8192 : i32
      %dma_start3A_92 = tpu.memref_slice %arg3[%dma_start3A_91] : memref<32768xi32, #tpu.memory_space<hbm>> -> memref<8192xi32, #tpu.memory_space<hbm>>
      %dma_start3A_93 = arith.constant 8192 : i32
      %dma_start3A_94 = tpu.memref_slice %arg3[%dma_start3A_93] : memref<32768xi32, #tpu.memory_space<hbm>> -> memref<8192xi32, #tpu.memory_space<hbm>>
      tpu.enqueue_dma source(%dma_start3A_94 : memref<8192xi32, #tpu.memory_space<hbm>>) target(%arg5 : memref<8192xi32, #tpu.memory_space<vmem>>) target_semaphore(%run_scoped3A : memref<!tpu.dma_semaphore, #tpu.memory_space<semaphore_mem>>)
      %dma_wait3A = arith.constant 8192 : i32
      %dma_wait3A_95 = tpu.memref_slice %arg3[%dma_wait3A] : memref<32768xi32, #tpu.memory_space<hbm>> -> memref<8192xi32, #tpu.memory_space<hbm>>
      %dma_wait3A_96 = arith.constant 8192 : i32
      %dma_wait3A_97 = tpu.memref_slice %arg3[%dma_wait3A_96] : memref<32768xi32, #tpu.memory_space<hbm>> -> memref<8192xi32, #tpu.memory_space<hbm>>
      tpu.wait_dma2 semaphore(%run_scoped3A : memref<!tpu.dma_semaphore, #tpu.memory_space<semaphore_mem>>) src(%dma_wait3A_97 : memref<8192xi32, #tpu.memory_space<hbm>>) dst(%arg5 : memref<8192xi32, #tpu.memory_space<vmem>>)
      tpu.yield
    }) : () -> ()
    %scan3A_49 = arith.constant 0 : i32
    %scan3A_50 = arith.constant 512 : i32
    %scan3A_51 = arith.addi %scan3A_49, %scan3A_50 : i32
    %scan3A_52 = arith.constant 1 : i32
    %scan3A_53 = scf.for %scan3A_91 = %scan3A_49 to %scan3A_51 step %scan3A_52 iter_args(%scan3A_92 = %scan3A_47) -> (i32)  : i32 {
      %mul3A_93 = arith.constant 16 : i32
      %mul3A_94 = arith.muli %scan3A_91, %mul3A_93 : i32
      %get3A_95 = arith.index_cast %mul3A_94 : i32 to index
      %get3A_96 = tpu.vector_load %arg5[%get3A_95] {strides = array<i32>} : memref<8192xi32, #tpu.memory_space<vmem>>, vector<16xi32>,
      %sub3A_97 = vector.broadcast %mul3A_15 : i32 to vector<16xi32>
      %sub3A_98 = arith.subi %get3A_96, %sub3A_97 : vector<16xi32>
      %add3A_99 = arith.constant 1 : i32
      %add3A_100 = vector.broadcast %add3A_99 : i32 to vector<16xi32>
      %add3A_101 = arith.addi %sub3A_98, %add3A_100 : vector<16xi32>
      %max3A_102 = arith.constant 0 : i32
      %max3A_103 = vector.broadcast %max3A_102 : i32 to vector<16xi32>
      %max3A_104 = arith.maxsi %add3A_101, %max3A_103 : vector<16xi32>
      %min3A_105 = arith.constant 1 : i32
      %min3A_106 = vector.broadcast %min3A_105 : i32 to vector<16xi32>
      %min3A_107 = arith.minsi %max3A_104, %min3A_106 : vector<16xi32>
      %sub3A_108 = vector.broadcast %add3A_24 : i32 to vector<16xi32>
      %sub3A_109 = arith.subi %sub3A_108, %get3A_96 : vector<16xi32>
      %max3A_110 = arith.constant 0 : i32
      %max3A_111 = vector.broadcast %max3A_110 : i32 to vector<16xi32>
      %max3A_112 = arith.maxsi %sub3A_109, %max3A_111 : vector<16xi32>
      %min3A_113 = arith.constant 1 : i32
      %min3A_114 = vector.broadcast %min3A_113 : i32 to vector<16xi32>
      %min3A_115 = arith.minsi %max3A_112, %min3A_114 : vector<16xi32>
      %mul3A_116 = arith.muli %min3A_107, %min3A_115 : vector<16xi32>
      %iota3A = tpu.iota {dimensions = array<i32: 0>} : vector<16xi32>
      %mul3A_117 = arith.constant 16 : i32
      %mul3A_118 = arith.muli %scan3A_91, %mul3A_117 : i32
      %add3A_119 = arith.constant 8192 : i32
      %add3A_120 = arith.addi %add3A_119, %mul3A_118 : i32
      %add3A_121 = vector.broadcast %add3A_120 : i32 to vector<16xi32>
      %add3A_122 = arith.addi %iota3A, %add3A_121 : vector<16xi32>
      %broadcast_in_dim3A = arith.constant true
      %broadcast_in_dim3A_123 = vector.broadcast %broadcast_in_dim3A : i1 to vector<16xi1>
      %masked_cumsum3A = tpu.scan <sum>, %mul3A_116 masked %broadcast_in_dim3A_123 : vector<16xi32>, vector<16xi1> -> vector<16xi32>
      %add3A_124 = vector.broadcast %scan3A_92 : i32 to vector<16xi32>
      %add3A_125 = arith.addi %add3A_124, %masked_cumsum3A : vector<16xi32>
      %sub3A_126 = arith.constant 1 : i32
      %sub3A_127 = vector.broadcast %sub3A_126 : i32 to vector<16xi32>
      %sub3A_128 = arith.subi %add3A_125, %sub3A_127 : vector<16xi32>
      %mul3A_129 = arith.muli %sub3A_128, %mul3A_116 : vector<16xi32>
      %iota3A_130 = tpu.iota {dimensions = array<i32: 0>} : vector<16xi32>
      %add3A_131 = arith.constant 2064 : i32
      %add3A_132 = vector.broadcast %add3A_131 : i32 to vector<16xi32>
      %add3A_133 = arith.addi %add3A_132, %iota3A_130 : vector<16xi32>
      %sub3A_134 = arith.constant 1 : i32
      %sub3A_135 = vector.broadcast %sub3A_134 : i32 to vector<16xi32>
      %sub3A_136 = arith.subi %sub3A_135, %mul3A_116 : vector<16xi32>
      %mul3A_137 = arith.muli %add3A_133, %sub3A_136 : vector<16xi32>
      %add3A_138 = arith.addi %mul3A_129, %mul3A_137 : vector<16xi32>
      tpu.vector_store_idx %arg10[%add3A_138], %get3A_96 : memref<2080xi32, #tpu.memory_space<vmem>>[vector<16xi32>], vector<16xi32>,
      tpu.vector_store_idx %arg11[%add3A_138], %add3A_122 : memref<2080xi32, #tpu.memory_space<vmem>>[vector<16xi32>], vector<16xi32>,
      %slice3A = vector.extract_strided_slice %masked_cumsum3A {offsets = [15], sizes = [1], strides = [1]} : vector<16xi32> to vector<1xi32>
      %squeeze3A = vector.extract %slice3A[0] : i32 from vector<1xi32>
      %add3A_139 = arith.addi %scan3A_92, %squeeze3A : i32
      scf.yield %add3A_139 : i32
    }
    %scan3A_54 = arith.constant 512 : i32
    "tpu.region"() ({
      %run_scoped3A = tpu.sem_alloc : memref<!tpu.dma_semaphore, #tpu.memory_space<semaphore_mem>>
      %dma_start3A_91 = arith.constant 16384 : i32
      %dma_start3A_92 = tpu.memref_slice %arg3[%dma_start3A_91] : memref<32768xi32, #tpu.memory_space<hbm>> -> memref<8192xi32, #tpu.memory_space<hbm>>
      %dma_start3A_93 = arith.constant 16384 : i32
      %dma_start3A_94 = tpu.memref_slice %arg3[%dma_start3A_93] : memref<32768xi32, #tpu.memory_space<hbm>> -> memref<8192xi32, #tpu.memory_space<hbm>>
      tpu.enqueue_dma source(%dma_start3A_94 : memref<8192xi32, #tpu.memory_space<hbm>>) target(%arg5 : memref<8192xi32, #tpu.memory_space<vmem>>) target_semaphore(%run_scoped3A : memref<!tpu.dma_semaphore, #tpu.memory_space<semaphore_mem>>)
      %dma_wait3A = arith.constant 16384 : i32
      %dma_wait3A_95 = tpu.memref_slice %arg3[%dma_wait3A] : memref<32768xi32, #tpu.memory_space<hbm>> -> memref<8192xi32, #tpu.memory_space<hbm>>
      %dma_wait3A_96 = arith.constant 16384 : i32
      %dma_wait3A_97 = tpu.memref_slice %arg3[%dma_wait3A_96] : memref<32768xi32, #tpu.memory_space<hbm>> -> memref<8192xi32, #tpu.memory_space<hbm>>
      tpu.wait_dma2 semaphore(%run_scoped3A : memref<!tpu.dma_semaphore, #tpu.memory_space<semaphore_mem>>) src(%dma_wait3A_97 : memref<8192xi32, #tpu.memory_space<hbm>>) dst(%arg5 : memref<8192xi32, #tpu.memory_space<vmem>>)
      tpu.yield
    }) : () -> ()
    %scan3A_55 = arith.constant 0 : i32
    %scan3A_56 = arith.constant 512 : i32
    %scan3A_57 = arith.addi %scan3A_55, %scan3A_56 : i32
    %scan3A_58 = arith.constant 1 : i32
    %scan3A_59 = scf.for %scan3A_91 = %scan3A_55 to %scan3A_57 step %scan3A_58 iter_args(%scan3A_92 = %scan3A_53) -> (i32)  : i32 {
      %mul3A_93 = arith.constant 16 : i32
      %mul3A_94 = arith.muli %scan3A_91, %mul3A_93 : i32
      %get3A_95 = arith.index_cast %mul3A_94 : i32 to index
      %get3A_96 = tpu.vector_load %arg5[%get3A_95] {strides = array<i32>} : memref<8192xi32, #tpu.memory_space<vmem>>, vector<16xi32>,
      %sub3A_97 = vector.broadcast %mul3A_15 : i32 to vector<16xi32>
      %sub3A_98 = arith.subi %get3A_96, %sub3A_97 : vector<16xi32>
      %add3A_99 = arith.constant 1 : i32
      %add3A_100 = vector.broadcast %add3A_99 : i32 to vector<16xi32>
      %add3A_101 = arith.addi %sub3A_98, %add3A_100 : vector<16xi32>
      %max3A_102 = arith.constant 0 : i32
      %max3A_103 = vector.broadcast %max3A_102 : i32 to vector<16xi32>
      %max3A_104 = arith.maxsi %add3A_101, %max3A_103 : vector<16xi32>
      %min3A_105 = arith.constant 1 : i32
      %min3A_106 = vector.broadcast %min3A_105 : i32 to vector<16xi32>
      %min3A_107 = arith.minsi %max3A_104, %min3A_106 : vector<16xi32>
      %sub3A_108 = vector.broadcast %add3A_24 : i32 to vector<16xi32>
      %sub3A_109 = arith.subi %sub3A_108, %get3A_96 : vector<16xi32>
      %max3A_110 = arith.constant 0 : i32
      %max3A_111 = vector.broadcast %max3A_110 : i32 to vector<16xi32>
      %max3A_112 = arith.maxsi %sub3A_109, %max3A_111 : vector<16xi32>
      %min3A_113 = arith.constant 1 : i32
      %min3A_114 = vector.broadcast %min3A_113 : i32 to vector<16xi32>
      %min3A_115 = arith.minsi %max3A_112, %min3A_114 : vector<16xi32>
      %mul3A_116 = arith.muli %min3A_107, %min3A_115 : vector<16xi32>
      %iota3A = tpu.iota {dimensions = array<i32: 0>} : vector<16xi32>
      %mul3A_117 = arith.constant 16 : i32
      %mul3A_118 = arith.muli %scan3A_91, %mul3A_117 : i32
      %add3A_119 = arith.constant 16384 : i32
      %add3A_120 = arith.addi %add3A_119, %mul3A_118 : i32
      %add3A_121 = vector.broadcast %add3A_120 : i32 to vector<16xi32>
      %add3A_122 = arith.addi %iota3A, %add3A_121 : vector<16xi32>
      %broadcast_in_dim3A = arith.constant true
      %broadcast_in_dim3A_123 = vector.broadcast %broadcast_in_dim3A : i1 to vector<16xi1>
      %masked_cumsum3A = tpu.scan <sum>, %mul3A_116 masked %broadcast_in_dim3A_123 : vector<16xi32>, vector<16xi1> -> vector<16xi32>
      %add3A_124 = vector.broadcast %scan3A_92 : i32 to vector<16xi32>
      %add3A_125 = arith.addi %add3A_124, %masked_cumsum3A : vector<16xi32>
      %sub3A_126 = arith.constant 1 : i32
      %sub3A_127 = vector.broadcast %sub3A_126 : i32 to vector<16xi32>
      %sub3A_128 = arith.subi %add3A_125, %sub3A_127 : vector<16xi32>
      %mul3A_129 = arith.muli %sub3A_128, %mul3A_116 : vector<16xi32>
      %iota3A_130 = tpu.iota {dimensions = array<i32: 0>} : vector<16xi32>
      %add3A_131 = arith.constant 2064 : i32
      %add3A_132 = vector.broadcast %add3A_131 : i32 to vector<16xi32>
      %add3A_133 = arith.addi %add3A_132, %iota3A_130 : vector<16xi32>
      %sub3A_134 = arith.constant 1 : i32
      %sub3A_135 = vector.broadcast %sub3A_134 : i32 to vector<16xi32>
      %sub3A_136 = arith.subi %sub3A_135, %mul3A_116 : vector<16xi32>
      %mul3A_137 = arith.muli %add3A_133, %sub3A_136 : vector<16xi32>
      %add3A_138 = arith.addi %mul3A_129, %mul3A_137 : vector<16xi32>
      tpu.vector_store_idx %arg10[%add3A_138], %get3A_96 : memref<2080xi32, #tpu.memory_space<vmem>>[vector<16xi32>], vector<16xi32>,
      tpu.vector_store_idx %arg11[%add3A_138], %add3A_122 : memref<2080xi32, #tpu.memory_space<vmem>>[vector<16xi32>], vector<16xi32>,
      %slice3A = vector.extract_strided_slice %masked_cumsum3A {offsets = [15], sizes = [1], strides = [1]} : vector<16xi32> to vector<1xi32>
      %squeeze3A = vector.extract %slice3A[0] : i32 from vector<1xi32>
      %add3A_139 = arith.addi %scan3A_92, %squeeze3A : i32
      scf.yield %add3A_139 : i32
    }
    %scan3A_60 = arith.constant 512 : i32
    "tpu.region"() ({
      %run_scoped3A = tpu.sem_alloc : memref<!tpu.dma_semaphore, #tpu.memory_space<semaphore_mem>>
      %dma_start3A_91 = arith.constant 24576 : i32
      %dma_start3A_92 = tpu.memref_slice %arg3[%dma_start3A_91] : memref<32768xi32, #tpu.memory_space<hbm>> -> memref<8192xi32, #tpu.memory_space<hbm>>
      %dma_start3A_93 = arith.constant 24576 : i32
      %dma_start3A_94 = tpu.memref_slice %arg3[%dma_start3A_93] : memref<32768xi32, #tpu.memory_space<hbm>> -> memref<8192xi32, #tpu.memory_space<hbm>>
      tpu.enqueue_dma source(%dma_start3A_94 : memref<8192xi32, #tpu.memory_space<hbm>>) target(%arg5 : memref<8192xi32, #tpu.memory_space<vmem>>) target_semaphore(%run_scoped3A : memref<!tpu.dma_semaphore, #tpu.memory_space<semaphore_mem>>)
      %dma_wait3A = arith.constant 24576 : i32
      %dma_wait3A_95 = tpu.memref_slice %arg3[%dma_wait3A] : memref<32768xi32, #tpu.memory_space<hbm>> -> memref<8192xi32, #tpu.memory_space<hbm>>
      %dma_wait3A_96 = arith.constant 24576 : i32
      %dma_wait3A_97 = tpu.memref_slice %arg3[%dma_wait3A_96] : memref<32768xi32, #tpu.memory_space<hbm>> -> memref<8192xi32, #tpu.memory_space<hbm>>
      tpu.wait_dma2 semaphore(%run_scoped3A : memref<!tpu.dma_semaphore, #tpu.memory_space<semaphore_mem>>) src(%dma_wait3A_97 : memref<8192xi32, #tpu.memory_space<hbm>>) dst(%arg5 : memref<8192xi32, #tpu.memory_space<vmem>>)
      tpu.yield
    }) : () -> ()
    %scan3A_61 = arith.constant 0 : i32
    %scan3A_62 = arith.constant 512 : i32
    %scan3A_63 = arith.addi %scan3A_61, %scan3A_62 : i32
    %scan3A_64 = arith.constant 1 : i32
    %scan3A_65 = scf.for %scan3A_91 = %scan3A_61 to %scan3A_63 step %scan3A_64 iter_args(%scan3A_92 = %scan3A_59) -> (i32)  : i32 {
      %mul3A_93 = arith.constant 16 : i32
      %mul3A_94 = arith.muli %scan3A_91, %mul3A_93 : i32
      %get3A_95 = arith.index_cast %mul3A_94 : i32 to index
      %get3A_96 = tpu.vector_load %arg5[%get3A_95] {strides = array<i32>} : memref<8192xi32, #tpu.memory_space<vmem>>, vector<16xi32>,
      %sub3A_97 = vector.broadcast %mul3A_15 : i32 to vector<16xi32>
      %sub3A_98 = arith.subi %get3A_96, %sub3A_97 : vector<16xi32>
      %add3A_99 = arith.constant 1 : i32
      %add3A_100 = vector.broadcast %add3A_99 : i32 to vector<16xi32>
      %add3A_101 = arith.addi %sub3A_98, %add3A_100 : vector<16xi32>
      %max3A_102 = arith.constant 0 : i32
      %max3A_103 = vector.broadcast %max3A_102 : i32 to vector<16xi32>
      %max3A_104 = arith.maxsi %add3A_101, %max3A_103 : vector<16xi32>
      %min3A_105 = arith.constant 1 : i32
      %min3A_106 = vector.broadcast %min3A_105 : i32 to vector<16xi32>
      %min3A_107 = arith.minsi %max3A_104, %min3A_106 : vector<16xi32>
      %sub3A_108 = vector.broadcast %add3A_24 : i32 to vector<16xi32>
      %sub3A_109 = arith.subi %sub3A_108, %get3A_96 : vector<16xi32>
      %max3A_110 = arith.constant 0 : i32
      %max3A_111 = vector.broadcast %max3A_110 : i32 to vector<16xi32>
      %max3A_112 = arith.maxsi %sub3A_109, %max3A_111 : vector<16xi32>
      %min3A_113 = arith.constant 1 : i32
      %min3A_114 = vector.broadcast %min3A_113 : i32 to vector<16xi32>
      %min3A_115 = arith.minsi %max3A_112, %min3A_114 : vector<16xi32>
      %mul3A_116 = arith.muli %min3A_107, %min3A_115 : vector<16xi32>
      %iota3A = tpu.iota {dimensions = array<i32: 0>} : vector<16xi32>
      %mul3A_117 = arith.constant 16 : i32
      %mul3A_118 = arith.muli %scan3A_91, %mul3A_117 : i32
      %add3A_119 = arith.constant 24576 : i32
      %add3A_120 = arith.addi %add3A_119, %mul3A_118 : i32
      %add3A_121 = vector.broadcast %add3A_120 : i32 to vector<16xi32>
      %add3A_122 = arith.addi %iota3A, %add3A_121 : vector<16xi32>
      %broadcast_in_dim3A = arith.constant true
      %broadcast_in_dim3A_123 = vector.broadcast %broadcast_in_dim3A : i1 to vector<16xi1>
      %masked_cumsum3A = tpu.scan <sum>, %mul3A_116 masked %broadcast_in_dim3A_123 : vector<16xi32>, vector<16xi1> -> vector<16xi32>
      %add3A_124 = vector.broadcast %scan3A_92 : i32 to vector<16xi32>
      %add3A_125 = arith.addi %add3A_124, %masked_cumsum3A : vector<16xi32>
      %sub3A_126 = arith.constant 1 : i32
      %sub3A_127 = vector.broadcast %sub3A_126 : i32 to vector<16xi32>
      %sub3A_128 = arith.subi %add3A_125, %sub3A_127 : vector<16xi32>
      %mul3A_129 = arith.muli %sub3A_128, %mul3A_116 : vector<16xi32>
      %iota3A_130 = tpu.iota {dimensions = array<i32: 0>} : vector<16xi32>
      %add3A_131 = arith.constant 2064 : i32
      %add3A_132 = vector.broadcast %add3A_131 : i32 to vector<16xi32>
      %add3A_133 = arith.addi %add3A_132, %iota3A_130 : vector<16xi32>
      %sub3A_134 = arith.constant 1 : i32
      %sub3A_135 = vector.broadcast %sub3A_134 : i32 to vector<16xi32>
      %sub3A_136 = arith.subi %sub3A_135, %mul3A_116 : vector<16xi32>
      %mul3A_137 = arith.muli %add3A_133, %sub3A_136 : vector<16xi32>
      %add3A_138 = arith.addi %mul3A_129, %mul3A_137 : vector<16xi32>
      tpu.vector_store_idx %arg10[%add3A_138], %get3A_96 : memref<2080xi32, #tpu.memory_space<vmem>>[vector<16xi32>], vector<16xi32>,
      tpu.vector_store_idx %arg11[%add3A_138], %add3A_122 : memref<2080xi32, #tpu.memory_space<vmem>>[vector<16xi32>], vector<16xi32>,
      %slice3A = vector.extract_strided_slice %masked_cumsum3A {offsets = [15], sizes = [1], strides = [1]} : vector<16xi32> to vector<1xi32>
      %squeeze3A = vector.extract %slice3A[0] : i32 from vector<1xi32>
      %add3A_139 = arith.addi %scan3A_92, %squeeze3A : i32
      scf.yield %add3A_139 : i32
    }
    %scan3A_66 = arith.constant 512 : i32
    %add3A_67 = arith.constant 15 : i32
    %add3A_68 = arith.addi %scan3A_65, %add3A_67 : i32
    %shift_right_logical3A = arith.constant 4 : i32
    %shift_right_logical3A_69 = arith.shrui %add3A_68, %shift_right_logical3A : i32
    %scan3A_70 = arith.constant 0 : i32
    %scan3A_71 = arith.constant 0 : i32
    %scan3A_72 = arith.constant 21 : i32
    %scan3A_73 = arith.addi %scan3A_71, %scan3A_72 : i32
    %scan3A_74 = arith.constant 1 : i32
    scf.for %scan3A_91 = %scan3A_71 to %scan3A_73 step %scan3A_74  : i32 {
      %mul3A_92 = arith.constant 3 : i32
      %mul3A_93 = arith.muli %scan3A_91, %mul3A_92 : i32
      %lt3A = arith.cmpi slt, %mul3A_93, %add3A_6 : i32
      %convert_element_type3A_94 = arith.extui %lt3A : i1 to i32
      %cond3A_95 = arith.constant 0 : i32
      %cond3A_96 = arith.cmpi ne, %convert_element_type3A_94, %cond3A_95 : i32
      scf.if %cond3A_96 {
        %mul3A_109 = arith.constant 512 : i32
        %mul3A_110 = arith.muli %mul3A_93, %mul3A_109 : i32
        %add3A_111 = arith.addi %mul3A_15, %mul3A_110 : i32
        %dma_wait3A = arith.constant 0 : i32
        %dma_wait3A_112 = tpu.memref_slice %arg2[%dma_wait3A, %add3A_111] : memref<64x1000000xf32, #tpu.memory_space<hbm>> -> memref<64x512xf32, #tpu.memory_space<hbm>>
        %dma_wait3A_113 = arith.constant 0 : i32
        %dma_wait3A_114 = tpu.memref_slice %arg2[%dma_wait3A_113, %add3A_111] : memref<64x1000000xf32, #tpu.memory_space<hbm>> -> memref<64x512xf32, #tpu.memory_space<hbm>>
        tpu.wait_dma2 semaphore(%arg16 : memref<!tpu.dma_semaphore, #tpu.memory_space<semaphore_mem>>) src(%dma_wait3A_114 : memref<64x512xf32, #tpu.memory_space<hbm>>) dst(%arg6 : memref<64x512xf32, #tpu.memory_space<vmem>>)
        %while3A_115 = arith.constant 0 : i32
        %while3A_116 = arith.constant 0 : i32
        %while3A_117 = arith.subi %shift_right_logical3A_69, %while3A_115 : i32
        %while3A_118 = arith.addi %while3A_115, %while3A_117 : i32
        %while3A_119 = arith.constant 1 : i32
        %while3A_120 = arith.divsi %while3A_117, %while3A_119 : i32
        %while3A_121 = arith.muli %while3A_120, %while3A_119 : i32
        %while3A_122 = arith.addi %while3A_115, %while3A_121 : i32
        %while3A_123 = arith.constant 1 : i32
        %while3A_124 = scf.for %while3A_143 = %while3A_115 to %while3A_122 step %while3A_123 iter_args(%while3A_144 = %while3A_116) -> (i32)  : i32 {
          %mul3A_145 = arith.constant 16 : i32
          %mul3A_146 = arith.muli %while3A_143, %mul3A_145 : i32
          %get3A_147 = arith.index_cast %mul3A_146 : i32 to index
          %get3A_148 = tpu.vector_load %arg10[%get3A_147] {strides = array<i32>} : memref<2080xi32, #tpu.memory_space<vmem>>, vector<16xi32>,
          %mul3A_149 = arith.constant 16 : i32
          %mul3A_150 = arith.muli %while3A_143, %mul3A_149 : i32
          %get3A_151 = arith.index_cast %mul3A_150 : i32 to index
          %get3A_152 = tpu.vector_load %arg11[%get3A_151] {strides = array<i32>} : memref<2080xi32, #tpu.memory_space<vmem>>, vector<16xi32>,
          %add3A_153 = arith.constant 512 : i32
          %add3A_154 = arith.addi %add3A_111, %add3A_153 : i32
          %sub3A_155 = vector.broadcast %add3A_111 : i32 to vector<16xi32>
          %sub3A_156 = arith.subi %get3A_148, %sub3A_155 : vector<16xi32>
          %add3A_157 = arith.constant 1 : i32
          %add3A_158 = vector.broadcast %add3A_157 : i32 to vector<16xi32>
          %add3A_159 = arith.addi %sub3A_156, %add3A_158 : vector<16xi32>
          %max3A_160 = arith.constant 0 : i32
          %max3A_161 = vector.broadcast %max3A_160 : i32 to vector<16xi32>
          %max3A_162 = arith.maxsi %add3A_159, %max3A_161 : vector<16xi32>
          %min3A_163 = arith.constant 1 : i32
          %min3A_164 = vector.broadcast %min3A_163 : i32 to vector<16xi32>
          %min3A_165 = arith.minsi %max3A_162, %min3A_164 : vector<16xi32>
          %sub3A_166 = vector.broadcast %add3A_154 : i32 to vector<16xi32>
          %sub3A_167 = arith.subi %sub3A_166, %get3A_148 : vector<16xi32>
          %max3A_168 = arith.constant 0 : i32
          %max3A_169 = vector.broadcast %max3A_168 : i32 to vector<16xi32>
          %max3A_170 = arith.maxsi %sub3A_167, %max3A_169 : vector<16xi32>
          %min3A_171 = arith.constant 1 : i32
          %min3A_172 = vector.broadcast %min3A_171 : i32 to vector<16xi32>
          %min3A_173 = arith.minsi %max3A_170, %min3A_172 : vector<16xi32>
          %mul3A_174 = arith.muli %min3A_165, %min3A_173 : vector<16xi32>
          %iota3A = tpu.iota {dimensions = array<i32: 0>} : vector<16xi32>
          %mul3A_175 = arith.constant 16 : i32
          %mul3A_176 = arith.muli %while3A_143, %mul3A_175 : i32
          %add3A_177 = vector.broadcast %mul3A_176 : i32 to vector<16xi32>
          %add3A_178 = arith.addi %iota3A, %add3A_177 : vector<16xi32>
          %sub3A_179 = arith.constant 0 : i32
          %sub3A_180 = vector.broadcast %sub3A_179 : i32 to vector<16xi32>
          %sub3A_181 = arith.subi %add3A_178, %sub3A_180 : vector<16xi32>
          %add3A_182 = arith.constant 1 : i32
          %add3A_183 = vector.broadcast %add3A_182 : i32 to vector<16xi32>
          %add3A_184 = arith.addi %sub3A_181, %add3A_183 : vector<16xi32>
          %max3A_185 = arith.constant 0 : i32
          %max3A_186 = vector.broadcast %max3A_185 : i32 to vector<16xi32>
          %max3A_187 = arith.maxsi %add3A_184, %max3A_186 : vector<16xi32>
          %min3A_188 = arith.constant 1 : i32
          %min3A_189 = vector.broadcast %min3A_188 : i32 to vector<16xi32>
          %min3A_190 = arith.minsi %max3A_187, %min3A_189 : vector<16xi32>
          %sub3A_191 = vector.broadcast %scan3A_65 : i32 to vector<16xi32>
          %sub3A_192 = arith.subi %sub3A_191, %add3A_178 : vector<16xi32>
          %max3A_193 = arith.constant 0 : i32
          %max3A_194 = vector.broadcast %max3A_193 : i32 to vector<16xi32>
          %max3A_195 = arith.maxsi %sub3A_192, %max3A_194 : vector<16xi32>
          %min3A_196 = arith.constant 1 : i32
          %min3A_197 = vector.broadcast %min3A_196 : i32 to vector<16xi32>
          %min3A_198 = arith.minsi %max3A_195, %min3A_197 : vector<16xi32>
          %mul3A_199 = arith.muli %min3A_190, %min3A_198 : vector<16xi32>
          %mul3A_200 = arith.muli %mul3A_174, %mul3A_199 : vector<16xi32>
          %broadcast_in_dim3A = arith.constant true
          %broadcast_in_dim3A_201 = vector.broadcast %broadcast_in_dim3A : i1 to vector<16xi1>
          %masked_cumsum3A = tpu.scan <sum>, %mul3A_200 masked %broadcast_in_dim3A_201 : vector<16xi32>, vector<16xi1> -> vector<16xi32>
          %add3A_202 = vector.broadcast %while3A_144 : i32 to vector<16xi32>
          %add3A_203 = arith.addi %add3A_202, %masked_cumsum3A : vector<16xi32>
          %sub3A_204 = arith.constant 1 : i32
          %sub3A_205 = vector.broadcast %sub3A_204 : i32 to vector<16xi32>
          %sub3A_206 = arith.subi %add3A_203, %sub3A_205 : vector<16xi32>
          %mul3A_207 = arith.muli %sub3A_206, %mul3A_200 : vector<16xi32>
          %iota3A_208 = tpu.iota {dimensions = array<i32: 0>} : vector<16xi32>
          %add3A_209 = arith.constant 544 : i32
          %add3A_210 = vector.broadcast %add3A_209 : i32 to vector<16xi32>
          %add3A_211 = arith.addi %add3A_210, %iota3A_208 : vector<16xi32>
          %sub3A_212 = arith.constant 1 : i32
          %sub3A_213 = vector.broadcast %sub3A_212 : i32 to vector<16xi32>
          %sub3A_214 = arith.subi %sub3A_213, %mul3A_200 : vector<16xi32>
          %mul3A_215 = arith.muli %add3A_211, %sub3A_214 : vector<16xi32>
          %add3A_216 = arith.addi %mul3A_207, %mul3A_215 : vector<16xi32>
          tpu.vector_store_idx %arg12[%add3A_216], %get3A_148 : memref<560xi32, #tpu.memory_space<vmem>>[vector<16xi32>], vector<16xi32>,
          tpu.vector_store_idx %arg13[%add3A_216], %get3A_152 : memref<560xi32, #tpu.memory_space<vmem>>[vector<16xi32>], vector<16xi32>,
          %slice3A = vector.extract_strided_slice %masked_cumsum3A {offsets = [15], sizes = [1], strides = [1]} : vector<16xi32> to vector<1xi32>
          %squeeze3A = vector.extract %slice3A[0] : i32 from vector<1xi32>
          %add3A_217 = arith.addi %while3A_144, %squeeze3A : i32
          scf.yield %add3A_217 : i32
        }
        %while3A_125 = arith.constant 1 : i32
        %while3A_126 = scf.for %while3A_143 = %while3A_122 to %while3A_118 step %while3A_125 iter_args(%while3A_144 = %while3A_124) -> (i32)  : i32 {
          %mul3A_145 = arith.constant 16 : i32
          %mul3A_146 = arith.muli %while3A_143, %mul3A_145 : i32
          %get3A_147 = arith.index_cast %mul3A_146 : i32 to index
          %get3A_148 = tpu.vector_load %arg10[%get3A_147] {strides = array<i32>} : memref<2080xi32, #tpu.memory_space<vmem>>, vector<16xi32>,
          %mul3A_149 = arith.constant 16 : i32
          %mul3A_150 = arith.muli %while3A_143, %mul3A_149 : i32
          %get3A_151 = arith.index_cast %mul3A_150 : i32 to index
          %get3A_152 = tpu.vector_load %arg11[%get3A_151] {strides = array<i32>} : memref<2080xi32, #tpu.memory_space<vmem>>, vector<16xi32>,
          %add3A_153 = arith.constant 512 : i32
          %add3A_154 = arith.addi %add3A_111, %add3A_153 : i32
          %sub3A_155 = vector.broadcast %add3A_111 : i32 to vector<16xi32>
          %sub3A_156 = arith.subi %get3A_148, %sub3A_155 : vector<16xi32>
          %add3A_157 = arith.constant 1 : i32
          %add3A_158 = vector.broadcast %add3A_157 : i32 to vector<16xi32>
          %add3A_159 = arith.addi %sub3A_156, %add3A_158 : vector<16xi32>
          %max3A_160 = arith.constant 0 : i32
          %max3A_161 = vector.broadcast %max3A_160 : i32 to vector<16xi32>
          %max3A_162 = arith.maxsi %add3A_159, %max3A_161 : vector<16xi32>
          %min3A_163 = arith.constant 1 : i32
          %min3A_164 = vector.broadcast %min3A_163 : i32 to vector<16xi32>
          %min3A_165 = arith.minsi %max3A_162, %min3A_164 : vector<16xi32>
          %sub3A_166 = vector.broadcast %add3A_154 : i32 to vector<16xi32>
          %sub3A_167 = arith.subi %sub3A_166, %get3A_148 : vector<16xi32>
          %max3A_168 = arith.constant 0 : i32
          %max3A_169 = vector.broadcast %max3A_168 : i32 to vector<16xi32>
          %max3A_170 = arith.maxsi %sub3A_167, %max3A_169 : vector<16xi32>
          %min3A_171 = arith.constant 1 : i32
          %min3A_172 = vector.broadcast %min3A_171 : i32 to vector<16xi32>
          %min3A_173 = arith.minsi %max3A_170, %min3A_172 : vector<16xi32>
          %mul3A_174 = arith.muli %min3A_165, %min3A_173 : vector<16xi32>
          %iota3A = tpu.iota {dimensions = array<i32: 0>} : vector<16xi32>
          %mul3A_175 = arith.constant 16 : i32
          %mul3A_176 = arith.muli %while3A_143, %mul3A_175 : i32
          %add3A_177 = vector.broadcast %mul3A_176 : i32 to vector<16xi32>
          %add3A_178 = arith.addi %iota3A, %add3A_177 : vector<16xi32>
          %sub3A_179 = arith.constant 0 : i32
          %sub3A_180 = vector.broadcast %sub3A_179 : i32 to vector<16xi32>
          %sub3A_181 = arith.subi %add3A_178, %sub3A_180 : vector<16xi32>
          %add3A_182 = arith.constant 1 : i32
          %add3A_183 = vector.broadcast %add3A_182 : i32 to vector<16xi32>
          %add3A_184 = arith.addi %sub3A_181, %add3A_183 : vector<16xi32>
          %max3A_185 = arith.constant 0 : i32
          %max3A_186 = vector.broadcast %max3A_185 : i32 to vector<16xi32>
          %max3A_187 = arith.maxsi %add3A_184, %max3A_186 : vector<16xi32>
          %min3A_188 = arith.constant 1 : i32
          %min3A_189 = vector.broadcast %min3A_188 : i32 to vector<16xi32>
          %min3A_190 = arith.minsi %max3A_187, %min3A_189 : vector<16xi32>
          %sub3A_191 = vector.broadcast %scan3A_65 : i32 to vector<16xi32>
          %sub3A_192 = arith.subi %sub3A_191, %add3A_178 : vector<16xi32>
          %max3A_193 = arith.constant 0 : i32
          %max3A_194 = vector.broadcast %max3A_193 : i32 to vector<16xi32>
          %max3A_195 = arith.maxsi %sub3A_192, %max3A_194 : vector<16xi32>
          %min3A_196 = arith.constant 1 : i32
          %min3A_197 = vector.broadcast %min3A_196 : i32 to vector<16xi32>
          %min3A_198 = arith.minsi %max3A_195, %min3A_197 : vector<16xi32>
          %mul3A_199 = arith.muli %min3A_190, %min3A_198 : vector<16xi32>
          %mul3A_200 = arith.muli %mul3A_174, %mul3A_199 : vector<16xi32>
          %broadcast_in_dim3A = arith.constant true
          %broadcast_in_dim3A_201 = vector.broadcast %broadcast_in_dim3A : i1 to vector<16xi1>
          %masked_cumsum3A = tpu.scan <sum>, %mul3A_200 masked %broadcast_in_dim3A_201 : vector<16xi32>, vector<16xi1> -> vector<16xi32>
          %add3A_202 = vector.broadcast %while3A_144 : i32 to vector<16xi32>
          %add3A_203 = arith.addi %add3A_202, %masked_cumsum3A : vector<16xi32>
          %sub3A_204 = arith.constant 1 : i32
          %sub3A_205 = vector.broadcast %sub3A_204 : i32 to vector<16xi32>
          %sub3A_206 = arith.subi %add3A_203, %sub3A_205 : vector<16xi32>
          %mul3A_207 = arith.muli %sub3A_206, %mul3A_200 : vector<16xi32>
          %iota3A_208 = tpu.iota {dimensions = array<i32: 0>} : vector<16xi32>
          %add3A_209 = arith.constant 544 : i32
          %add3A_210 = vector.broadcast %add3A_209 : i32 to vector<16xi32>
          %add3A_211 = arith.addi %add3A_210, %iota3A_208 : vector<16xi32>
          %sub3A_212 = arith.constant 1 : i32
          %sub3A_213 = vector.broadcast %sub3A_212 : i32 to vector<16xi32>
          %sub3A_214 = arith.subi %sub3A_213, %mul3A_200 : vector<16xi32>
          %mul3A_215 = arith.muli %add3A_211, %sub3A_214 : vector<16xi32>
          %add3A_216 = arith.addi %mul3A_207, %mul3A_215 : vector<16xi32>
          tpu.vector_store_idx %arg12[%add3A_216], %get3A_148 : memref<560xi32, #tpu.memory_space<vmem>>[vector<16xi32>], vector<16xi32>,
          tpu.vector_store_idx %arg13[%add3A_216], %get3A_152 : memref<560xi32, #tpu.memory_space<vmem>>[vector<16xi32>], vector<16xi32>,
          %slice3A = vector.extract_strided_slice %masked_cumsum3A {offsets = [15], sizes = [1], strides = [1]} : vector<16xi32> to vector<1xi32>
          %squeeze3A = vector.extract %slice3A[0] : i32 from vector<1xi32>
          %add3A_217 = arith.addi %while3A_144, %squeeze3A : i32
          scf.yield %add3A_217 : i32
        }
        %while3A_127 = arith.constant 0 : i32
        %while3A_128 = arith.constant 0 : i32
        %while3A_129 = arith.subi %while3A_126, %while3A_128 : i32
        %while3A_130 = arith.addi %while3A_128, %while3A_129 : i32
        %while3A_131 = arith.constant 1 : i32
        %while3A_132 = arith.divsi %while3A_129, %while3A_131 : i32
        %while3A_133 = arith.muli %while3A_132, %while3A_131 : i32
        %while3A_134 = arith.addi %while3A_128, %while3A_133 : i32
        %while3A_135 = arith.constant 1 : i32
        scf.for %while3A_143 = %while3A_128 to %while3A_134 step %while3A_135  : i32 {
          %get3A_144 = arith.index_cast %while3A_143 : i32 to index
          %get3A_145 = tpu.vector_load %arg12[%get3A_144] {strides = array<i32>} : memref<560xi32, #tpu.memory_space<vmem>>, vector<16xi32>,
          %slice3A = vector.extract_strided_slice %get3A_145 {offsets = [0], sizes = [1], strides = [1]} : vector<16xi32> to vector<1xi32>
          %squeeze3A = vector.extract %slice3A[0] : i32 from vector<1xi32>
          %get3A_146 = arith.index_cast %while3A_143 : i32 to index
          %get3A_147 = tpu.vector_load %arg13[%get3A_146] {strides = array<i32>} : memref<560xi32, #tpu.memory_space<vmem>>, vector<16xi32>,
          %slice3A_148 = vector.extract_strided_slice %get3A_147 {offsets = [0], sizes = [1], strides = [1]} : vector<16xi32> to vector<1xi32>
          %squeeze3A_149 = vector.extract %slice3A_148[0] : i32 from vector<1xi32>
          %sub3A_150 = arith.subi %squeeze3A, %add3A_111 : i32
          %get3A_151 = arith.constant 0 : i32
          %get3A_152 = arith.index_cast %get3A_151 : i32 to index
          %get3A_153 = memref.load %arg15[%get3A_152] : memref<1xi32, #tpu.memory_space<smem>>
          %and3A = arith.constant 15 : i32
          %and3A_154 = arith.andi %get3A_153, %and3A : i32
          %ge3A = arith.constant 16 : i32
          %ge3A_155 = arith.cmpi sge, %get3A_153, %ge3A : i32
          %convert_element_type3A_156 = arith.extui %ge3A_155 : i1 to i32
          %cond3A_157 = arith.constant 0 : i32
          %cond3A_158 = arith.cmpi ne, %convert_element_type3A_156, %cond3A_157 : i32
          scf.if %cond3A_158 {
            %dma_wait3A_217 = arith.constant 0 : i32
            %dma_wait3A_218 = tpu.memref_slice %arg14[%dma_wait3A_217] : memref<2048xf32, #tpu.memory_space<vmem>> -> memref<128xf32, #tpu.memory_space<vmem>>
            %dma_wait3A_219 = arith.constant 0 : i32
            %dma_wait3A_220 = tpu.memref_slice %arg4[%dma_wait3A_219] : memref<4194304xf32, #tpu.memory_space<hbm>> -> memref<128xf32, #tpu.memory_space<hbm>>
            %dma_wait3A_221 = arith.constant 0 : i32
            %dma_wait3A_222 = tpu.memref_slice %arg14[%dma_wait3A_221] : memref<2048xf32, #tpu.memory_space<vmem>> -> memref<128xf32, #tpu.memory_space<vmem>>
            %dma_wait3A_223 = arith.constant 0 : i32
            %dma_wait3A_224 = tpu.memref_slice %arg4[%dma_wait3A_223] : memref<4194304xf32, #tpu.memory_space<hbm>> -> memref<128xf32, #tpu.memory_space<hbm>>
            tpu.wait_dma2 semaphore(%arg17 : memref<!tpu.dma_semaphore, #tpu.memory_space<semaphore_mem>>) src(%dma_wait3A_224 : memref<128xf32, #tpu.memory_space<hbm>>) dst(%dma_wait3A_222 : memref<128xf32, #tpu.memory_space<vmem>>)
          } else {
          }
          %iota3A = tpu.iota {dimensions = array<i32: 0>} : vector<16xi32>
          %add3A_159 = arith.constant 0 : i32
          %add3A_160 = vector.broadcast %add3A_159 : i32 to vector<16xi32>
          %add3A_161 = arith.addi %iota3A, %add3A_160 : vector<16xi32>
          %broadcast_in_dim3A = vector.broadcast %sub3A_150 : i32 to vector<16xi32>
          %gather3A = tpu.vector_load_idx %arg6[%add3A_161, %broadcast_in_dim3A] : memref<64x512xf32, #tpu.memory_space<vmem>>[vector<16xi32>, vector<16xi32>], vector<16xf32>,
          %mul3A_162 = arith.constant 128 : i32
          %mul3A_163 = arith.muli %and3A_154, %mul3A_162 : i32
          %add3A_164 = arith.constant 0 : i32
          %add3A_165 = arith.addi %mul3A_163, %add3A_164 : i32
          %swap3A_166 = arith.index_cast %add3A_165 : i32 to index
          %swap3A_167 = tpu.vector_load %arg14[%swap3A_166] {strides = array<i32>} : memref<2048xf32, #tpu.memory_space<vmem>>, vector<16xf32>,
          tpu.vector_store %arg14[%swap3A_166], %gather3A {strides = array<i32>} : memref<2048xf32, #tpu.memory_space<vmem>>, vector<16xf32>,
          %iota3A_168 = tpu.iota {dimensions = array<i32: 0>} : vector<16xi32>
          %add3A_169 = arith.constant 16 : i32
          %add3A_170 = vector.broadcast %add3A_169 : i32 to vector<16xi32>
          %add3A_171 = arith.addi %iota3A_168, %add3A_170 : vector<16xi32>
          %broadcast_in_dim3A_172 = vector.broadcast %sub3A_150 : i32 to vector<16xi32>
          %gather3A_173 = tpu.vector_load_idx %arg6[%add3A_171, %broadcast_in_dim3A_172] : memref<64x512xf32, #tpu.memory_space<vmem>>[vector<16xi32>, vector<16xi32>], vector<16xf32>,
          %mul3A_174 = arith.constant 128 : i32
          %mul3A_175 = arith.muli %and3A_154, %mul3A_174 : i32
          %add3A_176 = arith.constant 16 : i32
          %add3A_177 = arith.addi %mul3A_175, %add3A_176 : i32
          %swap3A_178 = arith.index_cast %add3A_177 : i32 to index
          %swap3A_179 = tpu.vector_load %arg14[%swap3A_178] {strides = array<i32>} : memref<2048xf32, #tpu.memory_space<vmem>>, vector<16xf32>,
          tpu.vector_store %arg14[%swap3A_178], %gather3A_173 {strides = array<i32>} : memref<2048xf32, #tpu.memory_space<vmem>>, vector<16xf32>,
          %iota3A_180 = tpu.iota {dimensions = array<i32: 0>} : vector<16xi32>
          %add3A_181 = arith.constant 32 : i32
          %add3A_182 = vector.broadcast %add3A_181 : i32 to vector<16xi32>
          %add3A_183 = arith.addi %iota3A_180, %add3A_182 : vector<16xi32>
          %broadcast_in_dim3A_184 = vector.broadcast %sub3A_150 : i32 to vector<16xi32>
          %gather3A_185 = tpu.vector_load_idx %arg6[%add3A_183, %broadcast_in_dim3A_184] : memref<64x512xf32, #tpu.memory_space<vmem>>[vector<16xi32>, vector<16xi32>], vector<16xf32>,
          %mul3A_186 = arith.constant 128 : i32
          %mul3A_187 = arith.muli %and3A_154, %mul3A_186 : i32
          %add3A_188 = arith.constant 32 : i32
          %add3A_189 = arith.addi %mul3A_187, %add3A_188 : i32
          %swap3A_190 = arith.index_cast %add3A_189 : i32 to index
          %swap3A_191 = tpu.vector_load %arg14[%swap3A_190] {strides = array<i32>} : memref<2048xf32, #tpu.memory_space<vmem>>, vector<16xf32>,
          tpu.vector_store %arg14[%swap3A_190], %gather3A_185 {strides = array<i32>} : memref<2048xf32, #tpu.memory_space<vmem>>, vector<16xf32>,
          %iota3A_192 = tpu.iota {dimensions = array<i32: 0>} : vector<16xi32>
          %add3A_193 = arith.constant 48 : i32
          %add3A_194 = vector.broadcast %add3A_193 : i32 to vector<16xi32>
          %add3A_195 = arith.addi %iota3A_192, %add3A_194 : vector<16xi32>
          %broadcast_in_dim3A_196 = vector.broadcast %sub3A_150 : i32 to vector<16xi32>
          %gather3A_197 = tpu.vector_load_idx %arg6[%add3A_195, %broadcast_in_dim3A_196] : memref<64x512xf32, #tpu.memory_space<vmem>>[vector<16xi32>, vector<16xi32>], vector<16xf32>,
          %mul3A_198 = arith.constant 128 : i32
          %mul3A_199 = arith.muli %and3A_154, %mul3A_198 : i32
          %add3A_200 = arith.constant 48 : i32
          %add3A_201 = arith.addi %mul3A_199, %add3A_200 : i32
          %swap3A_202 = arith.index_cast %add3A_201 : i32 to index
          %swap3A_203 = tpu.vector_load %arg14[%swap3A_202] {strides = array<i32>} : memref<2048xf32, #tpu.memory_space<vmem>>, vector<16xf32>,
          tpu.vector_store %arg14[%swap3A_202], %gather3A_197 {strides = array<i32>} : memref<2048xf32, #tpu.memory_space<vmem>>, vector<16xf32>,
          %mul3A_204 = arith.constant 128 : i32
          %mul3A_205 = arith.muli %and3A_154, %mul3A_204 : i32
          %mul3A_206 = arith.constant 128 : i32
          %mul3A_207 = arith.muli %squeeze3A_149, %mul3A_206 : i32
          %dma_start3A_208 = tpu.memref_slice %arg14[%mul3A_205] : memref<2048xf32, #tpu.memory_space<vmem>> -> memref<128xf32, #tpu.memory_space<vmem>>
          %dma_start3A_209 = tpu.memref_slice %arg4[%mul3A_207] : memref<4194304xf32, #tpu.memory_space<hbm>> -> memref<128xf32, #tpu.memory_space<hbm>>
          %dma_start3A_210 = tpu.memref_slice %arg4[%mul3A_207] : memref<4194304xf32, #tpu.memory_space<hbm>> -> memref<128xf32, #tpu.memory_space<hbm>>
          %dma_start3A_211 = tpu.memref_slice %arg14[%mul3A_205] : memref<2048xf32, #tpu.memory_space<vmem>> -> memref<128xf32, #tpu.memory_space<vmem>>
          tpu.enqueue_dma source(%dma_start3A_211 : memref<128xf32, #tpu.memory_space<vmem>>) target(%dma_start3A_210 : memref<128xf32, #tpu.memory_space<hbm>>) target_semaphore(%arg17 : memref<!tpu.dma_semaphore, #tpu.memory_space<semaphore_mem>>)
          %add3A_212 = arith.constant 1 : i32
          %add3A_213 = arith.addi %get3A_153, %add3A_212 : i32
          %swap3A_214 = arith.constant 0 : i32
          %swap3A_215 = arith.index_cast %swap3A_214 : i32 to index
          %swap3A_216 = memref.load %arg15[%swap3A_215] : memref<1xi32, #tpu.memory_space<smem>>
          memref.store %add3A_213, %arg15[%swap3A_215] : memref<1xi32, #tpu.memory_space<smem>>
        }
        %while3A_136 = arith.constant 1 : i32
        scf.for %while3A_143 = %while3A_134 to %while3A_130 step %while3A_136  : i32 {
          %get3A_144 = arith.index_cast %while3A_143 : i32 to index
          %get3A_145 = tpu.vector_load %arg12[%get3A_144] {strides = array<i32>} : memref<560xi32, #tpu.memory_space<vmem>>, vector<16xi32>,
          %slice3A = vector.extract_strided_slice %get3A_145 {offsets = [0], sizes = [1], strides = [1]} : vector<16xi32> to vector<1xi32>
          %squeeze3A = vector.extract %slice3A[0] : i32 from vector<1xi32>
          %get3A_146 = arith.index_cast %while3A_143 : i32 to index
          %get3A_147 = tpu.vector_load %arg13[%get3A_146] {strides = array<i32>} : memref<560xi32, #tpu.memory_space<vmem>>, vector<16xi32>,
          %slice3A_148 = vector.extract_strided_slice %get3A_147 {offsets = [0], sizes = [1], strides = [1]} : vector<16xi32> to vector<1xi32>
          %squeeze3A_149 = vector.extract %slice3A_148[0] : i32 from vector<1xi32>
          %sub3A_150 = arith.subi %squeeze3A, %add3A_111 : i32
          %get3A_151 = arith.constant 0 : i32
          %get3A_152 = arith.index_cast %get3A_151 : i32 to index
          %get3A_153 = memref.load %arg15[%get3A_152] : memref<1xi32, #tpu.memory_space<smem>>
          %and3A = arith.constant 15 : i32
          %and3A_154 = arith.andi %get3A_153, %and3A : i32
          %ge3A = arith.constant 16 : i32
          %ge3A_155 = arith.cmpi sge, %get3A_153, %ge3A : i32
          %convert_element_type3A_156 = arith.extui %ge3A_155 : i1 to i32
          %cond3A_157 = arith.constant 0 : i32
          %cond3A_158 = arith.cmpi ne, %convert_element_type3A_156, %cond3A_157 : i32
          scf.if %cond3A_158 {
            %dma_wait3A_217 = arith.constant 0 : i32
            %dma_wait3A_218 = tpu.memref_slice %arg14[%dma_wait3A_217] : memref<2048xf32, #tpu.memory_space<vmem>> -> memref<128xf32, #tpu.memory_space<vmem>>
            %dma_wait3A_219 = arith.constant 0 : i32
            %dma_wait3A_220 = tpu.memref_slice %arg4[%dma_wait3A_219] : memref<4194304xf32, #tpu.memory_space<hbm>> -> memref<128xf32, #tpu.memory_space<hbm>>
            %dma_wait3A_221 = arith.constant 0 : i32
            %dma_wait3A_222 = tpu.memref_slice %arg14[%dma_wait3A_221] : memref<2048xf32, #tpu.memory_space<vmem>> -> memref<128xf32, #tpu.memory_space<vmem>>
            %dma_wait3A_223 = arith.constant 0 : i32
            %dma_wait3A_224 = tpu.memref_slice %arg4[%dma_wait3A_223] : memref<4194304xf32, #tpu.memory_space<hbm>> -> memref<128xf32, #tpu.memory_space<hbm>>
            tpu.wait_dma2 semaphore(%arg17 : memref<!tpu.dma_semaphore, #tpu.memory_space<semaphore_mem>>) src(%dma_wait3A_224 : memref<128xf32, #tpu.memory_space<hbm>>) dst(%dma_wait3A_222 : memref<128xf32, #tpu.memory_space<vmem>>)
          } else {
          }
          %iota3A = tpu.iota {dimensions = array<i32: 0>} : vector<16xi32>
          %add3A_159 = arith.constant 0 : i32
          %add3A_160 = vector.broadcast %add3A_159 : i32 to vector<16xi32>
          %add3A_161 = arith.addi %iota3A, %add3A_160 : vector<16xi32>
          %broadcast_in_dim3A = vector.broadcast %sub3A_150 : i32 to vector<16xi32>
          %gather3A = tpu.vector_load_idx %arg6[%add3A_161, %broadcast_in_dim3A] : memref<64x512xf32, #tpu.memory_space<vmem>>[vector<16xi32>, vector<16xi32>], vector<16xf32>,
          %mul3A_162 = arith.constant 128 : i32
          %mul3A_163 = arith.muli %and3A_154, %mul3A_162 : i32
          %add3A_164 = arith.constant 0 : i32
          %add3A_165 = arith.addi %mul3A_163, %add3A_164 : i32
          %swap3A_166 = arith.index_cast %add3A_165 : i32 to index
          %swap3A_167 = tpu.vector_load %arg14[%swap3A_166] {strides = array<i32>} : memref<2048xf32, #tpu.memory_space<vmem>>, vector<16xf32>,
          tpu.vector_store %arg14[%swap3A_166], %gather3A {strides = array<i32>} : memref<2048xf32, #tpu.memory_space<vmem>>, vector<16xf32>,
          %iota3A_168 = tpu.iota {dimensions = array<i32: 0>} : vector<16xi32>
          %add3A_169 = arith.constant 16 : i32
          %add3A_170 = vector.broadcast %add3A_169 : i32 to vector<16xi32>
          %add3A_171 = arith.addi %iota3A_168, %add3A_170 : vector<16xi32>
          %broadcast_in_dim3A_172 = vector.broadcast %sub3A_150 : i32 to vector<16xi32>
          %gather3A_173 = tpu.vector_load_idx %arg6[%add3A_171, %broadcast_in_dim3A_172] : memref<64x512xf32, #tpu.memory_space<vmem>>[vector<16xi32>, vector<16xi32>], vector<16xf32>,
          %mul3A_174 = arith.constant 128 : i32
          %mul3A_175 = arith.muli %and3A_154, %mul3A_174 : i32
          %add3A_176 = arith.constant 16 : i32
          %add3A_177 = arith.addi %mul3A_175, %add3A_176 : i32
          %swap3A_178 = arith.index_cast %add3A_177 : i32 to index
          %swap3A_179 = tpu.vector_load %arg14[%swap3A_178] {strides = array<i32>} : memref<2048xf32, #tpu.memory_space<vmem>>, vector<16xf32>,
          tpu.vector_store %arg14[%swap3A_178], %gather3A_173 {strides = array<i32>} : memref<2048xf32, #tpu.memory_space<vmem>>, vector<16xf32>,
          %iota3A_180 = tpu.iota {dimensions = array<i32: 0>} : vector<16xi32>
          %add3A_181 = arith.constant 32 : i32
          %add3A_182 = vector.broadcast %add3A_181 : i32 to vector<16xi32>
          %add3A_183 = arith.addi %iota3A_180, %add3A_182 : vector<16xi32>
          %broadcast_in_dim3A_184 = vector.broadcast %sub3A_150 : i32 to vector<16xi32>
          %gather3A_185 = tpu.vector_load_idx %arg6[%add3A_183, %broadcast_in_dim3A_184] : memref<64x512xf32, #tpu.memory_space<vmem>>[vector<16xi32>, vector<16xi32>], vector<16xf32>,
          %mul3A_186 = arith.constant 128 : i32
          %mul3A_187 = arith.muli %and3A_154, %mul3A_186 : i32
          %add3A_188 = arith.constant 32 : i32
          %add3A_189 = arith.addi %mul3A_187, %add3A_188 : i32
          %swap3A_190 = arith.index_cast %add3A_189 : i32 to index
          %swap3A_191 = tpu.vector_load %arg14[%swap3A_190] {strides = array<i32>} : memref<2048xf32, #tpu.memory_space<vmem>>, vector<16xf32>,
          tpu.vector_store %arg14[%swap3A_190], %gather3A_185 {strides = array<i32>} : memref<2048xf32, #tpu.memory_space<vmem>>, vector<16xf32>,
          %iota3A_192 = tpu.iota {dimensions = array<i32: 0>} : vector<16xi32>
          %add3A_193 = arith.constant 48 : i32
          %add3A_194 = vector.broadcast %add3A_193 : i32 to vector<16xi32>
          %add3A_195 = arith.addi %iota3A_192, %add3A_194 : vector<16xi32>
          %broadcast_in_dim3A_196 = vector.broadcast %sub3A_150 : i32 to vector<16xi32>
          %gather3A_197 = tpu.vector_load_idx %arg6[%add3A_195, %broadcast_in_dim3A_196] : memref<64x512xf32, #tpu.memory_space<vmem>>[vector<16xi32>, vector<16xi32>], vector<16xf32>,
          %mul3A_198 = arith.constant 128 : i32
          %mul3A_199 = arith.muli %and3A_154, %mul3A_198 : i32
          %add3A_200 = arith.constant 48 : i32
          %add3A_201 = arith.addi %mul3A_199, %add3A_200 : i32
          %swap3A_202 = arith.index_cast %add3A_201 : i32 to index
          %swap3A_203 = tpu.vector_load %arg14[%swap3A_202] {strides = array<i32>} : memref<2048xf32, #tpu.memory_space<vmem>>, vector<16xf32>,
          tpu.vector_store %arg14[%swap3A_202], %gather3A_197 {strides = array<i32>} : memref<2048xf32, #tpu.memory_space<vmem>>, vector<16xf32>,
          %mul3A_204 = arith.constant 128 : i32
          %mul3A_205 = arith.muli %and3A_154, %mul3A_204 : i32
          %mul3A_206 = arith.constant 128 : i32
          %mul3A_207 = arith.muli %squeeze3A_149, %mul3A_206 : i32
          %dma_start3A_208 = tpu.memref_slice %arg14[%mul3A_205] : memref<2048xf32, #tpu.memory_space<vmem>> -> memref<128xf32, #tpu.memory_space<vmem>>
          %dma_start3A_209 = tpu.memref_slice %arg4[%mul3A_207] : memref<4194304xf32, #tpu.memory_space<hbm>> -> memref<128xf32, #tpu.memory_space<hbm>>
          %dma_start3A_210 = tpu.memref_slice %arg4[%mul3A_207] : memref<4194304xf32, #tpu.memory_space<hbm>> -> memref<128xf32, #tpu.memory_space<hbm>>
          %dma_start3A_211 = tpu.memref_slice %arg14[%mul3A_205] : memref<2048xf32, #tpu.memory_space<vmem>> -> memref<128xf32, #tpu.memory_space<vmem>>
          tpu.enqueue_dma source(%dma_start3A_211 : memref<128xf32, #tpu.memory_space<vmem>>) target(%dma_start3A_210 : memref<128xf32, #tpu.memory_space<hbm>>) target_semaphore(%arg17 : memref<!tpu.dma_semaphore, #tpu.memory_space<semaphore_mem>>)
          %add3A_212 = arith.constant 1 : i32
          %add3A_213 = arith.addi %get3A_153, %add3A_212 : i32
          %swap3A_214 = arith.constant 0 : i32
          %swap3A_215 = arith.index_cast %swap3A_214 : i32 to index
          %swap3A_216 = memref.load %arg15[%swap3A_215] : memref<1xi32, #tpu.memory_space<smem>>
          memref.store %add3A_213, %arg15[%swap3A_215] : memref<1xi32, #tpu.memory_space<smem>>
        }
        %add3A_137 = arith.constant 3 : i32
        %add3A_138 = arith.addi %mul3A_93, %add3A_137 : i32
        %lt3A_139 = arith.cmpi slt, %add3A_138, %add3A_6 : i32
        %convert_element_type3A_140 = arith.extui %lt3A_139 : i1 to i32
        %cond3A_141 = arith.constant 0 : i32
        %cond3A_142 = arith.cmpi ne, %convert_element_type3A_140, %cond3A_141 : i32
        scf.if %cond3A_142 {
          %add3A_143 = arith.constant 1536 : i32
          %add3A_144 = arith.addi %add3A_111, %add3A_143 : i32
          %dma_start3A_145 = arith.constant 0 : i32
          %dma_start3A_146 = tpu.memref_slice %arg2[%dma_start3A_145, %add3A_144] : memref<64x1000000xf32, #tpu.memory_space<hbm>> -> memref<64x512xf32, #tpu.memory_space<hbm>>
          %dma_start3A_147 = arith.constant 0 : i32
          %dma_start3A_148 = tpu.memref_slice %arg2[%dma_start3A_147, %add3A_144] : memref<64x1000000xf32, #tpu.memory_space<hbm>> -> memref<64x512xf32, #tpu.memory_space<hbm>>
          tpu.enqueue_dma source(%dma_start3A_148 : memref<64x512xf32, #tpu.memory_space<hbm>>) target(%arg6 : memref<64x512xf32, #tpu.memory_space<vmem>>) target_semaphore(%arg16 : memref<!tpu.dma_semaphore, #tpu.memory_space<semaphore_mem>>)
        } else {
        }
      } else {
      }
      %add3A_97 = arith.constant 1 : i32
      %add3A_98 = arith.addi %mul3A_93, %add3A_97 : i32
      %lt3A_99 = arith.cmpi slt, %add3A_98, %add3A_6 : i32
      %convert_element_type3A_100 = arith.extui %lt3A_99 : i1 to i32
      %cond3A_101 = arith.constant 0 : i32
      %cond3A_102 = arith.cmpi ne, %convert_element_type3A_100, %cond3A_101 : i32
      scf.if %cond3A_102 {
        %add3A_109 = arith.constant 1 : i32
        %add3A_110 = arith.addi %mul3A_93, %add3A_109 : i32
        %mul3A_111 = arith.constant 512 : i32
        %mul3A_112 = arith.muli %add3A_110, %mul3A_111 : i32
        %add3A_113 = arith.addi %mul3A_15, %mul3A_112 : i32
        %dma_wait3A = arith.constant 0 : i32
        %dma_wait3A_114 = tpu.memref_slice %arg2[%dma_wait3A, %add3A_113] : memref<64x1000000xf32, #tpu.memory_space<hbm>> -> memref<64x512xf32, #tpu.memory_space<hbm>>
        %dma_wait3A_115 = arith.constant 0 : i32
        %dma_wait3A_116 = tpu.memref_slice %arg2[%dma_wait3A_115, %add3A_113] : memref<64x1000000xf32, #tpu.memory_space<hbm>> -> memref<64x512xf32, #tpu.memory_space<hbm>>
        tpu.wait_dma2 semaphore(%arg16 : memref<!tpu.dma_semaphore, #tpu.memory_space<semaphore_mem>>) src(%dma_wait3A_116 : memref<64x512xf32, #tpu.memory_space<hbm>>) dst(%arg7 : memref<64x512xf32, #tpu.memory_space<vmem>>)
        %while3A_117 = arith.constant 0 : i32
        %while3A_118 = arith.constant 0 : i32
        %while3A_119 = arith.subi %shift_right_logical3A_69, %while3A_117 : i32
        %while3A_120 = arith.addi %while3A_117, %while3A_119 : i32
        %while3A_121 = arith.constant 1 : i32
        %while3A_122 = arith.divsi %while3A_119, %while3A_121 : i32
        %while3A_123 = arith.muli %while3A_122, %while3A_121 : i32
        %while3A_124 = arith.addi %while3A_117, %while3A_123 : i32
        %while3A_125 = arith.constant 1 : i32
        %while3A_126 = scf.for %while3A_145 = %while3A_117 to %while3A_124 step %while3A_125 iter_args(%while3A_146 = %while3A_118) -> (i32)  : i32 {
          %mul3A_147 = arith.constant 16 : i32
          %mul3A_148 = arith.muli %while3A_145, %mul3A_147 : i32
          %get3A_149 = arith.index_cast %mul3A_148 : i32 to index
          %get3A_150 = tpu.vector_load %arg10[%get3A_149] {strides = array<i32>} : memref<2080xi32, #tpu.memory_space<vmem>>, vector<16xi32>,
          %mul3A_151 = arith.constant 16 : i32
          %mul3A_152 = arith.muli %while3A_145, %mul3A_151 : i32
          %get3A_153 = arith.index_cast %mul3A_152 : i32 to index
          %get3A_154 = tpu.vector_load %arg11[%get3A_153] {strides = array<i32>} : memref<2080xi32, #tpu.memory_space<vmem>>, vector<16xi32>,
          %add3A_155 = arith.constant 512 : i32
          %add3A_156 = arith.addi %add3A_113, %add3A_155 : i32
          %sub3A_157 = vector.broadcast %add3A_113 : i32 to vector<16xi32>
          %sub3A_158 = arith.subi %get3A_150, %sub3A_157 : vector<16xi32>
          %add3A_159 = arith.constant 1 : i32
          %add3A_160 = vector.broadcast %add3A_159 : i32 to vector<16xi32>
          %add3A_161 = arith.addi %sub3A_158, %add3A_160 : vector<16xi32>
          %max3A_162 = arith.constant 0 : i32
          %max3A_163 = vector.broadcast %max3A_162 : i32 to vector<16xi32>
          %max3A_164 = arith.maxsi %add3A_161, %max3A_163 : vector<16xi32>
          %min3A_165 = arith.constant 1 : i32
          %min3A_166 = vector.broadcast %min3A_165 : i32 to vector<16xi32>
          %min3A_167 = arith.minsi %max3A_164, %min3A_166 : vector<16xi32>
          %sub3A_168 = vector.broadcast %add3A_156 : i32 to vector<16xi32>
          %sub3A_169 = arith.subi %sub3A_168, %get3A_150 : vector<16xi32>
          %max3A_170 = arith.constant 0 : i32
          %max3A_171 = vector.broadcast %max3A_170 : i32 to vector<16xi32>
          %max3A_172 = arith.maxsi %sub3A_169, %max3A_171 : vector<16xi32>
          %min3A_173 = arith.constant 1 : i32
          %min3A_174 = vector.broadcast %min3A_173 : i32 to vector<16xi32>
          %min3A_175 = arith.minsi %max3A_172, %min3A_174 : vector<16xi32>
          %mul3A_176 = arith.muli %min3A_167, %min3A_175 : vector<16xi32>
          %iota3A = tpu.iota {dimensions = array<i32: 0>} : vector<16xi32>
          %mul3A_177 = arith.constant 16 : i32
          %mul3A_178 = arith.muli %while3A_145, %mul3A_177 : i32
          %add3A_179 = vector.broadcast %mul3A_178 : i32 to vector<16xi32>
          %add3A_180 = arith.addi %iota3A, %add3A_179 : vector<16xi32>
          %sub3A_181 = arith.constant 0 : i32
          %sub3A_182 = vector.broadcast %sub3A_181 : i32 to vector<16xi32>
          %sub3A_183 = arith.subi %add3A_180, %sub3A_182 : vector<16xi32>
          %add3A_184 = arith.constant 1 : i32
          %add3A_185 = vector.broadcast %add3A_184 : i32 to vector<16xi32>
          %add3A_186 = arith.addi %sub3A_183, %add3A_185 : vector<16xi32>
          %max3A_187 = arith.constant 0 : i32
          %max3A_188 = vector.broadcast %max3A_187 : i32 to vector<16xi32>
          %max3A_189 = arith.maxsi %add3A_186, %max3A_188 : vector<16xi32>
          %min3A_190 = arith.constant 1 : i32
          %min3A_191 = vector.broadcast %min3A_190 : i32 to vector<16xi32>
          %min3A_192 = arith.minsi %max3A_189, %min3A_191 : vector<16xi32>
          %sub3A_193 = vector.broadcast %scan3A_65 : i32 to vector<16xi32>
          %sub3A_194 = arith.subi %sub3A_193, %add3A_180 : vector<16xi32>
          %max3A_195 = arith.constant 0 : i32
          %max3A_196 = vector.broadcast %max3A_195 : i32 to vector<16xi32>
          %max3A_197 = arith.maxsi %sub3A_194, %max3A_196 : vector<16xi32>
          %min3A_198 = arith.constant 1 : i32
          %min3A_199 = vector.broadcast %min3A_198 : i32 to vector<16xi32>
          %min3A_200 = arith.minsi %max3A_197, %min3A_199 : vector<16xi32>
          %mul3A_201 = arith.muli %min3A_192, %min3A_200 : vector<16xi32>
          %mul3A_202 = arith.muli %mul3A_176, %mul3A_201 : vector<16xi32>
          %broadcast_in_dim3A = arith.constant true
          %broadcast_in_dim3A_203 = vector.broadcast %broadcast_in_dim3A : i1 to vector<16xi1>
          %masked_cumsum3A = tpu.scan <sum>, %mul3A_202 masked %broadcast_in_dim3A_203 : vector<16xi32>, vector<16xi1> -> vector<16xi32>
          %add3A_204 = vector.broadcast %while3A_146 : i32 to vector<16xi32>
          %add3A_205 = arith.addi %add3A_204, %masked_cumsum3A : vector<16xi32>
          %sub3A_206 = arith.constant 1 : i32
          %sub3A_207 = vector.broadcast %sub3A_206 : i32 to vector<16xi32>
          %sub3A_208 = arith.subi %add3A_205, %sub3A_207 : vector<16xi32>
          %mul3A_209 = arith.muli %sub3A_208, %mul3A_202 : vector<16xi32>
          %iota3A_210 = tpu.iota {dimensions = array<i32: 0>} : vector<16xi32>
          %add3A_211 = arith.constant 544 : i32
          %add3A_212 = vector.broadcast %add3A_211 : i32 to vector<16xi32>
          %add3A_213 = arith.addi %add3A_212, %iota3A_210 : vector<16xi32>
          %sub3A_214 = arith.constant 1 : i32
          %sub3A_215 = vector.broadcast %sub3A_214 : i32 to vector<16xi32>
          %sub3A_216 = arith.subi %sub3A_215, %mul3A_202 : vector<16xi32>
          %mul3A_217 = arith.muli %add3A_213, %sub3A_216 : vector<16xi32>
          %add3A_218 = arith.addi %mul3A_209, %mul3A_217 : vector<16xi32>
          tpu.vector_store_idx %arg12[%add3A_218], %get3A_150 : memref<560xi32, #tpu.memory_space<vmem>>[vector<16xi32>], vector<16xi32>,
          tpu.vector_store_idx %arg13[%add3A_218], %get3A_154 : memref<560xi32, #tpu.memory_space<vmem>>[vector<16xi32>], vector<16xi32>,
          %slice3A = vector.extract_strided_slice %masked_cumsum3A {offsets = [15], sizes = [1], strides = [1]} : vector<16xi32> to vector<1xi32>
          %squeeze3A = vector.extract %slice3A[0] : i32 from vector<1xi32>
          %add3A_219 = arith.addi %while3A_146, %squeeze3A : i32
          scf.yield %add3A_219 : i32
        }
        %while3A_127 = arith.constant 1 : i32
        %while3A_128 = scf.for %while3A_145 = %while3A_124 to %while3A_120 step %while3A_127 iter_args(%while3A_146 = %while3A_126) -> (i32)  : i32 {
          %mul3A_147 = arith.constant 16 : i32
          %mul3A_148 = arith.muli %while3A_145, %mul3A_147 : i32
          %get3A_149 = arith.index_cast %mul3A_148 : i32 to index
          %get3A_150 = tpu.vector_load %arg10[%get3A_149] {strides = array<i32>} : memref<2080xi32, #tpu.memory_space<vmem>>, vector<16xi32>,
          %mul3A_151 = arith.constant 16 : i32
          %mul3A_152 = arith.muli %while3A_145, %mul3A_151 : i32
          %get3A_153 = arith.index_cast %mul3A_152 : i32 to index
          %get3A_154 = tpu.vector_load %arg11[%get3A_153] {strides = array<i32>} : memref<2080xi32, #tpu.memory_space<vmem>>, vector<16xi32>,
          %add3A_155 = arith.constant 512 : i32
          %add3A_156 = arith.addi %add3A_113, %add3A_155 : i32
          %sub3A_157 = vector.broadcast %add3A_113 : i32 to vector<16xi32>
          %sub3A_158 = arith.subi %get3A_150, %sub3A_157 : vector<16xi32>
          %add3A_159 = arith.constant 1 : i32
          %add3A_160 = vector.broadcast %add3A_159 : i32 to vector<16xi32>
          %add3A_161 = arith.addi %sub3A_158, %add3A_160 : vector<16xi32>
          %max3A_162 = arith.constant 0 : i32
          %max3A_163 = vector.broadcast %max3A_162 : i32 to vector<16xi32>
          %max3A_164 = arith.maxsi %add3A_161, %max3A_163 : vector<16xi32>
          %min3A_165 = arith.constant 1 : i32
          %min3A_166 = vector.broadcast %min3A_165 : i32 to vector<16xi32>
          %min3A_167 = arith.minsi %max3A_164, %min3A_166 : vector<16xi32>
          %sub3A_168 = vector.broadcast %add3A_156 : i32 to vector<16xi32>
          %sub3A_169 = arith.subi %sub3A_168, %get3A_150 : vector<16xi32>
          %max3A_170 = arith.constant 0 : i32
          %max3A_171 = vector.broadcast %max3A_170 : i32 to vector<16xi32>
          %max3A_172 = arith.maxsi %sub3A_169, %max3A_171 : vector<16xi32>
          %min3A_173 = arith.constant 1 : i32
          %min3A_174 = vector.broadcast %min3A_173 : i32 to vector<16xi32>
          %min3A_175 = arith.minsi %max3A_172, %min3A_174 : vector<16xi32>
          %mul3A_176 = arith.muli %min3A_167, %min3A_175 : vector<16xi32>
          %iota3A = tpu.iota {dimensions = array<i32: 0>} : vector<16xi32>
          %mul3A_177 = arith.constant 16 : i32
          %mul3A_178 = arith.muli %while3A_145, %mul3A_177 : i32
          %add3A_179 = vector.broadcast %mul3A_178 : i32 to vector<16xi32>
          %add3A_180 = arith.addi %iota3A, %add3A_179 : vector<16xi32>
          %sub3A_181 = arith.constant 0 : i32
          %sub3A_182 = vector.broadcast %sub3A_181 : i32 to vector<16xi32>
          %sub3A_183 = arith.subi %add3A_180, %sub3A_182 : vector<16xi32>
          %add3A_184 = arith.constant 1 : i32
          %add3A_185 = vector.broadcast %add3A_184 : i32 to vector<16xi32>
          %add3A_186 = arith.addi %sub3A_183, %add3A_185 : vector<16xi32>
          %max3A_187 = arith.constant 0 : i32
          %max3A_188 = vector.broadcast %max3A_187 : i32 to vector<16xi32>
          %max3A_189 = arith.maxsi %add3A_186, %max3A_188 : vector<16xi32>
          %min3A_190 = arith.constant 1 : i32
          %min3A_191 = vector.broadcast %min3A_190 : i32 to vector<16xi32>
          %min3A_192 = arith.minsi %max3A_189, %min3A_191 : vector<16xi32>
          %sub3A_193 = vector.broadcast %scan3A_65 : i32 to vector<16xi32>
          %sub3A_194 = arith.subi %sub3A_193, %add3A_180 : vector<16xi32>
          %max3A_195 = arith.constant 0 : i32
          %max3A_196 = vector.broadcast %max3A_195 : i32 to vector<16xi32>
          %max3A_197 = arith.maxsi %sub3A_194, %max3A_196 : vector<16xi32>
          %min3A_198 = arith.constant 1 : i32
          %min3A_199 = vector.broadcast %min3A_198 : i32 to vector<16xi32>
          %min3A_200 = arith.minsi %max3A_197, %min3A_199 : vector<16xi32>
          %mul3A_201 = arith.muli %min3A_192, %min3A_200 : vector<16xi32>
          %mul3A_202 = arith.muli %mul3A_176, %mul3A_201 : vector<16xi32>
          %broadcast_in_dim3A = arith.constant true
          %broadcast_in_dim3A_203 = vector.broadcast %broadcast_in_dim3A : i1 to vector<16xi1>
          %masked_cumsum3A = tpu.scan <sum>, %mul3A_202 masked %broadcast_in_dim3A_203 : vector<16xi32>, vector<16xi1> -> vector<16xi32>
          %add3A_204 = vector.broadcast %while3A_146 : i32 to vector<16xi32>
          %add3A_205 = arith.addi %add3A_204, %masked_cumsum3A : vector<16xi32>
          %sub3A_206 = arith.constant 1 : i32
          %sub3A_207 = vector.broadcast %sub3A_206 : i32 to vector<16xi32>
          %sub3A_208 = arith.subi %add3A_205, %sub3A_207 : vector<16xi32>
          %mul3A_209 = arith.muli %sub3A_208, %mul3A_202 : vector<16xi32>
          %iota3A_210 = tpu.iota {dimensions = array<i32: 0>} : vector<16xi32>
          %add3A_211 = arith.constant 544 : i32
          %add3A_212 = vector.broadcast %add3A_211 : i32 to vector<16xi32>
          %add3A_213 = arith.addi %add3A_212, %iota3A_210 : vector<16xi32>
          %sub3A_214 = arith.constant 1 : i32
          %sub3A_215 = vector.broadcast %sub3A_214 : i32 to vector<16xi32>
          %sub3A_216 = arith.subi %sub3A_215, %mul3A_202 : vector<16xi32>
          %mul3A_217 = arith.muli %add3A_213, %sub3A_216 : vector<16xi32>
          %add3A_218 = arith.addi %mul3A_209, %mul3A_217 : vector<16xi32>
          tpu.vector_store_idx %arg12[%add3A_218], %get3A_150 : memref<560xi32, #tpu.memory_space<vmem>>[vector<16xi32>], vector<16xi32>,
          tpu.vector_store_idx %arg13[%add3A_218], %get3A_154 : memref<560xi32, #tpu.memory_space<vmem>>[vector<16xi32>], vector<16xi32>,
          %slice3A = vector.extract_strided_slice %masked_cumsum3A {offsets = [15], sizes = [1], strides = [1]} : vector<16xi32> to vector<1xi32>
          %squeeze3A = vector.extract %slice3A[0] : i32 from vector<1xi32>
          %add3A_219 = arith.addi %while3A_146, %squeeze3A : i32
          scf.yield %add3A_219 : i32
        }
        %while3A_129 = arith.constant 0 : i32
        %while3A_130 = arith.constant 0 : i32
        %while3A_131 = arith.subi %while3A_128, %while3A_130 : i32
        %while3A_132 = arith.addi %while3A_130, %while3A_131 : i32
        %while3A_133 = arith.constant 1 : i32
        %while3A_134 = arith.divsi %while3A_131, %while3A_133 : i32
        %while3A_135 = arith.muli %while3A_134, %while3A_133 : i32
        %while3A_136 = arith.addi %while3A_130, %while3A_135 : i32
        %while3A_137 = arith.constant 1 : i32
        scf.for %while3A_145 = %while3A_130 to %while3A_136 step %while3A_137  : i32 {
          %get3A_146 = arith.index_cast %while3A_145 : i32 to index
          %get3A_147 = tpu.vector_load %arg12[%get3A_146] {strides = array<i32>} : memref<560xi32, #tpu.memory_space<vmem>>, vector<16xi32>,
          %slice3A = vector.extract_strided_slice %get3A_147 {offsets = [0], sizes = [1], strides = [1]} : vector<16xi32> to vector<1xi32>
          %squeeze3A = vector.extract %slice3A[0] : i32 from vector<1xi32>
          %get3A_148 = arith.index_cast %while3A_145 : i32 to index
          %get3A_149 = tpu.vector_load %arg13[%get3A_148] {strides = array<i32>} : memref<560xi32, #tpu.memory_space<vmem>>, vector<16xi32>,
          %slice3A_150 = vector.extract_strided_slice %get3A_149 {offsets = [0], sizes = [1], strides = [1]} : vector<16xi32> to vector<1xi32>
          %squeeze3A_151 = vector.extract %slice3A_150[0] : i32 from vector<1xi32>
          %sub3A_152 = arith.subi %squeeze3A, %add3A_113 : i32
          %get3A_153 = arith.constant 0 : i32
          %get3A_154 = arith.index_cast %get3A_153 : i32 to index
          %get3A_155 = memref.load %arg15[%get3A_154] : memref<1xi32, #tpu.memory_space<smem>>
          %and3A = arith.constant 15 : i32
          %and3A_156 = arith.andi %get3A_155, %and3A : i32
          %ge3A = arith.constant 16 : i32
          %ge3A_157 = arith.cmpi sge, %get3A_155, %ge3A : i32
          %convert_element_type3A_158 = arith.extui %ge3A_157 : i1 to i32
          %cond3A_159 = arith.constant 0 : i32
          %cond3A_160 = arith.cmpi ne, %convert_element_type3A_158, %cond3A_159 : i32
          scf.if %cond3A_160 {
            %dma_wait3A_219 = arith.constant 0 : i32
            %dma_wait3A_220 = tpu.memref_slice %arg14[%dma_wait3A_219] : memref<2048xf32, #tpu.memory_space<vmem>> -> memref<128xf32, #tpu.memory_space<vmem>>
            %dma_wait3A_221 = arith.constant 0 : i32
            %dma_wait3A_222 = tpu.memref_slice %arg4[%dma_wait3A_221] : memref<4194304xf32, #tpu.memory_space<hbm>> -> memref<128xf32, #tpu.memory_space<hbm>>
            %dma_wait3A_223 = arith.constant 0 : i32
            %dma_wait3A_224 = tpu.memref_slice %arg14[%dma_wait3A_223] : memref<2048xf32, #tpu.memory_space<vmem>> -> memref<128xf32, #tpu.memory_space<vmem>>
            %dma_wait3A_225 = arith.constant 0 : i32
            %dma_wait3A_226 = tpu.memref_slice %arg4[%dma_wait3A_225] : memref<4194304xf32, #tpu.memory_space<hbm>> -> memref<128xf32, #tpu.memory_space<hbm>>
            tpu.wait_dma2 semaphore(%arg17 : memref<!tpu.dma_semaphore, #tpu.memory_space<semaphore_mem>>) src(%dma_wait3A_226 : memref<128xf32, #tpu.memory_space<hbm>>) dst(%dma_wait3A_224 : memref<128xf32, #tpu.memory_space<vmem>>)
          } else {
          }
          %iota3A = tpu.iota {dimensions = array<i32: 0>} : vector<16xi32>
          %add3A_161 = arith.constant 0 : i32
          %add3A_162 = vector.broadcast %add3A_161 : i32 to vector<16xi32>
          %add3A_163 = arith.addi %iota3A, %add3A_162 : vector<16xi32>
          %broadcast_in_dim3A = vector.broadcast %sub3A_152 : i32 to vector<16xi32>
          %gather3A = tpu.vector_load_idx %arg7[%add3A_163, %broadcast_in_dim3A] : memref<64x512xf32, #tpu.memory_space<vmem>>[vector<16xi32>, vector<16xi32>], vector<16xf32>,
          %mul3A_164 = arith.constant 128 : i32
          %mul3A_165 = arith.muli %and3A_156, %mul3A_164 : i32
          %add3A_166 = arith.constant 0 : i32
          %add3A_167 = arith.addi %mul3A_165, %add3A_166 : i32
          %swap3A_168 = arith.index_cast %add3A_167 : i32 to index
          %swap3A_169 = tpu.vector_load %arg14[%swap3A_168] {strides = array<i32>} : memref<2048xf32, #tpu.memory_space<vmem>>, vector<16xf32>,
          tpu.vector_store %arg14[%swap3A_168], %gather3A {strides = array<i32>} : memref<2048xf32, #tpu.memory_space<vmem>>, vector<16xf32>,
          %iota3A_170 = tpu.iota {dimensions = array<i32: 0>} : vector<16xi32>
          %add3A_171 = arith.constant 16 : i32
          %add3A_172 = vector.broadcast %add3A_171 : i32 to vector<16xi32>
          %add3A_173 = arith.addi %iota3A_170, %add3A_172 : vector<16xi32>
          %broadcast_in_dim3A_174 = vector.broadcast %sub3A_152 : i32 to vector<16xi32>
          %gather3A_175 = tpu.vector_load_idx %arg7[%add3A_173, %broadcast_in_dim3A_174] : memref<64x512xf32, #tpu.memory_space<vmem>>[vector<16xi32>, vector<16xi32>], vector<16xf32>,
          %mul3A_176 = arith.constant 128 : i32
          %mul3A_177 = arith.muli %and3A_156, %mul3A_176 : i32
          %add3A_178 = arith.constant 16 : i32
          %add3A_179 = arith.addi %mul3A_177, %add3A_178 : i32
          %swap3A_180 = arith.index_cast %add3A_179 : i32 to index
          %swap3A_181 = tpu.vector_load %arg14[%swap3A_180] {strides = array<i32>} : memref<2048xf32, #tpu.memory_space<vmem>>, vector<16xf32>,
          tpu.vector_store %arg14[%swap3A_180], %gather3A_175 {strides = array<i32>} : memref<2048xf32, #tpu.memory_space<vmem>>, vector<16xf32>,
          %iota3A_182 = tpu.iota {dimensions = array<i32: 0>} : vector<16xi32>
          %add3A_183 = arith.constant 32 : i32
          %add3A_184 = vector.broadcast %add3A_183 : i32 to vector<16xi32>
          %add3A_185 = arith.addi %iota3A_182, %add3A_184 : vector<16xi32>
          %broadcast_in_dim3A_186 = vector.broadcast %sub3A_152 : i32 to vector<16xi32>
          %gather3A_187 = tpu.vector_load_idx %arg7[%add3A_185, %broadcast_in_dim3A_186] : memref<64x512xf32, #tpu.memory_space<vmem>>[vector<16xi32>, vector<16xi32>], vector<16xf32>,
          %mul3A_188 = arith.constant 128 : i32
          %mul3A_189 = arith.muli %and3A_156, %mul3A_188 : i32
          %add3A_190 = arith.constant 32 : i32
          %add3A_191 = arith.addi %mul3A_189, %add3A_190 : i32
          %swap3A_192 = arith.index_cast %add3A_191 : i32 to index
          %swap3A_193 = tpu.vector_load %arg14[%swap3A_192] {strides = array<i32>} : memref<2048xf32, #tpu.memory_space<vmem>>, vector<16xf32>,
          tpu.vector_store %arg14[%swap3A_192], %gather3A_187 {strides = array<i32>} : memref<2048xf32, #tpu.memory_space<vmem>>, vector<16xf32>,
          %iota3A_194 = tpu.iota {dimensions = array<i32: 0>} : vector<16xi32>
          %add3A_195 = arith.constant 48 : i32
          %add3A_196 = vector.broadcast %add3A_195 : i32 to vector<16xi32>
          %add3A_197 = arith.addi %iota3A_194, %add3A_196 : vector<16xi32>
          %broadcast_in_dim3A_198 = vector.broadcast %sub3A_152 : i32 to vector<16xi32>
          %gather3A_199 = tpu.vector_load_idx %arg7[%add3A_197, %broadcast_in_dim3A_198] : memref<64x512xf32, #tpu.memory_space<vmem>>[vector<16xi32>, vector<16xi32>], vector<16xf32>,
          %mul3A_200 = arith.constant 128 : i32
          %mul3A_201 = arith.muli %and3A_156, %mul3A_200 : i32
          %add3A_202 = arith.constant 48 : i32
          %add3A_203 = arith.addi %mul3A_201, %add3A_202 : i32
          %swap3A_204 = arith.index_cast %add3A_203 : i32 to index
          %swap3A_205 = tpu.vector_load %arg14[%swap3A_204] {strides = array<i32>} : memref<2048xf32, #tpu.memory_space<vmem>>, vector<16xf32>,
          tpu.vector_store %arg14[%swap3A_204], %gather3A_199 {strides = array<i32>} : memref<2048xf32, #tpu.memory_space<vmem>>, vector<16xf32>,
          %mul3A_206 = arith.constant 128 : i32
          %mul3A_207 = arith.muli %and3A_156, %mul3A_206 : i32
          %mul3A_208 = arith.constant 128 : i32
          %mul3A_209 = arith.muli %squeeze3A_151, %mul3A_208 : i32
          %dma_start3A_210 = tpu.memref_slice %arg14[%mul3A_207] : memref<2048xf32, #tpu.memory_space<vmem>> -> memref<128xf32, #tpu.memory_space<vmem>>
          %dma_start3A_211 = tpu.memref_slice %arg4[%mul3A_209] : memref<4194304xf32, #tpu.memory_space<hbm>> -> memref<128xf32, #tpu.memory_space<hbm>>
          %dma_start3A_212 = tpu.memref_slice %arg4[%mul3A_209] : memref<4194304xf32, #tpu.memory_space<hbm>> -> memref<128xf32, #tpu.memory_space<hbm>>
          %dma_start3A_213 = tpu.memref_slice %arg14[%mul3A_207] : memref<2048xf32, #tpu.memory_space<vmem>> -> memref<128xf32, #tpu.memory_space<vmem>>
          tpu.enqueue_dma source(%dma_start3A_213 : memref<128xf32, #tpu.memory_space<vmem>>) target(%dma_start3A_212 : memref<128xf32, #tpu.memory_space<hbm>>) target_semaphore(%arg17 : memref<!tpu.dma_semaphore, #tpu.memory_space<semaphore_mem>>)
          %add3A_214 = arith.constant 1 : i32
          %add3A_215 = arith.addi %get3A_155, %add3A_214 : i32
          %swap3A_216 = arith.constant 0 : i32
          %swap3A_217 = arith.index_cast %swap3A_216 : i32 to index
          %swap3A_218 = memref.load %arg15[%swap3A_217] : memref<1xi32, #tpu.memory_space<smem>>
          memref.store %add3A_215, %arg15[%swap3A_217] : memref<1xi32, #tpu.memory_space<smem>>
        }
        %while3A_138 = arith.constant 1 : i32
        scf.for %while3A_145 = %while3A_136 to %while3A_132 step %while3A_138  : i32 {
          %get3A_146 = arith.index_cast %while3A_145 : i32 to index
          %get3A_147 = tpu.vector_load %arg12[%get3A_146] {strides = array<i32>} : memref<560xi32, #tpu.memory_space<vmem>>, vector<16xi32>,
          %slice3A = vector.extract_strided_slice %get3A_147 {offsets = [0], sizes = [1], strides = [1]} : vector<16xi32> to vector<1xi32>
          %squeeze3A = vector.extract %slice3A[0] : i32 from vector<1xi32>
          %get3A_148 = arith.index_cast %while3A_145 : i32 to index
          %get3A_149 = tpu.vector_load %arg13[%get3A_148] {strides = array<i32>} : memref<560xi32, #tpu.memory_space<vmem>>, vector<16xi32>,
          %slice3A_150 = vector.extract_strided_slice %get3A_149 {offsets = [0], sizes = [1], strides = [1]} : vector<16xi32> to vector<1xi32>
          %squeeze3A_151 = vector.extract %slice3A_150[0] : i32 from vector<1xi32>
          %sub3A_152 = arith.subi %squeeze3A, %add3A_113 : i32
          %get3A_153 = arith.constant 0 : i32
          %get3A_154 = arith.index_cast %get3A_153 : i32 to index
          %get3A_155 = memref.load %arg15[%get3A_154] : memref<1xi32, #tpu.memory_space<smem>>
          %and3A = arith.constant 15 : i32
          %and3A_156 = arith.andi %get3A_155, %and3A : i32
          %ge3A = arith.constant 16 : i32
          %ge3A_157 = arith.cmpi sge, %get3A_155, %ge3A : i32
          %convert_element_type3A_158 = arith.extui %ge3A_157 : i1 to i32
          %cond3A_159 = arith.constant 0 : i32
          %cond3A_160 = arith.cmpi ne, %convert_element_type3A_158, %cond3A_159 : i32
          scf.if %cond3A_160 {
            %dma_wait3A_219 = arith.constant 0 : i32
            %dma_wait3A_220 = tpu.memref_slice %arg14[%dma_wait3A_219] : memref<2048xf32, #tpu.memory_space<vmem>> -> memref<128xf32, #tpu.memory_space<vmem>>
            %dma_wait3A_221 = arith.constant 0 : i32
            %dma_wait3A_222 = tpu.memref_slice %arg4[%dma_wait3A_221] : memref<4194304xf32, #tpu.memory_space<hbm>> -> memref<128xf32, #tpu.memory_space<hbm>>
            %dma_wait3A_223 = arith.constant 0 : i32
            %dma_wait3A_224 = tpu.memref_slice %arg14[%dma_wait3A_223] : memref<2048xf32, #tpu.memory_space<vmem>> -> memref<128xf32, #tpu.memory_space<vmem>>
            %dma_wait3A_225 = arith.constant 0 : i32
            %dma_wait3A_226 = tpu.memref_slice %arg4[%dma_wait3A_225] : memref<4194304xf32, #tpu.memory_space<hbm>> -> memref<128xf32, #tpu.memory_space<hbm>>
            tpu.wait_dma2 semaphore(%arg17 : memref<!tpu.dma_semaphore, #tpu.memory_space<semaphore_mem>>) src(%dma_wait3A_226 : memref<128xf32, #tpu.memory_space<hbm>>) dst(%dma_wait3A_224 : memref<128xf32, #tpu.memory_space<vmem>>)
          } else {
          }
          %iota3A = tpu.iota {dimensions = array<i32: 0>} : vector<16xi32>
          %add3A_161 = arith.constant 0 : i32
          %add3A_162 = vector.broadcast %add3A_161 : i32 to vector<16xi32>
          %add3A_163 = arith.addi %iota3A, %add3A_162 : vector<16xi32>
          %broadcast_in_dim3A = vector.broadcast %sub3A_152 : i32 to vector<16xi32>
          %gather3A = tpu.vector_load_idx %arg7[%add3A_163, %broadcast_in_dim3A] : memref<64x512xf32, #tpu.memory_space<vmem>>[vector<16xi32>, vector<16xi32>], vector<16xf32>,
          %mul3A_164 = arith.constant 128 : i32
          %mul3A_165 = arith.muli %and3A_156, %mul3A_164 : i32
          %add3A_166 = arith.constant 0 : i32
          %add3A_167 = arith.addi %mul3A_165, %add3A_166 : i32
          %swap3A_168 = arith.index_cast %add3A_167 : i32 to index
          %swap3A_169 = tpu.vector_load %arg14[%swap3A_168] {strides = array<i32>} : memref<2048xf32, #tpu.memory_space<vmem>>, vector<16xf32>,
          tpu.vector_store %arg14[%swap3A_168], %gather3A {strides = array<i32>} : memref<2048xf32, #tpu.memory_space<vmem>>, vector<16xf32>,
          %iota3A_170 = tpu.iota {dimensions = array<i32: 0>} : vector<16xi32>
          %add3A_171 = arith.constant 16 : i32
          %add3A_172 = vector.broadcast %add3A_171 : i32 to vector<16xi32>
          %add3A_173 = arith.addi %iota3A_170, %add3A_172 : vector<16xi32>
          %broadcast_in_dim3A_174 = vector.broadcast %sub3A_152 : i32 to vector<16xi32>
          %gather3A_175 = tpu.vector_load_idx %arg7[%add3A_173, %broadcast_in_dim3A_174] : memref<64x512xf32, #tpu.memory_space<vmem>>[vector<16xi32>, vector<16xi32>], vector<16xf32>,
          %mul3A_176 = arith.constant 128 : i32
          %mul3A_177 = arith.muli %and3A_156, %mul3A_176 : i32
          %add3A_178 = arith.constant 16 : i32
          %add3A_179 = arith.addi %mul3A_177, %add3A_178 : i32
          %swap3A_180 = arith.index_cast %add3A_179 : i32 to index
          %swap3A_181 = tpu.vector_load %arg14[%swap3A_180] {strides = array<i32>} : memref<2048xf32, #tpu.memory_space<vmem>>, vector<16xf32>,
          tpu.vector_store %arg14[%swap3A_180], %gather3A_175 {strides = array<i32>} : memref<2048xf32, #tpu.memory_space<vmem>>, vector<16xf32>,
          %iota3A_182 = tpu.iota {dimensions = array<i32: 0>} : vector<16xi32>
          %add3A_183 = arith.constant 32 : i32
          %add3A_184 = vector.broadcast %add3A_183 : i32 to vector<16xi32>
          %add3A_185 = arith.addi %iota3A_182, %add3A_184 : vector<16xi32>
          %broadcast_in_dim3A_186 = vector.broadcast %sub3A_152 : i32 to vector<16xi32>
          %gather3A_187 = tpu.vector_load_idx %arg7[%add3A_185, %broadcast_in_dim3A_186] : memref<64x512xf32, #tpu.memory_space<vmem>>[vector<16xi32>, vector<16xi32>], vector<16xf32>,
          %mul3A_188 = arith.constant 128 : i32
          %mul3A_189 = arith.muli %and3A_156, %mul3A_188 : i32
          %add3A_190 = arith.constant 32 : i32
          %add3A_191 = arith.addi %mul3A_189, %add3A_190 : i32
          %swap3A_192 = arith.index_cast %add3A_191 : i32 to index
          %swap3A_193 = tpu.vector_load %arg14[%swap3A_192] {strides = array<i32>} : memref<2048xf32, #tpu.memory_space<vmem>>, vector<16xf32>,
          tpu.vector_store %arg14[%swap3A_192], %gather3A_187 {strides = array<i32>} : memref<2048xf32, #tpu.memory_space<vmem>>, vector<16xf32>,
          %iota3A_194 = tpu.iota {dimensions = array<i32: 0>} : vector<16xi32>
          %add3A_195 = arith.constant 48 : i32
          %add3A_196 = vector.broadcast %add3A_195 : i32 to vector<16xi32>
          %add3A_197 = arith.addi %iota3A_194, %add3A_196 : vector<16xi32>
          %broadcast_in_dim3A_198 = vector.broadcast %sub3A_152 : i32 to vector<16xi32>
          %gather3A_199 = tpu.vector_load_idx %arg7[%add3A_197, %broadcast_in_dim3A_198] : memref<64x512xf32, #tpu.memory_space<vmem>>[vector<16xi32>, vector<16xi32>], vector<16xf32>,
          %mul3A_200 = arith.constant 128 : i32
          %mul3A_201 = arith.muli %and3A_156, %mul3A_200 : i32
          %add3A_202 = arith.constant 48 : i32
          %add3A_203 = arith.addi %mul3A_201, %add3A_202 : i32
          %swap3A_204 = arith.index_cast %add3A_203 : i32 to index
          %swap3A_205 = tpu.vector_load %arg14[%swap3A_204] {strides = array<i32>} : memref<2048xf32, #tpu.memory_space<vmem>>, vector<16xf32>,
          tpu.vector_store %arg14[%swap3A_204], %gather3A_199 {strides = array<i32>} : memref<2048xf32, #tpu.memory_space<vmem>>, vector<16xf32>,
          %mul3A_206 = arith.constant 128 : i32
          %mul3A_207 = arith.muli %and3A_156, %mul3A_206 : i32
          %mul3A_208 = arith.constant 128 : i32
          %mul3A_209 = arith.muli %squeeze3A_151, %mul3A_208 : i32
          %dma_start3A_210 = tpu.memref_slice %arg14[%mul3A_207] : memref<2048xf32, #tpu.memory_space<vmem>> -> memref<128xf32, #tpu.memory_space<vmem>>
          %dma_start3A_211 = tpu.memref_slice %arg4[%mul3A_209] : memref<4194304xf32, #tpu.memory_space<hbm>> -> memref<128xf32, #tpu.memory_space<hbm>>
          %dma_start3A_212 = tpu.memref_slice %arg4[%mul3A_209] : memref<4194304xf32, #tpu.memory_space<hbm>> -> memref<128xf32, #tpu.memory_space<hbm>>
          %dma_start3A_213 = tpu.memref_slice %arg14[%mul3A_207] : memref<2048xf32, #tpu.memory_space<vmem>> -> memref<128xf32, #tpu.memory_space<vmem>>
          tpu.enqueue_dma source(%dma_start3A_213 : memref<128xf32, #tpu.memory_space<vmem>>) target(%dma_start3A_212 : memref<128xf32, #tpu.memory_space<hbm>>) target_semaphore(%arg17 : memref<!tpu.dma_semaphore, #tpu.memory_space<semaphore_mem>>)
          %add3A_214 = arith.constant 1 : i32
          %add3A_215 = arith.addi %get3A_155, %add3A_214 : i32
          %swap3A_216 = arith.constant 0 : i32
          %swap3A_217 = arith.index_cast %swap3A_216 : i32 to index
          %swap3A_218 = memref.load %arg15[%swap3A_217] : memref<1xi32, #tpu.memory_space<smem>>
          memref.store %add3A_215, %arg15[%swap3A_217] : memref<1xi32, #tpu.memory_space<smem>>
        }
        %add3A_139 = arith.constant 3 : i32
        %add3A_140 = arith.addi %add3A_110, %add3A_139 : i32
        %lt3A_141 = arith.cmpi slt, %add3A_140, %add3A_6 : i32
        %convert_element_type3A_142 = arith.extui %lt3A_141 : i1 to i32
        %cond3A_143 = arith.constant 0 : i32
        %cond3A_144 = arith.cmpi ne, %convert_element_type3A_142, %cond3A_143 : i32
        scf.if %cond3A_144 {
          %add3A_145 = arith.constant 1536 : i32
          %add3A_146 = arith.addi %add3A_113, %add3A_145 : i32
          %dma_start3A_147 = arith.constant 0 : i32
          %dma_start3A_148 = tpu.memref_slice %arg2[%dma_start3A_147, %add3A_146] : memref<64x1000000xf32, #tpu.memory_space<hbm>> -> memref<64x512xf32, #tpu.memory_space<hbm>>
          %dma_start3A_149 = arith.constant 0 : i32
          %dma_start3A_150 = tpu.memref_slice %arg2[%dma_start3A_149, %add3A_146] : memref<64x1000000xf32, #tpu.memory_space<hbm>> -> memref<64x512xf32, #tpu.memory_space<hbm>>
          tpu.enqueue_dma source(%dma_start3A_150 : memref<64x512xf32, #tpu.memory_space<hbm>>) target(%arg7 : memref<64x512xf32, #tpu.memory_space<vmem>>) target_semaphore(%arg16 : memref<!tpu.dma_semaphore, #tpu.memory_space<semaphore_mem>>)
        } else {
        }
      } else {
      }
      %add3A_103 = arith.constant 2 : i32
      %add3A_104 = arith.addi %mul3A_93, %add3A_103 : i32
      %lt3A_105 = arith.cmpi slt, %add3A_104, %add3A_6 : i32
      %convert_element_type3A_106 = arith.extui %lt3A_105 : i1 to i32
      %cond3A_107 = arith.constant 0 : i32
      %cond3A_108 = arith.cmpi ne, %convert_element_type3A_106, %cond3A_107 : i32
      scf.if %cond3A_108 {
        %add3A_109 = arith.constant 2 : i32
        %add3A_110 = arith.addi %mul3A_93, %add3A_109 : i32
        %mul3A_111 = arith.constant 512 : i32
        %mul3A_112 = arith.muli %add3A_110, %mul3A_111 : i32
        %add3A_113 = arith.addi %mul3A_15, %mul3A_112 : i32
        %dma_wait3A = arith.constant 0 : i32
        %dma_wait3A_114 = tpu.memref_slice %arg2[%dma_wait3A, %add3A_113] : memref<64x1000000xf32, #tpu.memory_space<hbm>> -> memref<64x512xf32, #tpu.memory_space<hbm>>
        %dma_wait3A_115 = arith.constant 0 : i32
        %dma_wait3A_116 = tpu.memref_slice %arg2[%dma_wait3A_115, %add3A_113] : memref<64x1000000xf32, #tpu.memory_space<hbm>> -> memref<64x512xf32, #tpu.memory_space<hbm>>
        tpu.wait_dma2 semaphore(%arg16 : memref<!tpu.dma_semaphore, #tpu.memory_space<semaphore_mem>>) src(%dma_wait3A_116 : memref<64x512xf32, #tpu.memory_space<hbm>>) dst(%arg8 : memref<64x512xf32, #tpu.memory_space<vmem>>)
        %while3A_117 = arith.constant 0 : i32
        %while3A_118 = arith.constant 0 : i32
        %while3A_119 = arith.subi %shift_right_logical3A_69, %while3A_117 : i32
        %while3A_120 = arith.addi %while3A_117, %while3A_119 : i32
        %while3A_121 = arith.constant 1 : i32
        %while3A_122 = arith.divsi %while3A_119, %while3A_121 : i32
        %while3A_123 = arith.muli %while3A_122, %while3A_121 : i32
        %while3A_124 = arith.addi %while3A_117, %while3A_123 : i32
        %while3A_125 = arith.constant 1 : i32
        %while3A_126 = scf.for %while3A_145 = %while3A_117 to %while3A_124 step %while3A_125 iter_args(%while3A_146 = %while3A_118) -> (i32)  : i32 {
          %mul3A_147 = arith.constant 16 : i32
          %mul3A_148 = arith.muli %while3A_145, %mul3A_147 : i32
          %get3A_149 = arith.index_cast %mul3A_148 : i32 to index
          %get3A_150 = tpu.vector_load %arg10[%get3A_149] {strides = array<i32>} : memref<2080xi32, #tpu.memory_space<vmem>>, vector<16xi32>,
          %mul3A_151 = arith.constant 16 : i32
          %mul3A_152 = arith.muli %while3A_145, %mul3A_151 : i32
          %get3A_153 = arith.index_cast %mul3A_152 : i32 to index
          %get3A_154 = tpu.vector_load %arg11[%get3A_153] {strides = array<i32>} : memref<2080xi32, #tpu.memory_space<vmem>>, vector<16xi32>,
          %add3A_155 = arith.constant 512 : i32
          %add3A_156 = arith.addi %add3A_113, %add3A_155 : i32
          %sub3A_157 = vector.broadcast %add3A_113 : i32 to vector<16xi32>
          %sub3A_158 = arith.subi %get3A_150, %sub3A_157 : vector<16xi32>
          %add3A_159 = arith.constant 1 : i32
          %add3A_160 = vector.broadcast %add3A_159 : i32 to vector<16xi32>
          %add3A_161 = arith.addi %sub3A_158, %add3A_160 : vector<16xi32>
          %max3A_162 = arith.constant 0 : i32
          %max3A_163 = vector.broadcast %max3A_162 : i32 to vector<16xi32>
          %max3A_164 = arith.maxsi %add3A_161, %max3A_163 : vector<16xi32>
          %min3A_165 = arith.constant 1 : i32
          %min3A_166 = vector.broadcast %min3A_165 : i32 to vector<16xi32>
          %min3A_167 = arith.minsi %max3A_164, %min3A_166 : vector<16xi32>
          %sub3A_168 = vector.broadcast %add3A_156 : i32 to vector<16xi32>
          %sub3A_169 = arith.subi %sub3A_168, %get3A_150 : vector<16xi32>
          %max3A_170 = arith.constant 0 : i32
          %max3A_171 = vector.broadcast %max3A_170 : i32 to vector<16xi32>
          %max3A_172 = arith.maxsi %sub3A_169, %max3A_171 : vector<16xi32>
          %min3A_173 = arith.constant 1 : i32
          %min3A_174 = vector.broadcast %min3A_173 : i32 to vector<16xi32>
          %min3A_175 = arith.minsi %max3A_172, %min3A_174 : vector<16xi32>
          %mul3A_176 = arith.muli %min3A_167, %min3A_175 : vector<16xi32>
          %iota3A = tpu.iota {dimensions = array<i32: 0>} : vector<16xi32>
          %mul3A_177 = arith.constant 16 : i32
          %mul3A_178 = arith.muli %while3A_145, %mul3A_177 : i32
          %add3A_179 = vector.broadcast %mul3A_178 : i32 to vector<16xi32>
          %add3A_180 = arith.addi %iota3A, %add3A_179 : vector<16xi32>
          %sub3A_181 = arith.constant 0 : i32
          %sub3A_182 = vector.broadcast %sub3A_181 : i32 to vector<16xi32>
          %sub3A_183 = arith.subi %add3A_180, %sub3A_182 : vector<16xi32>
          %add3A_184 = arith.constant 1 : i32
          %add3A_185 = vector.broadcast %add3A_184 : i32 to vector<16xi32>
          %add3A_186 = arith.addi %sub3A_183, %add3A_185 : vector<16xi32>
          %max3A_187 = arith.constant 0 : i32
          %max3A_188 = vector.broadcast %max3A_187 : i32 to vector<16xi32>
          %max3A_189 = arith.maxsi %add3A_186, %max3A_188 : vector<16xi32>
          %min3A_190 = arith.constant 1 : i32
          %min3A_191 = vector.broadcast %min3A_190 : i32 to vector<16xi32>
          %min3A_192 = arith.minsi %max3A_189, %min3A_191 : vector<16xi32>
          %sub3A_193 = vector.broadcast %scan3A_65 : i32 to vector<16xi32>
          %sub3A_194 = arith.subi %sub3A_193, %add3A_180 : vector<16xi32>
          %max3A_195 = arith.constant 0 : i32
          %max3A_196 = vector.broadcast %max3A_195 : i32 to vector<16xi32>
          %max3A_197 = arith.maxsi %sub3A_194, %max3A_196 : vector<16xi32>
          %min3A_198 = arith.constant 1 : i32
          %min3A_199 = vector.broadcast %min3A_198 : i32 to vector<16xi32>
          %min3A_200 = arith.minsi %max3A_197, %min3A_199 : vector<16xi32>
          %mul3A_201 = arith.muli %min3A_192, %min3A_200 : vector<16xi32>
          %mul3A_202 = arith.muli %mul3A_176, %mul3A_201 : vector<16xi32>
          %broadcast_in_dim3A = arith.constant true
          %broadcast_in_dim3A_203 = vector.broadcast %broadcast_in_dim3A : i1 to vector<16xi1>
          %masked_cumsum3A = tpu.scan <sum>, %mul3A_202 masked %broadcast_in_dim3A_203 : vector<16xi32>, vector<16xi1> -> vector<16xi32>
          %add3A_204 = vector.broadcast %while3A_146 : i32 to vector<16xi32>
          %add3A_205 = arith.addi %add3A_204, %masked_cumsum3A : vector<16xi32>
          %sub3A_206 = arith.constant 1 : i32
          %sub3A_207 = vector.broadcast %sub3A_206 : i32 to vector<16xi32>
          %sub3A_208 = arith.subi %add3A_205, %sub3A_207 : vector<16xi32>
          %mul3A_209 = arith.muli %sub3A_208, %mul3A_202 : vector<16xi32>
          %iota3A_210 = tpu.iota {dimensions = array<i32: 0>} : vector<16xi32>
          %add3A_211 = arith.constant 544 : i32
          %add3A_212 = vector.broadcast %add3A_211 : i32 to vector<16xi32>
          %add3A_213 = arith.addi %add3A_212, %iota3A_210 : vector<16xi32>
          %sub3A_214 = arith.constant 1 : i32
          %sub3A_215 = vector.broadcast %sub3A_214 : i32 to vector<16xi32>
          %sub3A_216 = arith.subi %sub3A_215, %mul3A_202 : vector<16xi32>
          %mul3A_217 = arith.muli %add3A_213, %sub3A_216 : vector<16xi32>
          %add3A_218 = arith.addi %mul3A_209, %mul3A_217 : vector<16xi32>
          tpu.vector_store_idx %arg12[%add3A_218], %get3A_150 : memref<560xi32, #tpu.memory_space<vmem>>[vector<16xi32>], vector<16xi32>,
          tpu.vector_store_idx %arg13[%add3A_218], %get3A_154 : memref<560xi32, #tpu.memory_space<vmem>>[vector<16xi32>], vector<16xi32>,
          %slice3A = vector.extract_strided_slice %masked_cumsum3A {offsets = [15], sizes = [1], strides = [1]} : vector<16xi32> to vector<1xi32>
          %squeeze3A = vector.extract %slice3A[0] : i32 from vector<1xi32>
          %add3A_219 = arith.addi %while3A_146, %squeeze3A : i32
          scf.yield %add3A_219 : i32
        }
        %while3A_127 = arith.constant 1 : i32
        %while3A_128 = scf.for %while3A_145 = %while3A_124 to %while3A_120 step %while3A_127 iter_args(%while3A_146 = %while3A_126) -> (i32)  : i32 {
          %mul3A_147 = arith.constant 16 : i32
          %mul3A_148 = arith.muli %while3A_145, %mul3A_147 : i32
          %get3A_149 = arith.index_cast %mul3A_148 : i32 to index
          %get3A_150 = tpu.vector_load %arg10[%get3A_149] {strides = array<i32>} : memref<2080xi32, #tpu.memory_space<vmem>>, vector<16xi32>,
          %mul3A_151 = arith.constant 16 : i32
          %mul3A_152 = arith.muli %while3A_145, %mul3A_151 : i32
          %get3A_153 = arith.index_cast %mul3A_152 : i32 to index
          %get3A_154 = tpu.vector_load %arg11[%get3A_153] {strides = array<i32>} : memref<2080xi32, #tpu.memory_space<vmem>>, vector<16xi32>,
          %add3A_155 = arith.constant 512 : i32
          %add3A_156 = arith.addi %add3A_113, %add3A_155 : i32
          %sub3A_157 = vector.broadcast %add3A_113 : i32 to vector<16xi32>
          %sub3A_158 = arith.subi %get3A_150, %sub3A_157 : vector<16xi32>
          %add3A_159 = arith.constant 1 : i32
          %add3A_160 = vector.broadcast %add3A_159 : i32 to vector<16xi32>
          %add3A_161 = arith.addi %sub3A_158, %add3A_160 : vector<16xi32>
          %max3A_162 = arith.constant 0 : i32
          %max3A_163 = vector.broadcast %max3A_162 : i32 to vector<16xi32>
          %max3A_164 = arith.maxsi %add3A_161, %max3A_163 : vector<16xi32>
          %min3A_165 = arith.constant 1 : i32
          %min3A_166 = vector.broadcast %min3A_165 : i32 to vector<16xi32>
          %min3A_167 = arith.minsi %max3A_164, %min3A_166 : vector<16xi32>
          %sub3A_168 = vector.broadcast %add3A_156 : i32 to vector<16xi32>
          %sub3A_169 = arith.subi %sub3A_168, %get3A_150 : vector<16xi32>
          %max3A_170 = arith.constant 0 : i32
          %max3A_171 = vector.broadcast %max3A_170 : i32 to vector<16xi32>
          %max3A_172 = arith.maxsi %sub3A_169, %max3A_171 : vector<16xi32>
          %min3A_173 = arith.constant 1 : i32
          %min3A_174 = vector.broadcast %min3A_173 : i32 to vector<16xi32>
          %min3A_175 = arith.minsi %max3A_172, %min3A_174 : vector<16xi32>
          %mul3A_176 = arith.muli %min3A_167, %min3A_175 : vector<16xi32>
          %iota3A = tpu.iota {dimensions = array<i32: 0>} : vector<16xi32>
          %mul3A_177 = arith.constant 16 : i32
          %mul3A_178 = arith.muli %while3A_145, %mul3A_177 : i32
          %add3A_179 = vector.broadcast %mul3A_178 : i32 to vector<16xi32>
          %add3A_180 = arith.addi %iota3A, %add3A_179 : vector<16xi32>
          %sub3A_181 = arith.constant 0 : i32
          %sub3A_182 = vector.broadcast %sub3A_181 : i32 to vector<16xi32>
          %sub3A_183 = arith.subi %add3A_180, %sub3A_182 : vector<16xi32>
          %add3A_184 = arith.constant 1 : i32
          %add3A_185 = vector.broadcast %add3A_184 : i32 to vector<16xi32>
          %add3A_186 = arith.addi %sub3A_183, %add3A_185 : vector<16xi32>
          %max3A_187 = arith.constant 0 : i32
          %max3A_188 = vector.broadcast %max3A_187 : i32 to vector<16xi32>
          %max3A_189 = arith.maxsi %add3A_186, %max3A_188 : vector<16xi32>
          %min3A_190 = arith.constant 1 : i32
          %min3A_191 = vector.broadcast %min3A_190 : i32 to vector<16xi32>
          %min3A_192 = arith.minsi %max3A_189, %min3A_191 : vector<16xi32>
          %sub3A_193 = vector.broadcast %scan3A_65 : i32 to vector<16xi32>
          %sub3A_194 = arith.subi %sub3A_193, %add3A_180 : vector<16xi32>
          %max3A_195 = arith.constant 0 : i32
          %max3A_196 = vector.broadcast %max3A_195 : i32 to vector<16xi32>
          %max3A_197 = arith.maxsi %sub3A_194, %max3A_196 : vector<16xi32>
          %min3A_198 = arith.constant 1 : i32
          %min3A_199 = vector.broadcast %min3A_198 : i32 to vector<16xi32>
          %min3A_200 = arith.minsi %max3A_197, %min3A_199 : vector<16xi32>
          %mul3A_201 = arith.muli %min3A_192, %min3A_200 : vector<16xi32>
          %mul3A_202 = arith.muli %mul3A_176, %mul3A_201 : vector<16xi32>
          %broadcast_in_dim3A = arith.constant true
          %broadcast_in_dim3A_203 = vector.broadcast %broadcast_in_dim3A : i1 to vector<16xi1>
          %masked_cumsum3A = tpu.scan <sum>, %mul3A_202 masked %broadcast_in_dim3A_203 : vector<16xi32>, vector<16xi1> -> vector<16xi32>
          %add3A_204 = vector.broadcast %while3A_146 : i32 to vector<16xi32>
          %add3A_205 = arith.addi %add3A_204, %masked_cumsum3A : vector<16xi32>
          %sub3A_206 = arith.constant 1 : i32
          %sub3A_207 = vector.broadcast %sub3A_206 : i32 to vector<16xi32>
          %sub3A_208 = arith.subi %add3A_205, %sub3A_207 : vector<16xi32>
          %mul3A_209 = arith.muli %sub3A_208, %mul3A_202 : vector<16xi32>
          %iota3A_210 = tpu.iota {dimensions = array<i32: 0>} : vector<16xi32>
          %add3A_211 = arith.constant 544 : i32
          %add3A_212 = vector.broadcast %add3A_211 : i32 to vector<16xi32>
          %add3A_213 = arith.addi %add3A_212, %iota3A_210 : vector<16xi32>
          %sub3A_214 = arith.constant 1 : i32
          %sub3A_215 = vector.broadcast %sub3A_214 : i32 to vector<16xi32>
          %sub3A_216 = arith.subi %sub3A_215, %mul3A_202 : vector<16xi32>
          %mul3A_217 = arith.muli %add3A_213, %sub3A_216 : vector<16xi32>
          %add3A_218 = arith.addi %mul3A_209, %mul3A_217 : vector<16xi32>
          tpu.vector_store_idx %arg12[%add3A_218], %get3A_150 : memref<560xi32, #tpu.memory_space<vmem>>[vector<16xi32>], vector<16xi32>,
          tpu.vector_store_idx %arg13[%add3A_218], %get3A_154 : memref<560xi32, #tpu.memory_space<vmem>>[vector<16xi32>], vector<16xi32>,
          %slice3A = vector.extract_strided_slice %masked_cumsum3A {offsets = [15], sizes = [1], strides = [1]} : vector<16xi32> to vector<1xi32>
          %squeeze3A = vector.extract %slice3A[0] : i32 from vector<1xi32>
          %add3A_219 = arith.addi %while3A_146, %squeeze3A : i32
          scf.yield %add3A_219 : i32
        }
        %while3A_129 = arith.constant 0 : i32
        %while3A_130 = arith.constant 0 : i32
        %while3A_131 = arith.subi %while3A_128, %while3A_130 : i32
        %while3A_132 = arith.addi %while3A_130, %while3A_131 : i32
        %while3A_133 = arith.constant 1 : i32
        %while3A_134 = arith.divsi %while3A_131, %while3A_133 : i32
        %while3A_135 = arith.muli %while3A_134, %while3A_133 : i32
        %while3A_136 = arith.addi %while3A_130, %while3A_135 : i32
        %while3A_137 = arith.constant 1 : i32
        scf.for %while3A_145 = %while3A_130 to %while3A_136 step %while3A_137  : i32 {
          %get3A_146 = arith.index_cast %while3A_145 : i32 to index
          %get3A_147 = tpu.vector_load %arg12[%get3A_146] {strides = array<i32>} : memref<560xi32, #tpu.memory_space<vmem>>, vector<16xi32>,
          %slice3A = vector.extract_strided_slice %get3A_147 {offsets = [0], sizes = [1], strides = [1]} : vector<16xi32> to vector<1xi32>
          %squeeze3A = vector.extract %slice3A[0] : i32 from vector<1xi32>
          %get3A_148 = arith.index_cast %while3A_145 : i32 to index
          %get3A_149 = tpu.vector_load %arg13[%get3A_148] {strides = array<i32>} : memref<560xi32, #tpu.memory_space<vmem>>, vector<16xi32>,
          %slice3A_150 = vector.extract_strided_slice %get3A_149 {offsets = [0], sizes = [1], strides = [1]} : vector<16xi32> to vector<1xi32>
          %squeeze3A_151 = vector.extract %slice3A_150[0] : i32 from vector<1xi32>
          %sub3A_152 = arith.subi %squeeze3A, %add3A_113 : i32
          %get3A_153 = arith.constant 0 : i32
          %get3A_154 = arith.index_cast %get3A_153 : i32 to index
          %get3A_155 = memref.load %arg15[%get3A_154] : memref<1xi32, #tpu.memory_space<smem>>
          %and3A = arith.constant 15 : i32
          %and3A_156 = arith.andi %get3A_155, %and3A : i32
          %ge3A = arith.constant 16 : i32
          %ge3A_157 = arith.cmpi sge, %get3A_155, %ge3A : i32
          %convert_element_type3A_158 = arith.extui %ge3A_157 : i1 to i32
          %cond3A_159 = arith.constant 0 : i32
          %cond3A_160 = arith.cmpi ne, %convert_element_type3A_158, %cond3A_159 : i32
          scf.if %cond3A_160 {
            %dma_wait3A_219 = arith.constant 0 : i32
            %dma_wait3A_220 = tpu.memref_slice %arg14[%dma_wait3A_219] : memref<2048xf32, #tpu.memory_space<vmem>> -> memref<128xf32, #tpu.memory_space<vmem>>
            %dma_wait3A_221 = arith.constant 0 : i32
            %dma_wait3A_222 = tpu.memref_slice %arg4[%dma_wait3A_221] : memref<4194304xf32, #tpu.memory_space<hbm>> -> memref<128xf32, #tpu.memory_space<hbm>>
            %dma_wait3A_223 = arith.constant 0 : i32
            %dma_wait3A_224 = tpu.memref_slice %arg14[%dma_wait3A_223] : memref<2048xf32, #tpu.memory_space<vmem>> -> memref<128xf32, #tpu.memory_space<vmem>>
            %dma_wait3A_225 = arith.constant 0 : i32
            %dma_wait3A_226 = tpu.memref_slice %arg4[%dma_wait3A_225] : memref<4194304xf32, #tpu.memory_space<hbm>> -> memref<128xf32, #tpu.memory_space<hbm>>
            tpu.wait_dma2 semaphore(%arg17 : memref<!tpu.dma_semaphore, #tpu.memory_space<semaphore_mem>>) src(%dma_wait3A_226 : memref<128xf32, #tpu.memory_space<hbm>>) dst(%dma_wait3A_224 : memref<128xf32, #tpu.memory_space<vmem>>)
          } else {
          }
          %iota3A = tpu.iota {dimensions = array<i32: 0>} : vector<16xi32>
          %add3A_161 = arith.constant 0 : i32
          %add3A_162 = vector.broadcast %add3A_161 : i32 to vector<16xi32>
          %add3A_163 = arith.addi %iota3A, %add3A_162 : vector<16xi32>
          %broadcast_in_dim3A = vector.broadcast %sub3A_152 : i32 to vector<16xi32>
          %gather3A = tpu.vector_load_idx %arg8[%add3A_163, %broadcast_in_dim3A] : memref<64x512xf32, #tpu.memory_space<vmem>>[vector<16xi32>, vector<16xi32>], vector<16xf32>,
          %mul3A_164 = arith.constant 128 : i32
          %mul3A_165 = arith.muli %and3A_156, %mul3A_164 : i32
          %add3A_166 = arith.constant 0 : i32
          %add3A_167 = arith.addi %mul3A_165, %add3A_166 : i32
          %swap3A_168 = arith.index_cast %add3A_167 : i32 to index
          %swap3A_169 = tpu.vector_load %arg14[%swap3A_168] {strides = array<i32>} : memref<2048xf32, #tpu.memory_space<vmem>>, vector<16xf32>,
          tpu.vector_store %arg14[%swap3A_168], %gather3A {strides = array<i32>} : memref<2048xf32, #tpu.memory_space<vmem>>, vector<16xf32>,
          %iota3A_170 = tpu.iota {dimensions = array<i32: 0>} : vector<16xi32>
          %add3A_171 = arith.constant 16 : i32
          %add3A_172 = vector.broadcast %add3A_171 : i32 to vector<16xi32>
          %add3A_173 = arith.addi %iota3A_170, %add3A_172 : vector<16xi32>
          %broadcast_in_dim3A_174 = vector.broadcast %sub3A_152 : i32 to vector<16xi32>
          %gather3A_175 = tpu.vector_load_idx %arg8[%add3A_173, %broadcast_in_dim3A_174] : memref<64x512xf32, #tpu.memory_space<vmem>>[vector<16xi32>, vector<16xi32>], vector<16xf32>,
          %mul3A_176 = arith.constant 128 : i32
          %mul3A_177 = arith.muli %and3A_156, %mul3A_176 : i32
          %add3A_178 = arith.constant 16 : i32
          %add3A_179 = arith.addi %mul3A_177, %add3A_178 : i32
          %swap3A_180 = arith.index_cast %add3A_179 : i32 to index
          %swap3A_181 = tpu.vector_load %arg14[%swap3A_180] {strides = array<i32>} : memref<2048xf32, #tpu.memory_space<vmem>>, vector<16xf32>,
          tpu.vector_store %arg14[%swap3A_180], %gather3A_175 {strides = array<i32>} : memref<2048xf32, #tpu.memory_space<vmem>>, vector<16xf32>,
          %iota3A_182 = tpu.iota {dimensions = array<i32: 0>} : vector<16xi32>
          %add3A_183 = arith.constant 32 : i32
          %add3A_184 = vector.broadcast %add3A_183 : i32 to vector<16xi32>
          %add3A_185 = arith.addi %iota3A_182, %add3A_184 : vector<16xi32>
          %broadcast_in_dim3A_186 = vector.broadcast %sub3A_152 : i32 to vector<16xi32>
          %gather3A_187 = tpu.vector_load_idx %arg8[%add3A_185, %broadcast_in_dim3A_186] : memref<64x512xf32, #tpu.memory_space<vmem>>[vector<16xi32>, vector<16xi32>], vector<16xf32>,
          %mul3A_188 = arith.constant 128 : i32
          %mul3A_189 = arith.muli %and3A_156, %mul3A_188 : i32
          %add3A_190 = arith.constant 32 : i32
          %add3A_191 = arith.addi %mul3A_189, %add3A_190 : i32
          %swap3A_192 = arith.index_cast %add3A_191 : i32 to index
          %swap3A_193 = tpu.vector_load %arg14[%swap3A_192] {strides = array<i32>} : memref<2048xf32, #tpu.memory_space<vmem>>, vector<16xf32>,
          tpu.vector_store %arg14[%swap3A_192], %gather3A_187 {strides = array<i32>} : memref<2048xf32, #tpu.memory_space<vmem>>, vector<16xf32>,
          %iota3A_194 = tpu.iota {dimensions = array<i32: 0>} : vector<16xi32>
          %add3A_195 = arith.constant 48 : i32
          %add3A_196 = vector.broadcast %add3A_195 : i32 to vector<16xi32>
          %add3A_197 = arith.addi %iota3A_194, %add3A_196 : vector<16xi32>
          %broadcast_in_dim3A_198 = vector.broadcast %sub3A_152 : i32 to vector<16xi32>
          %gather3A_199 = tpu.vector_load_idx %arg8[%add3A_197, %broadcast_in_dim3A_198] : memref<64x512xf32, #tpu.memory_space<vmem>>[vector<16xi32>, vector<16xi32>], vector<16xf32>,
          %mul3A_200 = arith.constant 128 : i32
          %mul3A_201 = arith.muli %and3A_156, %mul3A_200 : i32
          %add3A_202 = arith.constant 48 : i32
          %add3A_203 = arith.addi %mul3A_201, %add3A_202 : i32
          %swap3A_204 = arith.index_cast %add3A_203 : i32 to index
          %swap3A_205 = tpu.vector_load %arg14[%swap3A_204] {strides = array<i32>} : memref<2048xf32, #tpu.memory_space<vmem>>, vector<16xf32>,
          tpu.vector_store %arg14[%swap3A_204], %gather3A_199 {strides = array<i32>} : memref<2048xf32, #tpu.memory_space<vmem>>, vector<16xf32>,
          %mul3A_206 = arith.constant 128 : i32
          %mul3A_207 = arith.muli %and3A_156, %mul3A_206 : i32
          %mul3A_208 = arith.constant 128 : i32
          %mul3A_209 = arith.muli %squeeze3A_151, %mul3A_208 : i32
          %dma_start3A_210 = tpu.memref_slice %arg14[%mul3A_207] : memref<2048xf32, #tpu.memory_space<vmem>> -> memref<128xf32, #tpu.memory_space<vmem>>
          %dma_start3A_211 = tpu.memref_slice %arg4[%mul3A_209] : memref<4194304xf32, #tpu.memory_space<hbm>> -> memref<128xf32, #tpu.memory_space<hbm>>
          %dma_start3A_212 = tpu.memref_slice %arg4[%mul3A_209] : memref<4194304xf32, #tpu.memory_space<hbm>> -> memref<128xf32, #tpu.memory_space<hbm>>
          %dma_start3A_213 = tpu.memref_slice %arg14[%mul3A_207] : memref<2048xf32, #tpu.memory_space<vmem>> -> memref<128xf32, #tpu.memory_space<vmem>>
          tpu.enqueue_dma source(%dma_start3A_213 : memref<128xf32, #tpu.memory_space<vmem>>) target(%dma_start3A_212 : memref<128xf32, #tpu.memory_space<hbm>>) target_semaphore(%arg17 : memref<!tpu.dma_semaphore, #tpu.memory_space<semaphore_mem>>)
          %add3A_214 = arith.constant 1 : i32
          %add3A_215 = arith.addi %get3A_155, %add3A_214 : i32
          %swap3A_216 = arith.constant 0 : i32
          %swap3A_217 = arith.index_cast %swap3A_216 : i32 to index
          %swap3A_218 = memref.load %arg15[%swap3A_217] : memref<1xi32, #tpu.memory_space<smem>>
          memref.store %add3A_215, %arg15[%swap3A_217] : memref<1xi32, #tpu.memory_space<smem>>
        }
        %while3A_138 = arith.constant 1 : i32
        scf.for %while3A_145 = %while3A_136 to %while3A_132 step %while3A_138  : i32 {
          %get3A_146 = arith.index_cast %while3A_145 : i32 to index
          %get3A_147 = tpu.vector_load %arg12[%get3A_146] {strides = array<i32>} : memref<560xi32, #tpu.memory_space<vmem>>, vector<16xi32>,
          %slice3A = vector.extract_strided_slice %get3A_147 {offsets = [0], sizes = [1], strides = [1]} : vector<16xi32> to vector<1xi32>
          %squeeze3A = vector.extract %slice3A[0] : i32 from vector<1xi32>
          %get3A_148 = arith.index_cast %while3A_145 : i32 to index
          %get3A_149 = tpu.vector_load %arg13[%get3A_148] {strides = array<i32>} : memref<560xi32, #tpu.memory_space<vmem>>, vector<16xi32>,
          %slice3A_150 = vector.extract_strided_slice %get3A_149 {offsets = [0], sizes = [1], strides = [1]} : vector<16xi32> to vector<1xi32>
          %squeeze3A_151 = vector.extract %slice3A_150[0] : i32 from vector<1xi32>
          %sub3A_152 = arith.subi %squeeze3A, %add3A_113 : i32
          %get3A_153 = arith.constant 0 : i32
          %get3A_154 = arith.index_cast %get3A_153 : i32 to index
          %get3A_155 = memref.load %arg15[%get3A_154] : memref<1xi32, #tpu.memory_space<smem>>
          %and3A = arith.constant 15 : i32
          %and3A_156 = arith.andi %get3A_155, %and3A : i32
          %ge3A = arith.constant 16 : i32
          %ge3A_157 = arith.cmpi sge, %get3A_155, %ge3A : i32
          %convert_element_type3A_158 = arith.extui %ge3A_157 : i1 to i32
          %cond3A_159 = arith.constant 0 : i32
          %cond3A_160 = arith.cmpi ne, %convert_element_type3A_158, %cond3A_159 : i32
          scf.if %cond3A_160 {
            %dma_wait3A_219 = arith.constant 0 : i32
            %dma_wait3A_220 = tpu.memref_slice %arg14[%dma_wait3A_219] : memref<2048xf32, #tpu.memory_space<vmem>> -> memref<128xf32, #tpu.memory_space<vmem>>
            %dma_wait3A_221 = arith.constant 0 : i32
            %dma_wait3A_222 = tpu.memref_slice %arg4[%dma_wait3A_221] : memref<4194304xf32, #tpu.memory_space<hbm>> -> memref<128xf32, #tpu.memory_space<hbm>>
            %dma_wait3A_223 = arith.constant 0 : i32
            %dma_wait3A_224 = tpu.memref_slice %arg14[%dma_wait3A_223] : memref<2048xf32, #tpu.memory_space<vmem>> -> memref<128xf32, #tpu.memory_space<vmem>>
            %dma_wait3A_225 = arith.constant 0 : i32
            %dma_wait3A_226 = tpu.memref_slice %arg4[%dma_wait3A_225] : memref<4194304xf32, #tpu.memory_space<hbm>> -> memref<128xf32, #tpu.memory_space<hbm>>
            tpu.wait_dma2 semaphore(%arg17 : memref<!tpu.dma_semaphore, #tpu.memory_space<semaphore_mem>>) src(%dma_wait3A_226 : memref<128xf32, #tpu.memory_space<hbm>>) dst(%dma_wait3A_224 : memref<128xf32, #tpu.memory_space<vmem>>)
          } else {
          }
          %iota3A = tpu.iota {dimensions = array<i32: 0>} : vector<16xi32>
          %add3A_161 = arith.constant 0 : i32
          %add3A_162 = vector.broadcast %add3A_161 : i32 to vector<16xi32>
          %add3A_163 = arith.addi %iota3A, %add3A_162 : vector<16xi32>
          %broadcast_in_dim3A = vector.broadcast %sub3A_152 : i32 to vector<16xi32>
          %gather3A = tpu.vector_load_idx %arg8[%add3A_163, %broadcast_in_dim3A] : memref<64x512xf32, #tpu.memory_space<vmem>>[vector<16xi32>, vector<16xi32>], vector<16xf32>,
          %mul3A_164 = arith.constant 128 : i32
          %mul3A_165 = arith.muli %and3A_156, %mul3A_164 : i32
          %add3A_166 = arith.constant 0 : i32
          %add3A_167 = arith.addi %mul3A_165, %add3A_166 : i32
          %swap3A_168 = arith.index_cast %add3A_167 : i32 to index
          %swap3A_169 = tpu.vector_load %arg14[%swap3A_168] {strides = array<i32>} : memref<2048xf32, #tpu.memory_space<vmem>>, vector<16xf32>,
          tpu.vector_store %arg14[%swap3A_168], %gather3A {strides = array<i32>} : memref<2048xf32, #tpu.memory_space<vmem>>, vector<16xf32>,
          %iota3A_170 = tpu.iota {dimensions = array<i32: 0>} : vector<16xi32>
          %add3A_171 = arith.constant 16 : i32
          %add3A_172 = vector.broadcast %add3A_171 : i32 to vector<16xi32>
          %add3A_173 = arith.addi %iota3A_170, %add3A_172 : vector<16xi32>
          %broadcast_in_dim3A_174 = vector.broadcast %sub3A_152 : i32 to vector<16xi32>
          %gather3A_175 = tpu.vector_load_idx %arg8[%add3A_173, %broadcast_in_dim3A_174] : memref<64x512xf32, #tpu.memory_space<vmem>>[vector<16xi32>, vector<16xi32>], vector<16xf32>,
          %mul3A_176 = arith.constant 128 : i32
          %mul3A_177 = arith.muli %and3A_156, %mul3A_176 : i32
          %add3A_178 = arith.constant 16 : i32
          %add3A_179 = arith.addi %mul3A_177, %add3A_178 : i32
          %swap3A_180 = arith.index_cast %add3A_179 : i32 to index
          %swap3A_181 = tpu.vector_load %arg14[%swap3A_180] {strides = array<i32>} : memref<2048xf32, #tpu.memory_space<vmem>>, vector<16xf32>,
          tpu.vector_store %arg14[%swap3A_180], %gather3A_175 {strides = array<i32>} : memref<2048xf32, #tpu.memory_space<vmem>>, vector<16xf32>,
          %iota3A_182 = tpu.iota {dimensions = array<i32: 0>} : vector<16xi32>
          %add3A_183 = arith.constant 32 : i32
          %add3A_184 = vector.broadcast %add3A_183 : i32 to vector<16xi32>
          %add3A_185 = arith.addi %iota3A_182, %add3A_184 : vector<16xi32>
          %broadcast_in_dim3A_186 = vector.broadcast %sub3A_152 : i32 to vector<16xi32>
          %gather3A_187 = tpu.vector_load_idx %arg8[%add3A_185, %broadcast_in_dim3A_186] : memref<64x512xf32, #tpu.memory_space<vmem>>[vector<16xi32>, vector<16xi32>], vector<16xf32>,
          %mul3A_188 = arith.constant 128 : i32
          %mul3A_189 = arith.muli %and3A_156, %mul3A_188 : i32
          %add3A_190 = arith.constant 32 : i32
          %add3A_191 = arith.addi %mul3A_189, %add3A_190 : i32
          %swap3A_192 = arith.index_cast %add3A_191 : i32 to index
          %swap3A_193 = tpu.vector_load %arg14[%swap3A_192] {strides = array<i32>} : memref<2048xf32, #tpu.memory_space<vmem>>, vector<16xf32>,
          tpu.vector_store %arg14[%swap3A_192], %gather3A_187 {strides = array<i32>} : memref<2048xf32, #tpu.memory_space<vmem>>, vector<16xf32>,
          %iota3A_194 = tpu.iota {dimensions = array<i32: 0>} : vector<16xi32>
          %add3A_195 = arith.constant 48 : i32
          %add3A_196 = vector.broadcast %add3A_195 : i32 to vector<16xi32>
          %add3A_197 = arith.addi %iota3A_194, %add3A_196 : vector<16xi32>
          %broadcast_in_dim3A_198 = vector.broadcast %sub3A_152 : i32 to vector<16xi32>
          %gather3A_199 = tpu.vector_load_idx %arg8[%add3A_197, %broadcast_in_dim3A_198] : memref<64x512xf32, #tpu.memory_space<vmem>>[vector<16xi32>, vector<16xi32>], vector<16xf32>,
          %mul3A_200 = arith.constant 128 : i32
          %mul3A_201 = arith.muli %and3A_156, %mul3A_200 : i32
          %add3A_202 = arith.constant 48 : i32
          %add3A_203 = arith.addi %mul3A_201, %add3A_202 : i32
          %swap3A_204 = arith.index_cast %add3A_203 : i32 to index
          %swap3A_205 = tpu.vector_load %arg14[%swap3A_204] {strides = array<i32>} : memref<2048xf32, #tpu.memory_space<vmem>>, vector<16xf32>,
          tpu.vector_store %arg14[%swap3A_204], %gather3A_199 {strides = array<i32>} : memref<2048xf32, #tpu.memory_space<vmem>>, vector<16xf32>,
          %mul3A_206 = arith.constant 128 : i32
          %mul3A_207 = arith.muli %and3A_156, %mul3A_206 : i32
          %mul3A_208 = arith.constant 128 : i32
          %mul3A_209 = arith.muli %squeeze3A_151, %mul3A_208 : i32
          %dma_start3A_210 = tpu.memref_slice %arg14[%mul3A_207] : memref<2048xf32, #tpu.memory_space<vmem>> -> memref<128xf32, #tpu.memory_space<vmem>>
          %dma_start3A_211 = tpu.memref_slice %arg4[%mul3A_209] : memref<4194304xf32, #tpu.memory_space<hbm>> -> memref<128xf32, #tpu.memory_space<hbm>>
          %dma_start3A_212 = tpu.memref_slice %arg4[%mul3A_209] : memref<4194304xf32, #tpu.memory_space<hbm>> -> memref<128xf32, #tpu.memory_space<hbm>>
          %dma_start3A_213 = tpu.memref_slice %arg14[%mul3A_207] : memref<2048xf32, #tpu.memory_space<vmem>> -> memref<128xf32, #tpu.memory_space<vmem>>
          tpu.enqueue_dma source(%dma_start3A_213 : memref<128xf32, #tpu.memory_space<vmem>>) target(%dma_start3A_212 : memref<128xf32, #tpu.memory_space<hbm>>) target_semaphore(%arg17 : memref<!tpu.dma_semaphore, #tpu.memory_space<semaphore_mem>>)
          %add3A_214 = arith.constant 1 : i32
          %add3A_215 = arith.addi %get3A_155, %add3A_214 : i32
          %swap3A_216 = arith.constant 0 : i32
          %swap3A_217 = arith.index_cast %swap3A_216 : i32 to index
          %swap3A_218 = memref.load %arg15[%swap3A_217] : memref<1xi32, #tpu.memory_space<smem>>
          memref.store %add3A_215, %arg15[%swap3A_217] : memref<1xi32, #tpu.memory_space<smem>>
        }
        %add3A_139 = arith.constant 3 : i32
        %add3A_140 = arith.addi %add3A_110, %add3A_139 : i32
        %lt3A_141 = arith.cmpi slt, %add3A_140, %add3A_6 : i32
        %convert_element_type3A_142 = arith.extui %lt3A_141 : i1 to i32
        %cond3A_143 = arith.constant 0 : i32
        %cond3A_144 = arith.cmpi ne, %convert_element_type3A_142, %cond3A_143 : i32
        scf.if %cond3A_144 {
          %add3A_145 = arith.constant 1536 : i32
          %add3A_146 = arith.addi %add3A_113, %add3A_145 : i32
          %dma_start3A_147 = arith.constant 0 : i32
          %dma_start3A_148 = tpu.memref_slice %arg2[%dma_start3A_147, %add3A_146] : memref<64x1000000xf32, #tpu.memory_space<hbm>> -> memref<64x512xf32, #tpu.memory_space<hbm>>
          %dma_start3A_149 = arith.constant 0 : i32
          %dma_start3A_150 = tpu.memref_slice %arg2[%dma_start3A_149, %add3A_146] : memref<64x1000000xf32, #tpu.memory_space<hbm>> -> memref<64x512xf32, #tpu.memory_space<hbm>>
          tpu.enqueue_dma source(%dma_start3A_150 : memref<64x512xf32, #tpu.memory_space<hbm>>) target(%arg8 : memref<64x512xf32, #tpu.memory_space<vmem>>) target_semaphore(%arg16 : memref<!tpu.dma_semaphore, #tpu.memory_space<semaphore_mem>>)
        } else {
        }
      } else {
      }
    }
    %scan3A_75 = arith.constant 21 : i32
    %eq3A = arith.constant 31 : i32
    %eq3A_76 = arith.cmpi eq, %add3A, %eq3A : i32
    %convert_element_type3A = arith.extui %eq3A_76 : i1 to i32
    %cond3A = arith.constant 0 : i32
    %cond3A_77 = arith.cmpi ne, %convert_element_type3A, %cond3A : i32
    scf.if %cond3A_77 {
      "tpu.region"() ({
        %run_scoped3A = tpu.sem_alloc : memref<!tpu.dma_semaphore, #tpu.memory_space<semaphore_mem>>
        %dma_start3A_116 = arith.constant 0 : i32
        %dma_start3A_117 = arith.constant 999936 : i32
        %dma_start3A_118 = tpu.memref_slice %arg2[%dma_start3A_116, %dma_start3A_117] : memref<64x1000000xf32, #tpu.memory_space<hbm>> -> memref<64x64xf32, #tpu.memory_space<hbm>>
        %dma_start3A_119 = arith.constant 0 : i32
        %dma_start3A_120 = arith.constant 999936 : i32
        %dma_start3A_121 = tpu.memref_slice %arg2[%dma_start3A_119, %dma_start3A_120] : memref<64x1000000xf32, #tpu.memory_space<hbm>> -> memref<64x64xf32, #tpu.memory_space<hbm>>
        tpu.enqueue_dma source(%dma_start3A_121 : memref<64x64xf32, #tpu.memory_space<hbm>>) target(%arg9 : memref<64x64xf32, #tpu.memory_space<vmem>>) target_semaphore(%run_scoped3A : memref<!tpu.dma_semaphore, #tpu.memory_space<semaphore_mem>>)
        %dma_wait3A = arith.constant 0 : i32
        %dma_wait3A_122 = arith.constant 999936 : i32
        %dma_wait3A_123 = tpu.memref_slice %arg2[%dma_wait3A, %dma_wait3A_122] : memref<64x1000000xf32, #tpu.memory_space<hbm>> -> memref<64x64xf32, #tpu.memory_space<hbm>>
        %dma_wait3A_124 = arith.constant 0 : i32
        %dma_wait3A_125 = arith.constant 999936 : i32
        %dma_wait3A_126 = tpu.memref_slice %arg2[%dma_wait3A_124, %dma_wait3A_125] : memref<64x1000000xf32, #tpu.memory_space<hbm>> -> memref<64x64xf32, #tpu.memory_space<hbm>>
        tpu.wait_dma2 semaphore(%run_scoped3A : memref<!tpu.dma_semaphore, #tpu.memory_space<semaphore_mem>>) src(%dma_wait3A_126 : memref<64x64xf32, #tpu.memory_space<hbm>>) dst(%arg9 : memref<64x64xf32, #tpu.memory_space<vmem>>)
        tpu.yield
      }) : () -> ()
      %while3A_91 = arith.constant 999936 : i32
      %while3A_92 = arith.constant 64 : i32
      %while3A_93 = arith.constant 0 : i32
      %while3A_94 = arith.constant 0 : i32
      %while3A_95 = arith.subi %shift_right_logical3A_69, %while3A_93 : i32
      %while3A_96 = arith.addi %while3A_93, %while3A_95 : i32
      %while3A_97 = arith.constant 1 : i32
      %while3A_98 = arith.divsi %while3A_95, %while3A_97 : i32
      %while3A_99 = arith.muli %while3A_98, %while3A_97 : i32
      %while3A_100 = arith.addi %while3A_93, %while3A_99 : i32
      %while3A_101 = arith.constant 1 : i32
      %while3A_102 = scf.for %while3A_116 = %while3A_93 to %while3A_100 step %while3A_101 iter_args(%while3A_117 = %while3A_94) -> (i32)  : i32 {
        %mul3A_118 = arith.constant 16 : i32
        %mul3A_119 = arith.muli %while3A_116, %mul3A_118 : i32
        %get3A_120 = arith.index_cast %mul3A_119 : i32 to index
        %get3A_121 = tpu.vector_load %arg10[%get3A_120] {strides = array<i32>} : memref<2080xi32, #tpu.memory_space<vmem>>, vector<16xi32>,
        %mul3A_122 = arith.constant 16 : i32
        %mul3A_123 = arith.muli %while3A_116, %mul3A_122 : i32
        %get3A_124 = arith.index_cast %mul3A_123 : i32 to index
        %get3A_125 = tpu.vector_load %arg11[%get3A_124] {strides = array<i32>} : memref<2080xi32, #tpu.memory_space<vmem>>, vector<16xi32>,
        %add3A_126 = arith.addi %while3A_91, %while3A_92 : i32
        %sub3A_127 = vector.broadcast %while3A_91 : i32 to vector<16xi32>
        %sub3A_128 = arith.subi %get3A_121, %sub3A_127 : vector<16xi32>
        %add3A_129 = arith.constant 1 : i32
        %add3A_130 = vector.broadcast %add3A_129 : i32 to vector<16xi32>
        %add3A_131 = arith.addi %sub3A_128, %add3A_130 : vector<16xi32>
        %max3A_132 = arith.constant 0 : i32
        %max3A_133 = vector.broadcast %max3A_132 : i32 to vector<16xi32>
        %max3A_134 = arith.maxsi %add3A_131, %max3A_133 : vector<16xi32>
        %min3A_135 = arith.constant 1 : i32
        %min3A_136 = vector.broadcast %min3A_135 : i32 to vector<16xi32>
        %min3A_137 = arith.minsi %max3A_134, %min3A_136 : vector<16xi32>
        %sub3A_138 = vector.broadcast %add3A_126 : i32 to vector<16xi32>
        %sub3A_139 = arith.subi %sub3A_138, %get3A_121 : vector<16xi32>
        %max3A_140 = arith.constant 0 : i32
        %max3A_141 = vector.broadcast %max3A_140 : i32 to vector<16xi32>
        %max3A_142 = arith.maxsi %sub3A_139, %max3A_141 : vector<16xi32>
        %min3A_143 = arith.constant 1 : i32
        %min3A_144 = vector.broadcast %min3A_143 : i32 to vector<16xi32>
        %min3A_145 = arith.minsi %max3A_142, %min3A_144 : vector<16xi32>
        %mul3A_146 = arith.muli %min3A_137, %min3A_145 : vector<16xi32>
        %iota3A = tpu.iota {dimensions = array<i32: 0>} : vector<16xi32>
        %mul3A_147 = arith.constant 16 : i32
        %mul3A_148 = arith.muli %while3A_116, %mul3A_147 : i32
        %add3A_149 = vector.broadcast %mul3A_148 : i32 to vector<16xi32>
        %add3A_150 = arith.addi %iota3A, %add3A_149 : vector<16xi32>
        %sub3A_151 = arith.constant 0 : i32
        %sub3A_152 = vector.broadcast %sub3A_151 : i32 to vector<16xi32>
        %sub3A_153 = arith.subi %add3A_150, %sub3A_152 : vector<16xi32>
        %add3A_154 = arith.constant 1 : i32
        %add3A_155 = vector.broadcast %add3A_154 : i32 to vector<16xi32>
        %add3A_156 = arith.addi %sub3A_153, %add3A_155 : vector<16xi32>
        %max3A_157 = arith.constant 0 : i32
        %max3A_158 = vector.broadcast %max3A_157 : i32 to vector<16xi32>
        %max3A_159 = arith.maxsi %add3A_156, %max3A_158 : vector<16xi32>
        %min3A_160 = arith.constant 1 : i32
        %min3A_161 = vector.broadcast %min3A_160 : i32 to vector<16xi32>
        %min3A_162 = arith.minsi %max3A_159, %min3A_161 : vector<16xi32>
        %sub3A_163 = vector.broadcast %scan3A_65 : i32 to vector<16xi32>
        %sub3A_164 = arith.subi %sub3A_163, %add3A_150 : vector<16xi32>
        %max3A_165 = arith.constant 0 : i32
        %max3A_166 = vector.broadcast %max3A_165 : i32 to vector<16xi32>
        %max3A_167 = arith.maxsi %sub3A_164, %max3A_166 : vector<16xi32>
        %min3A_168 = arith.constant 1 : i32
        %min3A_169 = vector.broadcast %min3A_168 : i32 to vector<16xi32>
        %min3A_170 = arith.minsi %max3A_167, %min3A_169 : vector<16xi32>
        %mul3A_171 = arith.muli %min3A_162, %min3A_170 : vector<16xi32>
        %mul3A_172 = arith.muli %mul3A_146, %mul3A_171 : vector<16xi32>
        %broadcast_in_dim3A = arith.constant true
        %broadcast_in_dim3A_173 = vector.broadcast %broadcast_in_dim3A : i1 to vector<16xi1>
        %masked_cumsum3A = tpu.scan <sum>, %mul3A_172 masked %broadcast_in_dim3A_173 : vector<16xi32>, vector<16xi1> -> vector<16xi32>
        %add3A_174 = vector.broadcast %while3A_117 : i32 to vector<16xi32>
        %add3A_175 = arith.addi %add3A_174, %masked_cumsum3A : vector<16xi32>
        %sub3A_176 = arith.constant 1 : i32
        %sub3A_177 = vector.broadcast %sub3A_176 : i32 to vector<16xi32>
        %sub3A_178 = arith.subi %add3A_175, %sub3A_177 : vector<16xi32>
        %mul3A_179 = arith.muli %sub3A_178, %mul3A_172 : vector<16xi32>
        %iota3A_180 = tpu.iota {dimensions = array<i32: 0>} : vector<16xi32>
        %add3A_181 = arith.constant 544 : i32
        %add3A_182 = vector.broadcast %add3A_181 : i32 to vector<16xi32>
        %add3A_183 = arith.addi %add3A_182, %iota3A_180 : vector<16xi32>
        %sub3A_184 = arith.constant 1 : i32
        %sub3A_185 = vector.broadcast %sub3A_184 : i32 to vector<16xi32>
        %sub3A_186 = arith.subi %sub3A_185, %mul3A_172 : vector<16xi32>
        %mul3A_187 = arith.muli %add3A_183, %sub3A_186 : vector<16xi32>
        %add3A_188 = arith.addi %mul3A_179, %mul3A_187 : vector<16xi32>
        tpu.vector_store_idx %arg12[%add3A_188], %get3A_121 : memref<560xi32, #tpu.memory_space<vmem>>[vector<16xi32>], vector<16xi32>,
        tpu.vector_store_idx %arg13[%add3A_188], %get3A_125 : memref<560xi32, #tpu.memory_space<vmem>>[vector<16xi32>], vector<16xi32>,
        %slice3A = vector.extract_strided_slice %masked_cumsum3A {offsets = [15], sizes = [1], strides = [1]} : vector<16xi32> to vector<1xi32>
        %squeeze3A = vector.extract %slice3A[0] : i32 from vector<1xi32>
        %add3A_189 = arith.addi %while3A_117, %squeeze3A : i32
        scf.yield %add3A_189 : i32
      }
      %while3A_103 = arith.constant 1 : i32
      %while3A_104 = scf.for %while3A_116 = %while3A_100 to %while3A_96 step %while3A_103 iter_args(%while3A_117 = %while3A_102) -> (i32)  : i32 {
        %mul3A_118 = arith.constant 16 : i32
        %mul3A_119 = arith.muli %while3A_116, %mul3A_118 : i32
        %get3A_120 = arith.index_cast %mul3A_119 : i32 to index
        %get3A_121 = tpu.vector_load %arg10[%get3A_120] {strides = array<i32>} : memref<2080xi32, #tpu.memory_space<vmem>>, vector<16xi32>,
        %mul3A_122 = arith.constant 16 : i32
        %mul3A_123 = arith.muli %while3A_116, %mul3A_122 : i32
        %get3A_124 = arith.index_cast %mul3A_123 : i32 to index
        %get3A_125 = tpu.vector_load %arg11[%get3A_124] {strides = array<i32>} : memref<2080xi32, #tpu.memory_space<vmem>>, vector<16xi32>,
        %add3A_126 = arith.addi %while3A_91, %while3A_92 : i32
        %sub3A_127 = vector.broadcast %while3A_91 : i32 to vector<16xi32>
        %sub3A_128 = arith.subi %get3A_121, %sub3A_127 : vector<16xi32>
        %add3A_129 = arith.constant 1 : i32
        %add3A_130 = vector.broadcast %add3A_129 : i32 to vector<16xi32>
        %add3A_131 = arith.addi %sub3A_128, %add3A_130 : vector<16xi32>
        %max3A_132 = arith.constant 0 : i32
        %max3A_133 = vector.broadcast %max3A_132 : i32 to vector<16xi32>
        %max3A_134 = arith.maxsi %add3A_131, %max3A_133 : vector<16xi32>
        %min3A_135 = arith.constant 1 : i32
        %min3A_136 = vector.broadcast %min3A_135 : i32 to vector<16xi32>
        %min3A_137 = arith.minsi %max3A_134, %min3A_136 : vector<16xi32>
        %sub3A_138 = vector.broadcast %add3A_126 : i32 to vector<16xi32>
        %sub3A_139 = arith.subi %sub3A_138, %get3A_121 : vector<16xi32>
        %max3A_140 = arith.constant 0 : i32
        %max3A_141 = vector.broadcast %max3A_140 : i32 to vector<16xi32>
        %max3A_142 = arith.maxsi %sub3A_139, %max3A_141 : vector<16xi32>
        %min3A_143 = arith.constant 1 : i32
        %min3A_144 = vector.broadcast %min3A_143 : i32 to vector<16xi32>
        %min3A_145 = arith.minsi %max3A_142, %min3A_144 : vector<16xi32>
        %mul3A_146 = arith.muli %min3A_137, %min3A_145 : vector<16xi32>
        %iota3A = tpu.iota {dimensions = array<i32: 0>} : vector<16xi32>
        %mul3A_147 = arith.constant 16 : i32
        %mul3A_148 = arith.muli %while3A_116, %mul3A_147 : i32
        %add3A_149 = vector.broadcast %mul3A_148 : i32 to vector<16xi32>
        %add3A_150 = arith.addi %iota3A, %add3A_149 : vector<16xi32>
        %sub3A_151 = arith.constant 0 : i32
        %sub3A_152 = vector.broadcast %sub3A_151 : i32 to vector<16xi32>
        %sub3A_153 = arith.subi %add3A_150, %sub3A_152 : vector<16xi32>
        %add3A_154 = arith.constant 1 : i32
        %add3A_155 = vector.broadcast %add3A_154 : i32 to vector<16xi32>
        %add3A_156 = arith.addi %sub3A_153, %add3A_155 : vector<16xi32>
        %max3A_157 = arith.constant 0 : i32
        %max3A_158 = vector.broadcast %max3A_157 : i32 to vector<16xi32>
        %max3A_159 = arith.maxsi %add3A_156, %max3A_158 : vector<16xi32>
        %min3A_160 = arith.constant 1 : i32
        %min3A_161 = vector.broadcast %min3A_160 : i32 to vector<16xi32>
        %min3A_162 = arith.minsi %max3A_159, %min3A_161 : vector<16xi32>
        %sub3A_163 = vector.broadcast %scan3A_65 : i32 to vector<16xi32>
        %sub3A_164 = arith.subi %sub3A_163, %add3A_150 : vector<16xi32>
        %max3A_165 = arith.constant 0 : i32
        %max3A_166 = vector.broadcast %max3A_165 : i32 to vector<16xi32>
        %max3A_167 = arith.maxsi %sub3A_164, %max3A_166 : vector<16xi32>
        %min3A_168 = arith.constant 1 : i32
        %min3A_169 = vector.broadcast %min3A_168 : i32 to vector<16xi32>
        %min3A_170 = arith.minsi %max3A_167, %min3A_169 : vector<16xi32>
        %mul3A_171 = arith.muli %min3A_162, %min3A_170 : vector<16xi32>
        %mul3A_172 = arith.muli %mul3A_146, %mul3A_171 : vector<16xi32>
        %broadcast_in_dim3A = arith.constant true
        %broadcast_in_dim3A_173 = vector.broadcast %broadcast_in_dim3A : i1 to vector<16xi1>
        %masked_cumsum3A = tpu.scan <sum>, %mul3A_172 masked %broadcast_in_dim3A_173 : vector<16xi32>, vector<16xi1> -> vector<16xi32>
        %add3A_174 = vector.broadcast %while3A_117 : i32 to vector<16xi32>
        %add3A_175 = arith.addi %add3A_174, %masked_cumsum3A : vector<16xi32>
        %sub3A_176 = arith.constant 1 : i32
        %sub3A_177 = vector.broadcast %sub3A_176 : i32 to vector<16xi32>
        %sub3A_178 = arith.subi %add3A_175, %sub3A_177 : vector<16xi32>
        %mul3A_179 = arith.muli %sub3A_178, %mul3A_172 : vector<16xi32>
        %iota3A_180 = tpu.iota {dimensions = array<i32: 0>} : vector<16xi32>
        %add3A_181 = arith.constant 544 : i32
        %add3A_182 = vector.broadcast %add3A_181 : i32 to vector<16xi32>
        %add3A_183 = arith.addi %add3A_182, %iota3A_180 : vector<16xi32>
        %sub3A_184 = arith.constant 1 : i32
        %sub3A_185 = vector.broadcast %sub3A_184 : i32 to vector<16xi32>
        %sub3A_186 = arith.subi %sub3A_185, %mul3A_172 : vector<16xi32>
        %mul3A_187 = arith.muli %add3A_183, %sub3A_186 : vector<16xi32>
        %add3A_188 = arith.addi %mul3A_179, %mul3A_187 : vector<16xi32>
        tpu.vector_store_idx %arg12[%add3A_188], %get3A_121 : memref<560xi32, #tpu.memory_space<vmem>>[vector<16xi32>], vector<16xi32>,
        tpu.vector_store_idx %arg13[%add3A_188], %get3A_125 : memref<560xi32, #tpu.memory_space<vmem>>[vector<16xi32>], vector<16xi32>,
        %slice3A = vector.extract_strided_slice %masked_cumsum3A {offsets = [15], sizes = [1], strides = [1]} : vector<16xi32> to vector<1xi32>
        %squeeze3A = vector.extract %slice3A[0] : i32 from vector<1xi32>
        %add3A_189 = arith.addi %while3A_117, %squeeze3A : i32
        scf.yield %add3A_189 : i32
      }
      %while3A_105 = arith.constant 0 : i32
      %while3A_106 = arith.constant 999936 : i32
      %while3A_107 = arith.constant 0 : i32
      %while3A_108 = arith.subi %while3A_104, %while3A_107 : i32
      %while3A_109 = arith.addi %while3A_107, %while3A_108 : i32
      %while3A_110 = arith.constant 1 : i32
      %while3A_111 = arith.divsi %while3A_108, %while3A_110 : i32
      %while3A_112 = arith.muli %while3A_111, %while3A_110 : i32
      %while3A_113 = arith.addi %while3A_107, %while3A_112 : i32
      %while3A_114 = arith.constant 1 : i32
      scf.for %while3A_116 = %while3A_107 to %while3A_113 step %while3A_114  : i32 {
        %get3A_117 = arith.index_cast %while3A_116 : i32 to index
        %get3A_118 = tpu.vector_load %arg12[%get3A_117] {strides = array<i32>} : memref<560xi32, #tpu.memory_space<vmem>>, vector<16xi32>,
        %slice3A = vector.extract_strided_slice %get3A_118 {offsets = [0], sizes = [1], strides = [1]} : vector<16xi32> to vector<1xi32>
        %squeeze3A = vector.extract %slice3A[0] : i32 from vector<1xi32>
        %get3A_119 = arith.index_cast %while3A_116 : i32 to index
        %get3A_120 = tpu.vector_load %arg13[%get3A_119] {strides = array<i32>} : memref<560xi32, #tpu.memory_space<vmem>>, vector<16xi32>,
        %slice3A_121 = vector.extract_strided_slice %get3A_120 {offsets = [0], sizes = [1], strides = [1]} : vector<16xi32> to vector<1xi32>
        %squeeze3A_122 = vector.extract %slice3A_121[0] : i32 from vector<1xi32>
        %sub3A_123 = arith.subi %squeeze3A, %while3A_106 : i32
        %get3A_124 = arith.constant 0 : i32
        %get3A_125 = arith.index_cast %get3A_124 : i32 to index
        %get3A_126 = memref.load %arg15[%get3A_125] : memref<1xi32, #tpu.memory_space<smem>>
        %and3A = arith.constant 15 : i32
        %and3A_127 = arith.andi %get3A_126, %and3A : i32
        %ge3A = arith.constant 16 : i32
        %ge3A_128 = arith.cmpi sge, %get3A_126, %ge3A : i32
        %convert_element_type3A_129 = arith.extui %ge3A_128 : i1 to i32
        %cond3A_130 = arith.constant 0 : i32
        %cond3A_131 = arith.cmpi ne, %convert_element_type3A_129, %cond3A_130 : i32
        scf.if %cond3A_131 {
          %dma_wait3A = arith.constant 0 : i32
          %dma_wait3A_190 = tpu.memref_slice %arg14[%dma_wait3A] : memref<2048xf32, #tpu.memory_space<vmem>> -> memref<128xf32, #tpu.memory_space<vmem>>
          %dma_wait3A_191 = arith.constant 0 : i32
          %dma_wait3A_192 = tpu.memref_slice %arg4[%dma_wait3A_191] : memref<4194304xf32, #tpu.memory_space<hbm>> -> memref<128xf32, #tpu.memory_space<hbm>>
          %dma_wait3A_193 = arith.constant 0 : i32
          %dma_wait3A_194 = tpu.memref_slice %arg14[%dma_wait3A_193] : memref<2048xf32, #tpu.memory_space<vmem>> -> memref<128xf32, #tpu.memory_space<vmem>>
          %dma_wait3A_195 = arith.constant 0 : i32
          %dma_wait3A_196 = tpu.memref_slice %arg4[%dma_wait3A_195] : memref<4194304xf32, #tpu.memory_space<hbm>> -> memref<128xf32, #tpu.memory_space<hbm>>
          tpu.wait_dma2 semaphore(%arg17 : memref<!tpu.dma_semaphore, #tpu.memory_space<semaphore_mem>>) src(%dma_wait3A_196 : memref<128xf32, #tpu.memory_space<hbm>>) dst(%dma_wait3A_194 : memref<128xf32, #tpu.memory_space<vmem>>)
        } else {
        }
        %iota3A = tpu.iota {dimensions = array<i32: 0>} : vector<16xi32>
        %add3A_132 = arith.constant 0 : i32
        %add3A_133 = vector.broadcast %add3A_132 : i32 to vector<16xi32>
        %add3A_134 = arith.addi %iota3A, %add3A_133 : vector<16xi32>
        %broadcast_in_dim3A = vector.broadcast %sub3A_123 : i32 to vector<16xi32>
        %gather3A = tpu.vector_load_idx %arg9[%add3A_134, %broadcast_in_dim3A] : memref<64x64xf32, #tpu.memory_space<vmem>>[vector<16xi32>, vector<16xi32>], vector<16xf32>,
        %mul3A_135 = arith.constant 128 : i32
        %mul3A_136 = arith.muli %and3A_127, %mul3A_135 : i32
        %add3A_137 = arith.constant 0 : i32
        %add3A_138 = arith.addi %mul3A_136, %add3A_137 : i32
        %swap3A_139 = arith.index_cast %add3A_138 : i32 to index
        %swap3A_140 = tpu.vector_load %arg14[%swap3A_139] {strides = array<i32>} : memref<2048xf32, #tpu.memory_space<vmem>>, vector<16xf32>,
        tpu.vector_store %arg14[%swap3A_139], %gather3A {strides = array<i32>} : memref<2048xf32, #tpu.memory_space<vmem>>, vector<16xf32>,
        %iota3A_141 = tpu.iota {dimensions = array<i32: 0>} : vector<16xi32>
        %add3A_142 = arith.constant 16 : i32
        %add3A_143 = vector.broadcast %add3A_142 : i32 to vector<16xi32>
        %add3A_144 = arith.addi %iota3A_141, %add3A_143 : vector<16xi32>
        %broadcast_in_dim3A_145 = vector.broadcast %sub3A_123 : i32 to vector<16xi32>
        %gather3A_146 = tpu.vector_load_idx %arg9[%add3A_144, %broadcast_in_dim3A_145] : memref<64x64xf32, #tpu.memory_space<vmem>>[vector<16xi32>, vector<16xi32>], vector<16xf32>,
        %mul3A_147 = arith.constant 128 : i32
        %mul3A_148 = arith.muli %and3A_127, %mul3A_147 : i32
        %add3A_149 = arith.constant 16 : i32
        %add3A_150 = arith.addi %mul3A_148, %add3A_149 : i32
        %swap3A_151 = arith.index_cast %add3A_150 : i32 to index
        %swap3A_152 = tpu.vector_load %arg14[%swap3A_151] {strides = array<i32>} : memref<2048xf32, #tpu.memory_space<vmem>>, vector<16xf32>,
        tpu.vector_store %arg14[%swap3A_151], %gather3A_146 {strides = array<i32>} : memref<2048xf32, #tpu.memory_space<vmem>>, vector<16xf32>,
        %iota3A_153 = tpu.iota {dimensions = array<i32: 0>} : vector<16xi32>
        %add3A_154 = arith.constant 32 : i32
        %add3A_155 = vector.broadcast %add3A_154 : i32 to vector<16xi32>
        %add3A_156 = arith.addi %iota3A_153, %add3A_155 : vector<16xi32>
        %broadcast_in_dim3A_157 = vector.broadcast %sub3A_123 : i32 to vector<16xi32>
        %gather3A_158 = tpu.vector_load_idx %arg9[%add3A_156, %broadcast_in_dim3A_157] : memref<64x64xf32, #tpu.memory_space<vmem>>[vector<16xi32>, vector<16xi32>], vector<16xf32>,
        %mul3A_159 = arith.constant 128 : i32
        %mul3A_160 = arith.muli %and3A_127, %mul3A_159 : i32
        %add3A_161 = arith.constant 32 : i32
        %add3A_162 = arith.addi %mul3A_160, %add3A_161 : i32
        %swap3A_163 = arith.index_cast %add3A_162 : i32 to index
        %swap3A_164 = tpu.vector_load %arg14[%swap3A_163] {strides = array<i32>} : memref<2048xf32, #tpu.memory_space<vmem>>, vector<16xf32>,
        tpu.vector_store %arg14[%swap3A_163], %gather3A_158 {strides = array<i32>} : memref<2048xf32, #tpu.memory_space<vmem>>, vector<16xf32>,
        %iota3A_165 = tpu.iota {dimensions = array<i32: 0>} : vector<16xi32>
        %add3A_166 = arith.constant 48 : i32
        %add3A_167 = vector.broadcast %add3A_166 : i32 to vector<16xi32>
        %add3A_168 = arith.addi %iota3A_165, %add3A_167 : vector<16xi32>
        %broadcast_in_dim3A_169 = vector.broadcast %sub3A_123 : i32 to vector<16xi32>
        %gather3A_170 = tpu.vector_load_idx %arg9[%add3A_168, %broadcast_in_dim3A_169] : memref<64x64xf32, #tpu.memory_space<vmem>>[vector<16xi32>, vector<16xi32>], vector<16xf32>,
        %mul3A_171 = arith.constant 128 : i32
        %mul3A_172 = arith.muli %and3A_127, %mul3A_171 : i32
        %add3A_173 = arith.constant 48 : i32
        %add3A_174 = arith.addi %mul3A_172, %add3A_173 : i32
        %swap3A_175 = arith.index_cast %add3A_174 : i32 to index
        %swap3A_176 = tpu.vector_load %arg14[%swap3A_175] {strides = array<i32>} : memref<2048xf32, #tpu.memory_space<vmem>>, vector<16xf32>,
        tpu.vector_store %arg14[%swap3A_175], %gather3A_170 {strides = array<i32>} : memref<2048xf32, #tpu.memory_space<vmem>>, vector<16xf32>,
        %mul3A_177 = arith.constant 128 : i32
        %mul3A_178 = arith.muli %and3A_127, %mul3A_177 : i32
        %mul3A_179 = arith.constant 128 : i32
        %mul3A_180 = arith.muli %squeeze3A_122, %mul3A_179 : i32
        %dma_start3A_181 = tpu.memref_slice %arg14[%mul3A_178] : memref<2048xf32, #tpu.memory_space<vmem>> -> memref<128xf32, #tpu.memory_space<vmem>>
        %dma_start3A_182 = tpu.memref_slice %arg4[%mul3A_180] : memref<4194304xf32, #tpu.memory_space<hbm>> -> memref<128xf32, #tpu.memory_space<hbm>>
        %dma_start3A_183 = tpu.memref_slice %arg4[%mul3A_180] : memref<4194304xf32, #tpu.memory_space<hbm>> -> memref<128xf32, #tpu.memory_space<hbm>>
        %dma_start3A_184 = tpu.memref_slice %arg14[%mul3A_178] : memref<2048xf32, #tpu.memory_space<vmem>> -> memref<128xf32, #tpu.memory_space<vmem>>
        tpu.enqueue_dma source(%dma_start3A_184 : memref<128xf32, #tpu.memory_space<vmem>>) target(%dma_start3A_183 : memref<128xf32, #tpu.memory_space<hbm>>) target_semaphore(%arg17 : memref<!tpu.dma_semaphore, #tpu.memory_space<semaphore_mem>>)
        %add3A_185 = arith.constant 1 : i32
        %add3A_186 = arith.addi %get3A_126, %add3A_185 : i32
        %swap3A_187 = arith.constant 0 : i32
        %swap3A_188 = arith.index_cast %swap3A_187 : i32 to index
        %swap3A_189 = memref.load %arg15[%swap3A_188] : memref<1xi32, #tpu.memory_space<smem>>
        memref.store %add3A_186, %arg15[%swap3A_188] : memref<1xi32, #tpu.memory_space<smem>>
      }
      %while3A_115 = arith.constant 1 : i32
      scf.for %while3A_116 = %while3A_113 to %while3A_109 step %while3A_115  : i32 {
        %get3A_117 = arith.index_cast %while3A_116 : i32 to index
        %get3A_118 = tpu.vector_load %arg12[%get3A_117] {strides = array<i32>} : memref<560xi32, #tpu.memory_space<vmem>>, vector<16xi32>,
        %slice3A = vector.extract_strided_slice %get3A_118 {offsets = [0], sizes = [1], strides = [1]} : vector<16xi32> to vector<1xi32>
        %squeeze3A = vector.extract %slice3A[0] : i32 from vector<1xi32>
        %get3A_119 = arith.index_cast %while3A_116 : i32 to index
        %get3A_120 = tpu.vector_load %arg13[%get3A_119] {strides = array<i32>} : memref<560xi32, #tpu.memory_space<vmem>>, vector<16xi32>,
        %slice3A_121 = vector.extract_strided_slice %get3A_120 {offsets = [0], sizes = [1], strides = [1]} : vector<16xi32> to vector<1xi32>
        %squeeze3A_122 = vector.extract %slice3A_121[0] : i32 from vector<1xi32>
        %sub3A_123 = arith.subi %squeeze3A, %while3A_106 : i32
        %get3A_124 = arith.constant 0 : i32
        %get3A_125 = arith.index_cast %get3A_124 : i32 to index
        %get3A_126 = memref.load %arg15[%get3A_125] : memref<1xi32, #tpu.memory_space<smem>>
        %and3A = arith.constant 15 : i32
        %and3A_127 = arith.andi %get3A_126, %and3A : i32
        %ge3A = arith.constant 16 : i32
        %ge3A_128 = arith.cmpi sge, %get3A_126, %ge3A : i32
        %convert_element_type3A_129 = arith.extui %ge3A_128 : i1 to i32
        %cond3A_130 = arith.constant 0 : i32
        %cond3A_131 = arith.cmpi ne, %convert_element_type3A_129, %cond3A_130 : i32
        scf.if %cond3A_131 {
          %dma_wait3A = arith.constant 0 : i32
          %dma_wait3A_190 = tpu.memref_slice %arg14[%dma_wait3A] : memref<2048xf32, #tpu.memory_space<vmem>> -> memref<128xf32, #tpu.memory_space<vmem>>
          %dma_wait3A_191 = arith.constant 0 : i32
          %dma_wait3A_192 = tpu.memref_slice %arg4[%dma_wait3A_191] : memref<4194304xf32, #tpu.memory_space<hbm>> -> memref<128xf32, #tpu.memory_space<hbm>>
          %dma_wait3A_193 = arith.constant 0 : i32
          %dma_wait3A_194 = tpu.memref_slice %arg14[%dma_wait3A_193] : memref<2048xf32, #tpu.memory_space<vmem>> -> memref<128xf32, #tpu.memory_space<vmem>>
          %dma_wait3A_195 = arith.constant 0 : i32
          %dma_wait3A_196 = tpu.memref_slice %arg4[%dma_wait3A_195] : memref<4194304xf32, #tpu.memory_space<hbm>> -> memref<128xf32, #tpu.memory_space<hbm>>
          tpu.wait_dma2 semaphore(%arg17 : memref<!tpu.dma_semaphore, #tpu.memory_space<semaphore_mem>>) src(%dma_wait3A_196 : memref<128xf32, #tpu.memory_space<hbm>>) dst(%dma_wait3A_194 : memref<128xf32, #tpu.memory_space<vmem>>)
        } else {
        }
        %iota3A = tpu.iota {dimensions = array<i32: 0>} : vector<16xi32>
        %add3A_132 = arith.constant 0 : i32
        %add3A_133 = vector.broadcast %add3A_132 : i32 to vector<16xi32>
        %add3A_134 = arith.addi %iota3A, %add3A_133 : vector<16xi32>
        %broadcast_in_dim3A = vector.broadcast %sub3A_123 : i32 to vector<16xi32>
        %gather3A = tpu.vector_load_idx %arg9[%add3A_134, %broadcast_in_dim3A] : memref<64x64xf32, #tpu.memory_space<vmem>>[vector<16xi32>, vector<16xi32>], vector<16xf32>,
        %mul3A_135 = arith.constant 128 : i32
        %mul3A_136 = arith.muli %and3A_127, %mul3A_135 : i32
        %add3A_137 = arith.constant 0 : i32
        %add3A_138 = arith.addi %mul3A_136, %add3A_137 : i32
        %swap3A_139 = arith.index_cast %add3A_138 : i32 to index
        %swap3A_140 = tpu.vector_load %arg14[%swap3A_139] {strides = array<i32>} : memref<2048xf32, #tpu.memory_space<vmem>>, vector<16xf32>,
        tpu.vector_store %arg14[%swap3A_139], %gather3A {strides = array<i32>} : memref<2048xf32, #tpu.memory_space<vmem>>, vector<16xf32>,
        %iota3A_141 = tpu.iota {dimensions = array<i32: 0>} : vector<16xi32>
        %add3A_142 = arith.constant 16 : i32
        %add3A_143 = vector.broadcast %add3A_142 : i32 to vector<16xi32>
        %add3A_144 = arith.addi %iota3A_141, %add3A_143 : vector<16xi32>
        %broadcast_in_dim3A_145 = vector.broadcast %sub3A_123 : i32 to vector<16xi32>
        %gather3A_146 = tpu.vector_load_idx %arg9[%add3A_144, %broadcast_in_dim3A_145] : memref<64x64xf32, #tpu.memory_space<vmem>>[vector<16xi32>, vector<16xi32>], vector<16xf32>,
        %mul3A_147 = arith.constant 128 : i32
        %mul3A_148 = arith.muli %and3A_127, %mul3A_147 : i32
        %add3A_149 = arith.constant 16 : i32
        %add3A_150 = arith.addi %mul3A_148, %add3A_149 : i32
        %swap3A_151 = arith.index_cast %add3A_150 : i32 to index
        %swap3A_152 = tpu.vector_load %arg14[%swap3A_151] {strides = array<i32>} : memref<2048xf32, #tpu.memory_space<vmem>>, vector<16xf32>,
        tpu.vector_store %arg14[%swap3A_151], %gather3A_146 {strides = array<i32>} : memref<2048xf32, #tpu.memory_space<vmem>>, vector<16xf32>,
        %iota3A_153 = tpu.iota {dimensions = array<i32: 0>} : vector<16xi32>
        %add3A_154 = arith.constant 32 : i32
        %add3A_155 = vector.broadcast %add3A_154 : i32 to vector<16xi32>
        %add3A_156 = arith.addi %iota3A_153, %add3A_155 : vector<16xi32>
        %broadcast_in_dim3A_157 = vector.broadcast %sub3A_123 : i32 to vector<16xi32>
        %gather3A_158 = tpu.vector_load_idx %arg9[%add3A_156, %broadcast_in_dim3A_157] : memref<64x64xf32, #tpu.memory_space<vmem>>[vector<16xi32>, vector<16xi32>], vector<16xf32>,
        %mul3A_159 = arith.constant 128 : i32
        %mul3A_160 = arith.muli %and3A_127, %mul3A_159 : i32
        %add3A_161 = arith.constant 32 : i32
        %add3A_162 = arith.addi %mul3A_160, %add3A_161 : i32
        %swap3A_163 = arith.index_cast %add3A_162 : i32 to index
        %swap3A_164 = tpu.vector_load %arg14[%swap3A_163] {strides = array<i32>} : memref<2048xf32, #tpu.memory_space<vmem>>, vector<16xf32>,
        tpu.vector_store %arg14[%swap3A_163], %gather3A_158 {strides = array<i32>} : memref<2048xf32, #tpu.memory_space<vmem>>, vector<16xf32>,
        %iota3A_165 = tpu.iota {dimensions = array<i32: 0>} : vector<16xi32>
        %add3A_166 = arith.constant 48 : i32
        %add3A_167 = vector.broadcast %add3A_166 : i32 to vector<16xi32>
        %add3A_168 = arith.addi %iota3A_165, %add3A_167 : vector<16xi32>
        %broadcast_in_dim3A_169 = vector.broadcast %sub3A_123 : i32 to vector<16xi32>
        %gather3A_170 = tpu.vector_load_idx %arg9[%add3A_168, %broadcast_in_dim3A_169] : memref<64x64xf32, #tpu.memory_space<vmem>>[vector<16xi32>, vector<16xi32>], vector<16xf32>,
        %mul3A_171 = arith.constant 128 : i32
        %mul3A_172 = arith.muli %and3A_127, %mul3A_171 : i32
        %add3A_173 = arith.constant 48 : i32
        %add3A_174 = arith.addi %mul3A_172, %add3A_173 : i32
        %swap3A_175 = arith.index_cast %add3A_174 : i32 to index
        %swap3A_176 = tpu.vector_load %arg14[%swap3A_175] {strides = array<i32>} : memref<2048xf32, #tpu.memory_space<vmem>>, vector<16xf32>,
        tpu.vector_store %arg14[%swap3A_175], %gather3A_170 {strides = array<i32>} : memref<2048xf32, #tpu.memory_space<vmem>>, vector<16xf32>,
        %mul3A_177 = arith.constant 128 : i32
        %mul3A_178 = arith.muli %and3A_127, %mul3A_177 : i32
        %mul3A_179 = arith.constant 128 : i32
        %mul3A_180 = arith.muli %squeeze3A_122, %mul3A_179 : i32
        %dma_start3A_181 = tpu.memref_slice %arg14[%mul3A_178] : memref<2048xf32, #tpu.memory_space<vmem>> -> memref<128xf32, #tpu.memory_space<vmem>>
        %dma_start3A_182 = tpu.memref_slice %arg4[%mul3A_180] : memref<4194304xf32, #tpu.memory_space<hbm>> -> memref<128xf32, #tpu.memory_space<hbm>>
        %dma_start3A_183 = tpu.memref_slice %arg4[%mul3A_180] : memref<4194304xf32, #tpu.memory_space<hbm>> -> memref<128xf32, #tpu.memory_space<hbm>>
        %dma_start3A_184 = tpu.memref_slice %arg14[%mul3A_178] : memref<2048xf32, #tpu.memory_space<vmem>> -> memref<128xf32, #tpu.memory_space<vmem>>
        tpu.enqueue_dma source(%dma_start3A_184 : memref<128xf32, #tpu.memory_space<vmem>>) target(%dma_start3A_183 : memref<128xf32, #tpu.memory_space<hbm>>) target_semaphore(%arg17 : memref<!tpu.dma_semaphore, #tpu.memory_space<semaphore_mem>>)
        %add3A_185 = arith.constant 1 : i32
        %add3A_186 = arith.addi %get3A_126, %add3A_185 : i32
        %swap3A_187 = arith.constant 0 : i32
        %swap3A_188 = arith.index_cast %swap3A_187 : i32 to index
        %swap3A_189 = memref.load %arg15[%swap3A_188] : memref<1xi32, #tpu.memory_space<smem>>
        memref.store %add3A_186, %arg15[%swap3A_188] : memref<1xi32, #tpu.memory_space<smem>>
      }
    } else {
    }
    %get3A = arith.constant 0 : i32
    %get3A_78 = arith.index_cast %get3A : i32 to index
    %get3A_79 = memref.load %arg15[%get3A_78] : memref<1xi32, #tpu.memory_space<smem>>
    %min3A_80 = arith.constant 16 : i32
    %min3A_81 = arith.minsi %get3A_79, %min3A_80 : i32
    %while3A = arith.constant 0 : i32
    %while3A_82 = arith.constant 0 : i32
    %while3A_83 = arith.subi %min3A_81, %while3A_82 : i32
    %while3A_84 = arith.addi %while3A_82, %while3A_83 : i32
    %while3A_85 = arith.constant 1 : i32
    %while3A_86 = arith.divsi %while3A_83, %while3A_85 : i32
    %while3A_87 = arith.muli %while3A_86, %while3A_85 : i32
    %while3A_88 = arith.addi %while3A_82, %while3A_87 : i32
    %while3A_89 = arith.constant 1 : i32
    scf.for %while3A_91 = %while3A_82 to %while3A_88 step %while3A_89  : i32 {
      %dma_wait3A = arith.constant 0 : i32
      %dma_wait3A_92 = tpu.memref_slice %arg14[%dma_wait3A] : memref<2048xf32, #tpu.memory_space<vmem>> -> memref<128xf32, #tpu.memory_space<vmem>>
      %dma_wait3A_93 = arith.constant 0 : i32
      %dma_wait3A_94 = tpu.memref_slice %arg4[%dma_wait3A_93] : memref<4194304xf32, #tpu.memory_space<hbm>> -> memref<128xf32, #tpu.memory_space<hbm>>
      %dma_wait3A_95 = arith.constant 0 : i32
      %dma_wait3A_96 = tpu.memref_slice %arg14[%dma_wait3A_95] : memref<2048xf32, #tpu.memory_space<vmem>> -> memref<128xf32, #tpu.memory_space<vmem>>
      %dma_wait3A_97 = arith.constant 0 : i32
      %dma_wait3A_98 = tpu.memref_slice %arg4[%dma_wait3A_97] : memref<4194304xf32, #tpu.memory_space<hbm>> -> memref<128xf32, #tpu.memory_space<hbm>>
      tpu.wait_dma2 semaphore(%arg17 : memref<!tpu.dma_semaphore, #tpu.memory_space<semaphore_mem>>) src(%dma_wait3A_98 : memref<128xf32, #tpu.memory_space<hbm>>) dst(%dma_wait3A_96 : memref<128xf32, #tpu.memory_space<vmem>>)
    }
    %while3A_90 = arith.constant 1 : i32
    scf.for %while3A_91 = %while3A_88 to %while3A_84 step %while3A_90  : i32 {
      %dma_wait3A = arith.constant 0 : i32
      %dma_wait3A_92 = tpu.memref_slice %arg14[%dma_wait3A] : memref<2048xf32, #tpu.memory_space<vmem>> -> memref<128xf32, #tpu.memory_space<vmem>>
      %dma_wait3A_93 = arith.constant 0 : i32
      %dma_wait3A_94 = tpu.memref_slice %arg4[%dma_wait3A_93] : memref<4194304xf32, #tpu.memory_space<hbm>> -> memref<128xf32, #tpu.memory_space<hbm>>
      %dma_wait3A_95 = arith.constant 0 : i32
      %dma_wait3A_96 = tpu.memref_slice %arg14[%dma_wait3A_95] : memref<2048xf32, #tpu.memory_space<vmem>> -> memref<128xf32, #tpu.memory_space<vmem>>
      %dma_wait3A_97 = arith.constant 0 : i32
      %dma_wait3A_98 = tpu.memref_slice %arg4[%dma_wait3A_97] : memref<4194304xf32, #tpu.memory_space<hbm>> -> memref<128xf32, #tpu.memory_space<hbm>>
      tpu.wait_dma2 semaphore(%arg17 : memref<!tpu.dma_semaphore, #tpu.memory_space<semaphore_mem>>) src(%dma_wait3A_98 : memref<128xf32, #tpu.memory_space<hbm>>) dst(%dma_wait3A_96 : memref<128xf32, #tpu.memory_space<vmem>>)
    }
    return
  }
}

module attributes {stable_mosaic.version = 14 : i64} {
  func.func @_bilinear_body(%arg0: i32, %arg1: memref<1xf32, #tpu.memory_space<smem>>, %arg2: memref<4096x128xf32, #tpu.memory_space<vmem>>, %arg3: memref<4096x128xf32, #tpu.memory_space<vmem>>, %arg4: memref<64x64xf32, #tpu.memory_space<vmem>>, %arg5: memref<1x1x4096xf32, #tpu.memory_space<vmem>>) attributes {dimension_semantics = [#tpu.dimension_semantics<arbitrary>], iteration_bounds = array<i64: 4>, scalar_prefetch = 0 : i64, scratch_operands = 0 : i64, tpu.core_type = #tpu.core_type<tc>, window_params = [{transform_indices = @transform_0, window_bounds = array<i64: 1>}, {transform_indices = @transform_1, window_bounds = array<i64: 4096, 128>}, {transform_indices = @transform_2, window_bounds = array<i64: 4096, 128>}, {pipeline_mode = #tpu.pipeline_mode<synchronous>, transform_indices = @transform_3, window_bounds = array<i64: 64, 64>}, {transform_indices = @transform_4, window_bounds = array<i64: 1, 1, 4096>}]} {
    %get3A = arith.constant 0 : index
    %get3A_0 = arith.constant 0 : index
    %get3A_1 = vector.load %arg2[%get3A, %get3A_0] : memref<4096x128xf32, #tpu.memory_space<vmem>>, vector<4096x64xf32>
    %get3A_2 = arith.constant 0 : index
    %get3A_3 = arith.constant 0 : index
    %get3A_4 = vector.load %arg3[%get3A_2, %get3A_3] : memref<4096x128xf32, #tpu.memory_space<vmem>>, vector<4096x64xf32>
    %get3A_5 = arith.constant 0 : index
    %get3A_6 = arith.constant 0 : index
    %get3A_7 = vector.load %arg4[%get3A_5, %get3A_6] : memref<64x64xf32, #tpu.memory_space<vmem>>, vector<64x64xf32>
    %dot_general3A = arith.constant dense<0.000000e+00> : vector<4096x64xf32>
    %dot_general3A_8 = tpu.matmul %get3A_1, %get3A_7, %dot_general3A {dimension_numbers = #tpu.dot_dimension_numbers<[1], [0], [0], [1], [0, 0, 1, 1], [], []>, transpose_lhs_hint = false} : vector<4096x64xf32>, vector<64x64xf32>, vector<4096x64xf32> -> vector<4096x64xf32>
    %mul3A = arith.mulf %dot_general3A_8, %get3A_4 : vector<4096x64xf32>
    %reduce_sum3A = arith.constant dense<0.000000e+00> : vector<4096xf32>
    %reduce_sum3A_9 = vector.multi_reduction <add>, %mul3A, %reduce_sum3A [1] : vector<4096x64xf32> to vector<4096xf32>
    %get3A_10 = arith.constant 0 : index
    %get3A_11 = memref.load %arg1[%get3A_10] : memref<1xf32, #tpu.memory_space<smem>>
    %add3A = vector.broadcast %get3A_11 : f32 to vector<4096xf32>
    %add3A_12 = arith.addf %reduce_sum3A_9, %add3A : vector<4096xf32>
    %reshape3A = vector.shape_cast %add3A_12 : vector<4096xf32> to vector<1x1x4096xf32>
    %swap3A = arith.constant 0 : index
    %swap3A_13 = arith.constant 0 : index
    %swap3A_14 = arith.constant 0 : index
    %swap3A_15 = vector.load %arg5[%swap3A, %swap3A_13, %swap3A_14] : memref<1x1x4096xf32, #tpu.memory_space<vmem>>, vector<1x1x4096xf32>
    tpu.vector_store %arg5[%swap3A, %swap3A_13, %swap3A_14], %reshape3A {strides = array<i32>} : memref<1x1x4096xf32, #tpu.memory_space<vmem>>, vector<1x1x4096xf32>,
    return
  }
  func.func @transform_0(%arg0: i32) -> i32 {
    %c0_i32 = arith.constant 0 : i32
    %c0_i32_0 = arith.constant 0 : i32
    return %c0_i32 : i32
  }
  func.func @transform_1(%arg0: i32) -> (i32, i32) {
    %c0_i32 = arith.constant 0 : i32
    %c0_i32_0 = arith.constant 0 : i32
    return %arg0, %c0_i32 : i32, i32
  }
  func.func @transform_2(%arg0: i32) -> (i32, i32) {
    %add3A = arith.constant 4 : i32
    %add3A_0 = arith.addi %arg0, %add3A : i32
    %c0_i32 = arith.constant 0 : i32
    %c0_i32_1 = arith.constant 0 : i32
    return %add3A_0, %c0_i32 : i32, i32
  }
  func.func @transform_3(%arg0: i32) -> (i32, i32) {
    %c0_i32 = arith.constant 0 : i32
    %c0_i32_0 = arith.constant 0 : i32
    %c0_i32_1 = arith.constant 0 : i32
    return %c0_i32, %c0_i32_0 : i32, i32
  }
  func.func @transform_4(%arg0: i32) -> (i32, i32, i32) {
    %c0_i32 = arith.constant 0 : i32
    %c0_i32_0 = arith.constant 0 : i32
    %c0_i32_1 = arith.constant 0 : i32
    return %arg0, %c0_i32, %c0_i32_0 : i32, i32, i32
  }
}

</mosaic_0001>

<sc_bundles>
// kernel: kernel.4.cloned.1.call-start
scs
__scs_entry_jumppad:
0x0: {  	(pc) =	sbr.rel $0x88, $3  }
0x1: {  	(tag) =	ssettag $0x0;
	lr =	simm.s32 $0x1  }
0x2: {  	[smem:$0x3F9D] =	sst lr;
	_ =	strace $0xD0000000  }
0x3: {  	_ = 	snop  }
0x4: {  	_ = 	snop  }
0x5: {  	_ = 	snop  }
0x6: {  	_ = 	snop  }
0x7: {  	_ = 	snop  }
__scs_overlays_trampoline_lowered:
0x8: {  	[smem:$0x3FAC] =	sst s0  }
0x9: {  	[smem:$0x3FAD] =	sst s1  }
0xa: {  	[smem:$0x3FAE] =	sst s2  }
0xb: {  	[smem:$0x3FAF] =	sst s3  }
0xc: {  	[smem:$0x3FB0] =	sst s4  }
0xd: {  	[smem:$0x3FB1] =	sst s5  }
0xe: {  	[smem:$0x3FB2] =	sst s6  }
0xf: {  	[smem:$0x3FB3] =	sst s7  }
0x10: {  	[smem:$0x3FB4] =	sst s8  }
0x11: {  	[smem:$0x3FB5] =	sst s9;
	s0 =	simm.s32 @!p0 $0x0  }
0x12: {  	s1 =	sld [smem:$0x3F9B];
	s0 =	simm.s32 @p0 $0x1  }
0x13: {  	[smem:$0x3FB6] =	sst s0;
	s0 =	simm.s32 @!p1 $0x0  }
0x14: {  	s2 =	sld [smem:$0x3F9A];
	s0 =	simm.s32 @p1 $0x1  }
0x15: {  	[smem:$0x3FB7] =	sst s0;
	s0 =	simm.s32 @!p2 $0x0  }
0x16: {  	s3 =	sld [smem:$0x3FDB];
	s0 =	simm.s32 @p2 $0x1  }
0x17: {  	s4 =	simm.s32 $0x1BF5;
	[smem:$0x3FB9] =	sst s0  }
0x18: {  	s0 =	sld [smem:$0x3F9C];
	_ =	swait.ge [sflag:s4], $0x0  }
0x19: {  	s7 =	sld [smem:$0x3F9D]  }
0x1a: {  	s8 =	sadd.s32 $0xFFFFE003, lr  }
0x1b: {  	s9 =	sadd.s32 $0xFFFFFEF7, lr;
	s5 =	simm.s32 $0xFFFFFFFF;
	p2 =	slt.u32 s8, $0xFFFFF086  }
0x1c: {  	p1 =	slt.u32 s9, $0xF7A;
	s5 =	simm.s32 @!p2 $0x0  }
0x1d: {  	s5 =	simm.s32 @p1 $0x1;
	p0 =	seq.s32 s7, s2  }
0x1e: {  	s7 =	smul.u32 @!p0 $0xF7A, s2;
	p2 =	seq.s32 @!p0 s5, $0x0  }
0x1f: {  	s9 =	smul.u32 $0xF7A, s1;
	s8 =	simm.s32 @!p0 $0x1BF5;
	p2 =	por !p2, p0  }
0x20: {  	[sflag:s8] =	ssyncset.s32 @!p0 $0xFFFFF086;
	s6 =	sadd.s32 @!p0 s3, s7;
	s7 =	simm.s32 @!p0 $0x108  }
0x21: {  	s3 =	sadd.s32 s3, s9;
	s6 =	sadd.s32 @!p0 $0x88, s6;
	s7 =	simm.s32 @p2 $0x1082  }
0x22: {  	[simem:s7], [sflag:s8] =	dma.local @!p0 [hbm:s6], $0xF7A  }
0x23: {  	s9 =	sor.u32 $0xD0000000, s2;
	s6 =	simm.s32 $0x108;
	_ =	swait.ge @!p0 [sflag:s8], $0x0  }
0x24: {  	s3 =	sadd.s32 $0x88, s3;
	s6 =	simm.s32 @!p1 $0x1082;
	[sflag:s4] =	ssyncset.s32 $0xFFFFF086  }
0x25: {  	[simem:s6], [sflag:s4] =	dma.local [hbm:s3], $0xF7A  }
0x26: {  	[smem:$0x3F9D] =	sst s1;
	(tag) =	ssettag s2;
	_ =	strace s9  }
0x27: {  	s1 =	sld [smem:$0x3FAD]  }
0x28: {  	s2 =	sld [smem:$0x3FAE]  }
0x29: {  	s4 =	sld [smem:$0x3FB0]  }
0x2a: {  	p0 =	seq.s32 s5, $0x0;
	s5 =	sld [smem:$0x3FB1]  }
0x2b: {  	s6 =	sld [smem:$0x3FB2]  }
0x2c: {  	s7 =	sld [smem:$0x3FB3]  }
0x2d: {  	s3 =	simm.s32 $0x108;
	s8 =	sld [smem:$0x3FB4]  }
0x2e: {  	s3 =	simm.s32 @!p0 $0x1082;
	s9 =	sld [smem:$0x3FB5]  }
0x2f: {  	lr =	sadd.s32 s0, s3;
	s0 =	sld [smem:$0x3FAC]  }
0x30: {  	s3 =	sld [smem:$0x3FAF]  }
0x31: {  	[smem:$0x3FB8] =	sst s10  }
0x32: {  	s10 =	sld [smem:$0x3FB6];
	_ =	sdelay $0x3  }
0x33: {  	p0 =	seq.s32 s10, $0x1;
	s10 =	sld [smem:$0x3FB8];
	_ =	sdelay $0x3  }
0x34: {  	[smem:$0x3FB8] =	sst s10  }
0x35: {  	s10 =	sld [smem:$0x3FB7];
	_ =	sdelay $0x3  }
0x36: {  	p1 =	seq.s32 s10, $0x1;
	s10 =	sld [smem:$0x3FB8];
	_ =	sdelay $0x3  }
0x37: {  	[smem:$0x3FB8] =	sst s10  }
0x38: {  	s10 =	sld [smem:$0x3FB9]  }
0x39: {  	_ = 	snop;
	(pc) =	sbr.ind lr, $3  }
0x3a: {  	_ = 	snop  }
0x3b: {  	_ = 	snop  }
0x3c: {  	p2 =	seq.s32 s10, $0x1;
	s10 =	sld [smem:$0x3FB8]  }
0x3d: {  	_ =	shalt  }
0x3e: {  	_ =	shalt  }
0x3f: {  	_ =	shalt  }
0x40: {  	_ =	shalt  }
0x41: {  	_ =	shalt  }
0x42: {  	_ =	shalt  }
0x43: {  	_ =	shalt  }
0x44: {  	_ =	shalt  }
0x45: {  	_ =	shalt  }
0x46: {  	_ =	shalt  }
0x47: {  	_ =	shalt  }
0x48: {  	_ =	shalt  }
0x49: {  	_ =	shalt  }
0x4a: {  	_ =	shalt  }
0x4b: {  	_ =	shalt  }
0x4c: {  	_ =	shalt  }
0x4d: {  	_ =	shalt  }
0x4e: {  	_ =	shalt  }
0x4f: {  	_ =	shalt  }
0x50: {  	_ =	shalt  }
0x51: {  	_ =	shalt  }
0x52: {  	_ =	shalt  }
0x53: {  	_ =	shalt  }
0x54: {  	_ =	shalt  }
0x55: {  	_ =	shalt  }
0x56: {  	_ =	shalt  }
0x57: {  	_ =	shalt  }
0x58: {  	_ =	shalt  }
0x59: {  	_ =	shalt  }
0x5a: {  	_ =	shalt  }
0x5b: {  	_ =	shalt  }
0x5c: {  	_ =	shalt  }
0x5d: {  	_ =	shalt  }
0x5e: {  	_ =	shalt  }
0x5f: {  	_ =	shalt  }
0x60: {  	_ =	shalt  }
0x61: {  	_ =	shalt  }
0x62: {  	_ =	shalt  }
0x63: {  	_ =	shalt  }
0x64: {  	_ =	shalt  }
0x65: {  	_ =	shalt  }
0x66: {  	_ =	shalt  }
0x67: {  	_ =	shalt  }
0x68: {  	_ =	shalt  }
0x69: {  	_ =	shalt  }
0x6a: {  	_ =	shalt  }
0x6b: {  	_ =	shalt  }
0x6c: {  	_ =	shalt  }
0x6d: {  	_ =	shalt  }
0x6e: {  	_ =	shalt  }
0x6f: {  	_ =	shalt  }
0x70: {  	_ =	shalt  }
0x71: {  	_ =	shalt  }
0x72: {  	_ =	shalt  }
0x73: {  	_ =	shalt  }
0x74: {  	_ =	shalt  }
0x75: {  	_ =	shalt  }
0x76: {  	_ =	shalt  }
0x77: {  	_ =	shalt  }
0x78: {  	_ =	shalt  }
0x79: {  	_ =	shalt  }
0x7a: {  	_ =	shalt  }
0x7b: {  	_ =	shalt  }
0x7c: {  	_ =	shalt  }
0x7d: {  	_ =	shalt  }
0x7e: {  	_ =	shalt  }
0x7f: {  	_ =	shalt  }
0x80: {  	_ =	shalt  }
0x81: {  	_ =	shalt  }
0x82: {  	_ =	shalt  }
0x83: {  	_ =	shalt  }
0x84: {  	_ =	shalt  }
0x85: {  	_ =	shalt  }
0x86: {  	_ =	shalt  }
0x87: {  	_ =	shalt  }
.Lfunc_end0:
.L_simem_size_0:
called_computation_lowered:
.L_overlay_start_0:
0x88: {  	s2 =	sld [smem:$0x3FD9]  }
0x89: {  	s3 =	sld [smem:$0x3FFE];
	_ =	sdelay $0x1  }
0x8a: {  	s1 =	srdreg.scid  }
0x8b: {  	s0 =	sand.u32 $0x1, s1  }
0x8c: {  	s17 =	sshll.u32 s0, $0xA;
	s2 =	sadd.s32 s3, s2  }
0x8d: {  	s2 =	sadd.s32 s2, s17  }
0x8e: {  	[smem:$0x3FC4] =	sst s2  }
0x8f: {  	_ = 	snop  }
0x90: {  	s2 =	sld [smem:$0x3FC8];
	(tm) =	ssettm $0x1  }
0x91: {  	s18 =	sld [smem:$0x3FFB];
	_ =	sdelay $0x3  }
0x92: {  	_ =	strace s18  }
0x93: {  	s3 =	sld [smem:$0x3FFC];
	_ =	sdelay $0x3  }
0x94: {  	_ =	strace s3  }
0x95: {  	s3 =	sld [smem:$0x3FFD];
	_ =	sdelay $0x3  }
0x96: {  	_ =	strace s3  }
0x97: {  	_ =	strace $0x8FFFFFFF  }
0x98: {  	s19 =	sld [smem:$0x3FDB];
	_ =	sdelay $0x1  }
0x99: {  	s4 =	simm.s32 $_scs_section_size  }
0x9a: {  	s5 =	simm.s32 $_size__tile_overlayer_lowered;
	s6 =	simm.s32 $_tile_overlayer_lowered  }
0x9b: {  	s22 =	simm.s32 $0x1BFF;
	s21 =	sshll.u32 s6, $0x1;
	s3 =	sadd.s32 s4, s19  }
0x9c: {  	s7 =	simm.s32 $0x0;
	s20 =	sshll.u32 s5, $0x1;
	s5 =	sadd.s32 s21, s3  }
0x9d: {  	[timem:s7], [sflag:s22] =	dma.local [hbm:s5], s20  }
0x9e: {  	_ =	swait.ge [sflag:s22], s20  }
0x9f: {  	s4 =	ssub.s32 $0x0, s20;
	[sflag:s22] =	ssyncset.done $0x0  }
0xa0: {  	[sflag:s22] =	ssyncadd.s32 s4;
	_ =	sdelay $0x1  }
0xa1: {  	s23 =	simm.s32 $0x1B8B  }
0xa2: {  	_ =	swait.ge [sflag:s23], $0x1  }
0xa3: {  	[sflag:s23] =	ssyncset.done $0x0  }
0xa4: {  	s25 =	simm.s32 $0x1B8E;
	s24 =	sld [smem:$0x3FFE];
	[sflag:s23] =	ssyncadd.s32 $0xFFFFFFFF  }
0xa5: {  	s26 =	simm.s32 $execute0_lowered;
	[smem:$0x3FD2] =	sst s25  }
0xa6: {  	s5 =	sshll.u32 s26, $0x1;
	_ =	strace $0x80000046;
	[dreg:$0x1] =	wrdreg $0xFFFFFFFF  }
0xa7: {  	s28 =	simm.s32 $_size_execute0_lowered;
	s3 =	sadd.s32 s3, s5;
	[dreg:$0x0] =	wrdreg $0x0  }
0xa8: {  	s5 =	sshll.u32 s28, $0x1;
	[dreg:$0x2] =	wrdreg s3  }
0xa9: {  	[dreg:$0x3] =	wrdreg s5  }
0xaa: {  	[dreg:$0x4] =	wrdreg $0xC0  }
0xab: {  	_ =	task [dreg:s7], $0x5FFFF  }
0xac: {  	[dreg:$0x1] =	wrdreg $0xFFFFFFFF  }
0xad: {  	[dreg:$0x0] =	wrdreg $0x60  }
0xae: {  	[dreg:$0x2] =	wrdreg s2  }
0xaf: {  	[dreg:$0x3] =	wrdreg s24  }
0xb0: {  	[dreg:$0x4] =	wrdreg $0x9  }
0xb1: {  	_ =	task.clear_ibuf [dreg:s7], $0x5FFFF;
	_ =	strace $0x90000046  }
0xb2: {  	s29 =	simm.s32 $0x9;
	_ =	strace $0x80000048  }
0xb3: {  	_ =	swait.ge [sflag:s29], $0x1  }
0xb4: {  	[sflag:s29] =	ssyncadd.s32 $0xFFFFFFFF  }
0xb5: {  	_ =	strace $0x90000048  }
0xb6: {  	_ =	sfence  }
0xb7: {  	s30 =	sld [smem:$0x0];
	_ =	sdelay $0x2  }
0xb8: {  	s31 =	sshll.u32 s1, $0xD;
	s1 =	sshrl.u32 s1, $0x2  }
0xb9: {  	s3 =	sand.u32 $0x4000, s31;
	s1 =	sadd.s32 s1, s30  }
0xba: {  	s0 =	sor.u32 s3, s0;
	s1 =	sshll.u32 s1, $0x11  }
0xbb: {  	s0 =	sor.u32 s1, s0  }
0xbc: {  	s0 =	sadd.s32 $0x8F2B, s0  }
0xbd: {  	[sflag:s0] =	ssyncadd.remote.s32 $0x1  }
0xbe: {  	_ =	sfence.sel $0xFFFF  }
0xbf: {  	[dreg:$0x0] =	wrdreg $0xFFFFFFFF;
	(pc) =	sbr.abs _section_cstart, $3  }
0xc0: {  	[dreg:$0x1] =	wrdreg $0xFFFFFFFF  }
0xc1: {  	_ =	task.clear_ibuf [dreg:s7], $0x2FFFF;
	_ =	strace $0x9FFFFFFF  }
0xc2: {  	(tm) =	ssettm $0x7FFFFFFF  }
0xc3: {  	_ =	shalt  }
tec
execute0_lowered:
.L_overlay_start_1:
0x0: {  	(tag) =	ssettag $0x1  }
0x1: {  	v0 =	vimm.s32 $0x1380  }
0x2: {  	vm14 =	vcmask $0x300;
	vm12 =	vcmask $0x704;
	vm13 =	vcmask $0xB08  }
0x3: {  	vm11 =	vcmask $0xF0C;
	vm10 =	vcmask $0x1310;
	vm9 =	vcmask $0x1714  }
0x4: {  	vm8 =	vcmask $0x1B18;
	vm7 =	vcmask $0x1F1C;
	vm6 =	vcmask $0x2320  }
0x5: {  	vm5 =	vcmask $0x2724;
	vm4 =	vcmask $0x2B28;
	vm3 =	vcmask $0x2F2C  }
0x6: {  	vm1 =	vcmask $0x3330;
	vm2 =	vcmask $0x3734;
	vm0 =	vcmask $0x3B38  }
0x7: {  	v9 =	vimm.s32 $0x3380;
	v10 =	vimm.s32 $0x5380;
	v11 =	vimm.s32 $0x7380  }
0x8: {  	v0 =	vsel vm14, $0x0, v0;
	v9 =	vsel vm14, $0x2000, v9;
	v10 =	vsel vm14, $0x4000, v10  }
0x9: {  	s0 =	srdreg.scid;
	s1 =	stileid.u32;
	v11 =	vsel vm14, $0x6000, v11;
	v0 =	vsel vm12, $0x80, v0;
	v9 =	vsel vm12, $0x2080, v9  }
0xa: {  	s9 =	rddreg [dreg:$0x0];
	s4 =	sand.u32 $0x1, s0;
	s20 =	sshll.u32 s1, $0x1;
	v10 =	vsel vm12, $0x4080, v10;
	v11 =	vsel vm12, $0x6080, v11;
	v0 =	vsel vm13, $0x100, v0  }
0xb: {  	s21 =	rddreg [dreg:$0x1];
	s0 =	sor.u32 s4, s20;
	v9 =	vsel vm13, $0x2100, v9;
	v10 =	vsel vm13, $0x4100, v10;
	v11 =	vsel vm13, $0x6100, v11  }
0xc: {  	s1 =	simm.s32 $0x1;
	p0 =	sne.s32 s0, $0x0;
	s2 =	smul.u32 $0x3D, s0;
	v0 =	vsel vm11, $0x180, v0;
	v9 =	vsel vm11, $0x2180, v9;
	v10 =	vsel vm11, $0x4180, v10  }
0xd: {  	s8 =	simm.s32 $0x3D;
	s10 =	simm.s32 $0x1;
	s1 =	simm.s32 @!p0 $0x0;
	v11 =	vsel vm11, $0x6180, v11;
	v0 =	vsel vm10, $0x200, v0;
	v9 =	vsel vm10, $0x2200, v9  }
0xe: {  	s3 =	smul.u32 $0x7A00, s0;
	s5 =	smax.u32 s0, $0x1E;
	s1 =	sadd.s32 s1, s2;
	v10 =	vsel vm10, $0x4200, v10;
	v11 =	vsel vm10, $0x6200, v11;
	v0 =	vsel vm9, $0x280, v0  }
0xf: {  	s16 =	simm.s32 $0x3A;
	s5 =	sshll.u32 s5, $0x6;
	s2 =	sshll.u32 s1, $0x9;
	v9 =	vsel vm9, $0x2280, v9;
	v10 =	vsel vm9, $0x4280, v10;
	v11 =	vsel vm9, $0x6280, v11  }
0x10: {  	s18 =	simm.s32 $0x38;
	s14 =	simm.s32 $0x3;
	s3 =	sadd.s32 s5, s3;
	v1 =	vsel vm8, $0x300, v0;
	v0 =	vmov s2;
	v9 =	vsel vm8, $0x2300, v9  }
0x11: {  	s29 =	simm.s32 $0x1C000;
	s30 =	simm.s32 $0x1C880;
	s3 =	sadd.s32 $0x7480, s3;
	v10 =	vsel vm8, $0x4300, v10;
	v11 =	vsel vm8, $0x6300, v11;
	v2 =	vsel vm7, $0x380, v1  }
0x12: {  	s31 =	simm.s32 $0x1D100;
	s6 =	sadd.s32 $0x800, s21;
	s7 =	sadd.s32 $0x1800, s21;
	v1 =	vmov s3;
	v9 =	vsel vm7, $0x2380, v9;
	v10 =	vsel vm7, $0x4380, v10  }
0x13: {  	s24 =	sadd.s32 $0xC00, s21;
	s25 =	sadd.s32 $0x1000, s21;
	s5 =	simm.s32 $0x0;
	v11 =	vsel vm7, $0x6380, v11;
	v3 =	vsel vm6, $0x1000, v2;
	v2 =	vimm.s32 $0x0  }
0x14: {  	s19 =	sadd.s32 $0x600, s9;
	s4 =	ssub.s32 $0x2, s4;
	[smem:$0x7FF] =	sst s5;
	v9 =	vsel vm6, $0x3000, v9;
	v10 =	vsel vm6, $0x5000, v10;
	v11 =	vsel vm6, $0x7000, v11  }
0x15: {  	s22 =	sshrl.u32 s4, $0x1;
	_ =	strace $0x80000047;
	[dreg:$0x3] =	wrdreg s6;
	v4 =	vsel vm5, $0x1080, v3;
	v3 =	vlaneseq.u32;
	v9 =	vsel vm5, $0x3080, v9  }
0x16: {  	s26 =	sadd.s32 $0xF4200, s9;
	s4 =	ssub.s32 s4, s22;
	[dreg:$0x7] =	wrdreg s24;
	v10 =	vsel vm5, $0x5080, v10;
	v11 =	vsel vm5, $0x7080, v11;
	v5 =	vsel vm4, $0x1100, v4  }
0x17: {  	s8 =	simm.s32 @!p0 $0x3E;
	s16 =	simm.s32 @!p0 $0x3B;
	[dreg:$0x8] =	wrdreg s25;
	v4 =	vor.u32 $0x810, v3;
	v9 =	vsel vm4, $0x3100, v9;
	v10 =	vsel vm4, $0x5100, v10  }
0x18: {  	s18 =	simm.s32 @!p0 $0x39;
	s28 =	smax.u32 s4, $0x1;
	[dreg:$0xb] =	wrdreg s26;
	v11 =	vsel vm4, $0x7100, v11;
	v6 =	vsel vm3, $0x1180, v5;
	v5 =	vmul.u32 $0xFFFFFFFF, v3  }
0x19: {  	s4 =	simm.s32 $0x1D380;
	s23 =	sadd.s32 s9, s2;
	[dreg:$0xc] =	wrdreg s28;
	v9 =	vsel vm3, $0x3180, v9;
	v10 =	vsel vm3, $0x5180, v10;
	v11 =	vsel vm3, $0x7180, v11  }
0x1a: {  	s24 =	simm.s32 $0x2000;
	s25 =	simm.s32 $0xA000;
	s26 =	simm.s32 $0x12000;
	v7 =	vsel vm1, $0x1200, v6;
	v6 =	vadd.s32 $0x1, v3;
	v9 =	vsel vm1, $0x3200, v9  }
.Ltmp0:
0x1b: {  	s11 =	sadd.s32 $0x200, s23;
	[dreg:$0x4] =	wrdreg s23;
	v8 =	vsel vm2, $0x1280, v7;
	v7 =	vor.u32 $0x220, v3;
	v12 =	vsel vm2, $0x3280, v9;
	(pc) =	sbr.rel .LBB2_1-.Ltmp0, $4  }
0x1c: {  	s9 =	simm.s32 $0x0;
	s3 =	sadd.s32 $0x1400, s21;
	[dreg:$0x5] =	wrdreg s11;
	v9 =	vsel vm1, $0x5200, v10;
	v10 =	vsel vm1, $0x7200, v11;
	v8 =	vsel vm0, $0x1300, v8  }
0x1d: {  	s6 =	sadd.s32 $0x400, s23;
	[dreg:$0x9] =	wrdreg s3;
	s3 =	simm.s32 $0x39;
	v11 =	vsel vm2, $0x5280, v9;
	v13 =	vsel vm2, $0x7280, v10;
	v9 =	vmul.u32 $0x80, v3  }
0x1e: {  	[dreg:$0x6] =	wrdreg s6;
	s6 =	simm.s32 $0x1A000;
	s3 =	simm.s32 @!p0 $0x3A;
	v10 =	vsel vm0, $0x3300, v12;
	v11 =	vsel vm0, $0x5300, v11;
	v12 =	vsel vm0, $0x7300, v13  }
0x1f: {  	p0 =	sne.s32 s0, $0x1F;
	s0 =	simm.s32 $0x2;
	[dreg:$0xa] =	wrdreg s3;
	v13 =	vor.u32 $0x800, v9;
	v14 =	vor.u32 $0x1000, v9;
	v15 =	vor.u32 $0x1800, v9  }
.LBB2_64:
0x20: {  	[sflag:s0] =	ssyncadd.s32 $0xFFFFFF80  }
.LBB2_65:
0x21: {  	s9 =	sadd.s32 $0x1, s9;
	s3 =	rddreg [dreg:$0xc]  }
0x22: {  	p1 =	sne.s32 s9, s3  }
.Ltmp1:
0x23: {  	_ = 	snop;
	(pc) =	sbr.rel @!p1 .LBB2_66-.Ltmp1, $1  }
0x24: {  	_ =	sdelay $0x3  }
.LBB2_1:
0x25: {  	[dreg:$0xd] =	wrdreg s9  }
0x26: {  	s3 =	rddreg [dreg:$0x4]  }
0x27: {  	s21 =	simm.s32 $0x1000;
	s11 =	simm.s32 $0x7A1400;
	s22 =	rddreg [dreg:$0x5]  }
0x28: {  	[tilespmem:s24], [sflag:$0x1] =	stream.strided.gather [hbm4b:s3+s21], $0x8000, s11, s21, $0x38;
	[tilespmem:$0x1DE00] =	vst v63  }
0x29: {  	s23 =	rddreg [dreg:$0x6]  }
0x2a: {  	[tilespmem:s25], [sflag:$0x1] =	stream.strided.gather [hbm4b:s22+s21], $0x8000, s11, s21, $0x38;
	[tilespmem:$0x1DE00] =	vst v63  }
0x2b: {  	[smem:$0x0] =	sst s5  }
0x2c: {  	[tilespmem:s26], [sflag:$0x1] =	stream.strided.gather [hbm4b:s23+s21], $0x8000, s11, s21, $0x38;
	[tilespmem:$0x1DE00] =	vst v63  }
0x2d: {  	s28 =	rddreg [dreg:$0x3]  }
0x2e: {  	[tilespmem:s5], [sflag:$0x3] =	stream.linear.gather [hbm4b:s28+s5], $0x2000, $0x38;
	[tilespmem:$0x1DE00] =	vst v63  }
0x2f: {  	_ =	swait.ge [sflag:s14], $0x2000  }
0x30: {  	[sflag:s14] =	ssyncset.done $0x0  }
0x31: {  	[sflag:s14] =	ssyncadd.s32 $0xFFFFE000  }
0x32: {  	v16 =	vld [tilespmem:s5+$0x0];
	_ =	sdelay $0x4  }
0x33: {  	v17 =	vsub.s32 v16, v0;
	v18 =	vsub.s32 v1, v16  }
0x34: {  	vm0 =	vlt.u32 v17, $0x7FFFFFFF;
	vm1 =	vgt.s32 v18, $0x0  }
0x35: {  	vm0 =	vmand vm0, vm1  }
0x36: {  	v17 =	vsel vm0, $0x1, v2  }
0x37: {  	(xrf0) =	vadd.scan.msk.s32 $0xffff, v17;
	_ =	sdelay $0x2  }
0x38: {  	v17 =	vmov s5  }
0x39: {  	v17 =	vadd.s32 $0xFFFFFFFF, v17  }
0x3a: {  	v17 =	vbroadcast v17, $0x0  }
0x3b: {  	v18, _, _ =	vpop (xrf0)  }
0x3c: {  	v17 =	vadd.s32 v18, v17;
	(v2sf) =	vpush v18, $0xF  }
0x3d: {  	v17 =	vsel vm0, v17, v4;
	_ =	sdelay $0x4  }
0x3e: {  	[tilespmem:v17+s29+$0x0] =	vst.idx.msk $0xffff, v16;
	v16 =	vor.u32 s5, v3  }
0x3f: {  	s9 =	simm.s32 $0x10;
	[tilespmem:v17+s30+$0x0] =	vst.idx.msk $0xffff, v16  }
0x40: {  	s12 =	simm.s32 $0x10;
	s3 =	simm.s32 $0x0;
	s11 =	simm.s32 $0x20;
	v16 =	vld [tilespmem:s9+$0x0]  }
.LBB2_2:
0x41: {  	p1 =	sne.s32 s11, $0x1FF0;
	_ =	sdelay $0x3  }
0x42: {  	v17 =	vsub.s32 v16, v0;
	v18 =	vsub.s32 v1, v16  }
0x43: {  	vm0 =	vlt.u32 v17, $0x7FFFFFFF;
	vm1 =	vgt.s32 v18, $0x0  }
0x44: {  	vm0 =	vmand vm0, vm1;
	s13 =	spop (v2sf)  }
0x45: {  	v17 =	vsel vm0, $0x1, v2;
	s3 =	sadd.s32 s3, s13  }
0x46: {  	v18 =	vmov s3;
	(xrf0) =	vadd.scan.msk.s32 $0xffff, v17  }
0x47: {  	v17 =	vadd.s32 $0xFFFFFFFF, v18  }
0x48: {  	v17 =	vbroadcast v17, $0x0;
	_ =	sdelay $0x3  }
0x49: {  	v18, _, _ =	vpop (xrf0)  }
0x4a: {  	v17 =	vadd.s32 v18, v17;
	(v2sf) =	vpush v18, $0xF  }
0x4b: {  	v17 =	vsel vm0, v17, v4;
	_ =	sdelay $0x2  }
.Ltmp2:
0x4c: {  	(pc) =	sbr.rel @p1 .LBB2_2-.Ltmp2, $4  }
0x4d: {  	_ = 	snop  }
0x4e: {  	v18 =	vor.u32 s9, v3;
	s9 =	smov.u32 s11;
	[tilespmem:v17+s29+$0x0] =	vst.idx.msk $0xffff, v16  }
0x4f: {  	s12 =	sadd.s32 $0x10, s12;
	[tilespmem:v17+s30+$0x0] =	vst.idx.msk $0xffff, v18  }
0x50: {  	s11 =	sadd.s32 $0x10, s11;
	v16 =	vld [tilespmem:s12+$0x0]  }
0x51: {  	_ =	sdelay $0x3  }
0x52: {  	v17 =	vsub.s32 v16, v0;
	v18 =	vsub.s32 v1, v16  }
0x53: {  	vm0 =	vlt.u32 v17, $0x7FFFFFFF;
	vm1 =	vgt.s32 v18, $0x0  }
0x54: {  	vm0 =	vmand vm0, vm1  }
0x55: {  	v17 =	vsel vm0, $0x1, v2  }
0x56: {  	(xrf0) =	vadd.scan.msk.s32 $0xffff, v17;
	_ =	sdelay $0x5  }
0x57: {  	v17, _, _ =	vpop (xrf0)  }
0x58: {  	s11 =	spop (v2sf);
	(v2sf) =	vpush v17, $0xF  }
0x59: {  	s3 =	sadd.s32 s3, s11  }
0x5a: {  	v18 =	vmov s3  }
0x5b: {  	v18 =	vadd.s32 $0xFFFFFFFF, v18  }
0x5c: {  	v18 =	vbroadcast v18, $0x0;
	_ =	sdelay $0x1  }
0x5d: {  	v17 =	vadd.s32 v17, v18  }
0x5e: {  	v17 =	vsel vm0, v17, v4;
	_ =	sdelay $0x4  }
0x5f: {  	v18 =	vor.u32 s9, v3;
	[tilespmem:v17+s29+$0x0] =	vst.idx.msk $0xffff, v16  }
0x60: {  	s23 =	simm.s32 $0x0;
	s12 =	rddreg [dreg:$0x7];
	[tilespmem:v17+s30+$0x0] =	vst.idx.msk $0xffff, v18  }
0x61: {  	[tilespmem:s23], [sflag:$0x3] =	stream.linear.gather [hbm4b:s12+s23], $0x2000, $0x38;
	[tilespmem:$0x1DE00] =	vst v63  }
0x62: {  	s22 =	spop (v2sf)  }
0x63: {  	_ =	swait.ge [sflag:s14], $0x2000  }
0x64: {  	[sflag:s14] =	ssyncset.done $0x0  }
0x65: {  	[sflag:s14] =	ssyncadd.s32 $0xFFFFE000  }
0x66: {  	v16 =	vld [tilespmem:s23+$0x0];
	_ =	sdelay $0x4  }
0x67: {  	v17 =	vsub.s32 v16, v0;
	v18 =	vsub.s32 v1, v16  }
0x68: {  	vm14 =	vlt.u32 v17, $0x7FFFFFFF;
	vm15 =	vgt.s32 v18, $0x0  }
0x69: {  	vm0 =	vmand vm14, vm15  }
0x6a: {  	v17 =	vsel vm0, $0x1, v2  }
0x6b: {  	(xrf0) =	vadd.scan.msk.s32 $0xffff, v17;
	_ =	sdelay $0x1  }
0x6c: {  	s9 =	sadd.s32 s3, s22  }
0x6d: {  	v17 =	vmov s9  }
0x6e: {  	v17 =	vadd.s32 $0xFFFFFFFF, v17  }
0x6f: {  	v17 =	vbroadcast v17, $0x0  }
0x70: {  	v18, _, _ =	vpop (xrf0)  }
0x71: {  	v17 =	vadd.s32 v18, v17;
	(v2sf) =	vpush v18, $0xF  }
0x72: {  	v17 =	vsel vm0, v17, v4;
	_ =	sdelay $0x3  }
0x73: {  	s28 =	simm.s32 $0x2000  }
0x74: {  	[tilespmem:v17+s29+$0x0] =	vst.idx.msk $0xffff, v16;
	v16 =	vor.u32 s28, v3  }
0x75: {  	s3 =	simm.s32 $0x10;
	[tilespmem:v17+s30+$0x0] =	vst.idx.msk $0xffff, v16  }
0x76: {  	s11 =	simm.s32 $0x2020;
	s12 =	simm.s32 $0x2010;
	v16 =	vld [tilespmem:s3+$0x0]  }
.LBB2_4:
0x77: {  	p1 =	sne.s32 s11, $0x3FF0;
	_ =	sdelay $0x3  }
0x78: {  	v17 =	vsub.s32 v16, v0;
	v18 =	vsub.s32 v1, v16  }
0x79: {  	vm0 =	vlt.u32 v17, $0x7FFFFFFF;
	vm1 =	vgt.s32 v18, $0x0  }
0x7a: {  	vm0 =	vmand vm0, vm1;
	s13 =	spop (v2sf)  }
0x7b: {  	v17 =	vsel vm0, $0x1, v2;
	s9 =	sadd.s32 s9, s13  }
0x7c: {  	v18 =	vmov s9;
	(xrf0) =	vadd.scan.msk.s32 $0xffff, v17  }
0x7d: {  	v17 =	vadd.s32 $0xFFFFFFFF, v18  }
0x7e: {  	v17 =	vbroadcast v17, $0x0;
	_ =	sdelay $0x3  }
0x7f: {  	v18, _, _ =	vpop (xrf0)  }
0x80: {  	v17 =	vadd.s32 v18, v17;
	(v2sf) =	vpush v18, $0xF  }
0x81: {  	v17 =	vsel vm0, v17, v4;
	_ =	sdelay $0x2  }
.Ltmp3:
0x82: {  	(pc) =	sbr.rel @p1 .LBB2_4-.Ltmp3, $4  }
0x83: {  	_ = 	snop  }
0x84: {  	v18 =	vor.u32 s12, v3;
	s12 =	smov.u32 s11;
	[tilespmem:v17+s29+$0x0] =	vst.idx.msk $0xffff, v16  }
0x85: {  	s3 =	sadd.s32 $0x10, s3;
	[tilespmem:v17+s30+$0x0] =	vst.idx.msk $0xffff, v18  }
0x86: {  	s11 =	sadd.s32 $0x10, s11;
	v16 =	vld [tilespmem:s3+$0x0]  }
0x87: {  	_ =	sdelay $0x3  }
0x88: {  	v17 =	vsub.s32 v16, v0;
	v18 =	vsub.s32 v1, v16  }
0x89: {  	vm0 =	vlt.u32 v17, $0x7FFFFFFF;
	vm1 =	vgt.s32 v18, $0x0  }
0x8a: {  	vm0 =	vmand vm0, vm1  }
0x8b: {  	v17 =	vsel vm0, $0x1, v2  }
0x8c: {  	(xrf0) =	vadd.scan.msk.s32 $0xffff, v17;
	_ =	sdelay $0x5  }
0x8d: {  	v17, _, _ =	vpop (xrf0)  }
0x8e: {  	s3 =	spop (v2sf);
	(v2sf) =	vpush v17, $0xF  }
0x8f: {  	s3 =	sadd.s32 s9, s3  }
0x90: {  	v18 =	vmov s3  }
0x91: {  	v18 =	vadd.s32 $0xFFFFFFFF, v18  }
0x92: {  	v18 =	vbroadcast v18, $0x0;
	_ =	sdelay $0x1  }
0x93: {  	v17 =	vadd.s32 v17, v18  }
0x94: {  	v17 =	vsel vm0, v17, v4;
	_ =	sdelay $0x4  }
0x95: {  	v18 =	vor.u32 s12, v3;
	[tilespmem:v17+s29+$0x0] =	vst.idx.msk $0xffff, v16  }
0x96: {  	s11 =	simm.s32 $0x0;
	s23 =	rddreg [dreg:$0x8];
	[tilespmem:v17+s30+$0x0] =	vst.idx.msk $0xffff, v18  }
0x97: {  	[tilespmem:s11], [sflag:$0x3] =	stream.linear.gather [hbm4b:s23+s11], $0x2000, $0x38;
	[tilespmem:$0x1DE00] =	vst v63  }
0x98: {  	s22 =	spop (v2sf)  }
0x99: {  	_ =	swait.ge [sflag:s14], $0x2000  }
0x9a: {  	[sflag:s14] =	ssyncset.done $0x0  }
0x9b: {  	[sflag:s14] =	ssyncadd.s32 $0xFFFFE000  }
0x9c: {  	v16 =	vld [tilespmem:s11+$0x0];
	_ =	sdelay $0x4  }
0x9d: {  	v17 =	vsub.s32 v16, v0;
	v18 =	vsub.s32 v1, v16  }
0x9e: {  	vm14 =	vlt.u32 v17, $0x7FFFFFFF;
	vm15 =	vgt.s32 v18, $0x0  }
0x9f: {  	vm0 =	vmand vm14, vm15  }
0xa0: {  	v17 =	vsel vm0, $0x1, v2  }
0xa1: {  	(xrf0) =	vadd.scan.msk.s32 $0xffff, v17;
	_ =	sdelay $0x1  }
0xa2: {  	s9 =	sadd.s32 s3, s22  }
0xa3: {  	v17 =	vmov s9  }
0xa4: {  	v17 =	vadd.s32 $0xFFFFFFFF, v17  }
0xa5: {  	v17 =	vbroadcast v17, $0x0  }
0xa6: {  	v18, _, _ =	vpop (xrf0)  }
0xa7: {  	v17 =	vadd.s32 v18, v17;
	(v2sf) =	vpush v18, $0xF  }
0xa8: {  	v17 =	vsel vm0, v17, v4;
	_ =	sdelay $0x3  }
0xa9: {  	s28 =	simm.s32 $0x4000  }
0xaa: {  	[tilespmem:v17+s29+$0x0] =	vst.idx.msk $0xffff, v16;
	v16 =	vor.u32 s28, v3  }
0xab: {  	s3 =	simm.s32 $0x10;
	[tilespmem:v17+s30+$0x0] =	vst.idx.msk $0xffff, v16  }
0xac: {  	s12 =	simm.s32 $0x4010;
	s11 =	simm.s32 $0x4020;
	v16 =	vld [tilespmem:s3+$0x0]  }
.LBB2_6:
0xad: {  	p1 =	sne.s32 s11, $0x5FF0;
	_ =	sdelay $0x3  }
0xae: {  	v17 =	vsub.s32 v16, v0;
	v18 =	vsub.s32 v1, v16  }
0xaf: {  	vm0 =	vlt.u32 v17, $0x7FFFFFFF;
	vm1 =	vgt.s32 v18, $0x0  }
0xb0: {  	vm0 =	vmand vm0, vm1;
	s13 =	spop (v2sf)  }
0xb1: {  	v17 =	vsel vm0, $0x1, v2;
	s9 =	sadd.s32 s9, s13  }
0xb2: {  	v18 =	vmov s9;
	(xrf0) =	vadd.scan.msk.s32 $0xffff, v17  }
0xb3: {  	v17 =	vadd.s32 $0xFFFFFFFF, v18  }
0xb4: {  	v17 =	vbroadcast v17, $0x0;
	_ =	sdelay $0x3  }
0xb5: {  	v18, _, _ =	vpop (xrf0)  }
0xb6: {  	v17 =	vadd.s32 v18, v17;
	(v2sf) =	vpush v18, $0xF  }
0xb7: {  	v17 =	vsel vm0, v17, v4;
	_ =	sdelay $0x2  }
.Ltmp4:
0xb8: {  	(pc) =	sbr.rel @p1 .LBB2_6-.Ltmp4, $4  }
0xb9: {  	_ = 	snop  }
0xba: {  	v18 =	vor.u32 s12, v3;
	s12 =	smov.u32 s11;
	[tilespmem:v17+s29+$0x0] =	vst.idx.msk $0xffff, v16  }
0xbb: {  	s3 =	sadd.s32 $0x10, s3;
	[tilespmem:v17+s30+$0x0] =	vst.idx.msk $0xffff, v18  }
0xbc: {  	s11 =	sadd.s32 $0x10, s11;
	v16 =	vld [tilespmem:s3+$0x0]  }
0xbd: {  	_ =	sdelay $0x3  }
0xbe: {  	v17 =	vsub.s32 v16, v0;
	v18 =	vsub.s32 v1, v16  }
0xbf: {  	vm0 =	vlt.u32 v17, $0x7FFFFFFF;
	vm1 =	vgt.s32 v18, $0x0  }
0xc0: {  	vm0 =	vmand vm0, vm1  }
0xc1: {  	v17 =	vsel vm0, $0x1, v2  }
0xc2: {  	(xrf0) =	vadd.scan.msk.s32 $0xffff, v17;
	_ =	sdelay $0x5  }
0xc3: {  	v17, _, _ =	vpop (xrf0)  }
0xc4: {  	s3 =	spop (v2sf);
	(v2sf) =	vpush v17, $0xF  }
0xc5: {  	s3 =	sadd.s32 s9, s3  }
0xc6: {  	v18 =	vmov s3  }
0xc7: {  	v18 =	vadd.s32 $0xFFFFFFFF, v18  }
0xc8: {  	v18 =	vbroadcast v18, $0x0;
	_ =	sdelay $0x1  }
0xc9: {  	v17 =	vadd.s32 v17, v18  }
0xca: {  	v17 =	vsel vm0, v17, v4;
	_ =	sdelay $0x4  }
0xcb: {  	v18 =	vor.u32 s12, v3;
	[tilespmem:v17+s29+$0x0] =	vst.idx.msk $0xffff, v16  }
0xcc: {  	s11 =	simm.s32 $0x0;
	s23 =	rddreg [dreg:$0x9];
	[tilespmem:v17+s30+$0x0] =	vst.idx.msk $0xffff, v18  }
0xcd: {  	[tilespmem:s11], [sflag:$0x3] =	stream.linear.gather [hbm4b:s23+s11], $0x2000, $0x38;
	[tilespmem:$0x1DE00] =	vst v63  }
0xce: {  	s22 =	spop (v2sf)  }
0xcf: {  	_ =	swait.ge [sflag:s14], $0x2000  }
0xd0: {  	[sflag:s14] =	ssyncset.done $0x0  }
0xd1: {  	[sflag:s14] =	ssyncadd.s32 $0xFFFFE000  }
0xd2: {  	v16 =	vld [tilespmem:s11+$0x0];
	_ =	sdelay $0x4  }
0xd3: {  	v17 =	vsub.s32 v16, v0;
	v18 =	vsub.s32 v1, v16  }
0xd4: {  	vm14 =	vlt.u32 v17, $0x7FFFFFFF;
	vm15 =	vgt.s32 v18, $0x0  }
0xd5: {  	vm0 =	vmand vm14, vm15  }
0xd6: {  	v17 =	vsel vm0, $0x1, v2  }
0xd7: {  	(xrf0) =	vadd.scan.msk.s32 $0xffff, v17;
	_ =	sdelay $0x1  }
0xd8: {  	s9 =	sadd.s32 s3, s22  }
0xd9: {  	v17 =	vmov s9  }
0xda: {  	v17 =	vadd.s32 $0xFFFFFFFF, v17  }
0xdb: {  	v17 =	vbroadcast v17, $0x0  }
0xdc: {  	v18, _, _ =	vpop (xrf0)  }
0xdd: {  	v17 =	vadd.s32 v18, v17;
	(v2sf) =	vpush v18, $0xF  }
0xde: {  	v17 =	vsel vm0, v17, v4;
	_ =	sdelay $0x3  }
0xdf: {  	s28 =	simm.s32 $0x6000  }
0xe0: {  	[tilespmem:v17+s29+$0x0] =	vst.idx.msk $0xffff, v16;
	v16 =	vor.u32 s28, v3  }
0xe1: {  	s3 =	simm.s32 $0x10;
	[tilespmem:v17+s30+$0x0] =	vst.idx.msk $0xffff, v16  }
0xe2: {  	s12 =	simm.s32 $0x6010;
	s11 =	simm.s32 $0x6020;
	v16 =	vld [tilespmem:s3+$0x0]  }
.LBB2_8:
0xe3: {  	p1 =	sne.s32 s11, $0x7FF0;
	_ =	sdelay $0x3  }
0xe4: {  	v17 =	vsub.s32 v16, v0;
	v18 =	vsub.s32 v1, v16  }
0xe5: {  	vm0 =	vlt.u32 v17, $0x7FFFFFFF;
	vm1 =	vgt.s32 v18, $0x0  }
0xe6: {  	vm0 =	vmand vm0, vm1;
	s13 =	spop (v2sf)  }
0xe7: {  	v17 =	vsel vm0, $0x1, v2;
	s9 =	sadd.s32 s9, s13  }
0xe8: {  	v18 =	vmov s9;
	(xrf0) =	vadd.scan.msk.s32 $0xffff, v17  }
0xe9: {  	v17 =	vadd.s32 $0xFFFFFFFF, v18  }
0xea: {  	v17 =	vbroadcast v17, $0x0;
	_ =	sdelay $0x3  }
0xeb: {  	v18, _, _ =	vpop (xrf0)  }
0xec: {  	v17 =	vadd.s32 v18, v17;
	(v2sf) =	vpush v18, $0xF  }
0xed: {  	v17 =	vsel vm0, v17, v4;
	_ =	sdelay $0x2  }
.Ltmp5:
0xee: {  	(pc) =	sbr.rel @p1 .LBB2_8-.Ltmp5, $4  }
0xef: {  	_ = 	snop  }
0xf0: {  	v18 =	vor.u32 s12, v3;
	s12 =	smov.u32 s11;
	[tilespmem:v17+s29+$0x0] =	vst.idx.msk $0xffff, v16  }
0xf1: {  	s3 =	sadd.s32 $0x10, s3;
	[tilespmem:v17+s30+$0x0] =	vst.idx.msk $0xffff, v18  }
0xf2: {  	s11 =	sadd.s32 $0x10, s11;
	v16 =	vld [tilespmem:s3+$0x0]  }
0xf3: {  	_ =	sdelay $0x3  }
0xf4: {  	v17 =	vsub.s32 v16, v0;
	v18 =	vsub.s32 v1, v16  }
0xf5: {  	vm0 =	vlt.u32 v17, $0x7FFFFFFF;
	vm1 =	vgt.s32 v18, $0x0  }
0xf6: {  	vm0 =	vmand vm0, vm1  }
0xf7: {  	v17 =	vsel vm0, $0x1, v2  }
0xf8: {  	(xrf0) =	vadd.scan.msk.s32 $0xffff, v17;
	_ =	sdelay $0x5  }
0xf9: {  	v17, _, _ =	vpop (xrf0)  }
0xfa: {  	(v2sf) =	vpush v17, $0xF;
	_ =	sdelay $0x5  }
0xfb: {  	s3 =	spop (v2sf)  }
0xfc: {  	s3 =	sadd.s32 s9, s3  }
0xfd: {  	v18 =	vmov s3  }
0xfe: {  	v18 =	vadd.s32 $0xFFFFFFFF, v18  }
0xff: {  	v18 =	vbroadcast v18, $0x0;
	_ =	sdelay $0x1  }
0x100: {  	v17 =	vadd.s32 v17, v18  }
0x101: {  	v17 =	vsel vm0, v17, v4;
	_ =	sdelay $0x1  }
.Ltmp6:
0x102: {  	s28 =	spop (v2sf);
	(pc) =	sbr.rel .LBB2_10-.Ltmp6, $4  }
0x103: {  	s3 =	sadd.s32 s3, s28  }
0x104: {  	s9 =	sadd.s32 $0xF, s3  }
0x105: {  	v18 =	vor.u32 s12, v3;
	[tilespmem:v17+s29+$0x0] =	vst.idx.msk $0xffff, v16;
	s13 =	sshrl.u32 s9, $0x4  }
0x106: {  	s14 =	simm.s32 $0x0;
	s12 =	simm.s32 $0x0;
	[tilespmem:v17+s30+$0x0] =	vst.idx.msk $0xffff, v18;
	v16 =	vadd.s32 s3, v5;
	p1 =	seq.s32 s13, $0x0  }
.LBB2_41:
0x107: {  	[hbm4b:s28+s5] =	stream.linear.scatter [tilespmem:s11], [sflag:$0x2], $0x80, $0x38;
	[tilespmem:$0x1DE00] =	vst v63  }
.LBB2_42:
0x108: {  	p2 =	sge.u32 s15, s18  }
0x109: {  	s3 =	sadd.s32 @!p2 s20, s19  }
0x10a: {  	s9 =	simm.s32 @!p2 $0x1000;
	s11 =	simm.s32 @!p2 $0x7A1400;
	s15 =	simm.s32 @!p2 $0x12000  }
0x10b: {  	[tilespmem:s15], [sflag:$0x1] =	stream.strided.gather @!p2 [hbm4b:s3+s9], $0x8000, s11, s9, $0x38;
	[tilespmem:$0x1DE00] =	vst v63  }
.LBB2_43:
0x10c: {  	s14 =	sadd.s32 $0x1, s14  }
0x10d: {  	p2 =	sne.s32 s14, $0x15  }
.Ltmp7:
0x10e: {  	_ = 	snop;
	(pc) =	sbr.rel @!p2 .LBB2_44-.Ltmp7, $1  }
0x10f: {  	_ =	sdelay $0x3  }
.LBB2_10:
.Ltmp8:
0x110: {  	(pc) =	sbr.rel @p1 .LBB2_17-.Ltmp8, $4  }
0x111: {  	_ = 	snop  }
0x112: {  	s3 =	smul.u32 $0x600, s14;
	_ =	swait.ge [sflag:s10], $0x8000  }
0x113: {  	[sflag:s10] =	ssyncset.done $0x0  }
0x114: {  	s20 =	sadd.s32 s2, s3;
	[sflag:s10] =	ssyncadd.s32 $0xFFFF8000  }
0x115: {  	p3 =	seq.s32 s13, $0x1  }
.Ltmp9:
0x116: {  	_ = 	snop;
	(pc) =	sbr.rel @p3 .LBB2_12-.Ltmp9, $3  }
0x117: {  	_ =	sdelay $0x1  }
0x118: {  	s3 =	sadd.s32 $0x200, s20;
	s28 =	simm.s32 $0x1C000;
	s21 =	simm.s32 $0x1C880  }
0x119: {  	v18 =	vmov s20;
	s15 =	simm.s32 $0x0;
	p2 =	por $0x0, $0x0;
	v19 =	vmov s3;
	v17 =	vld [tilespmem:s28+$0x0];
	s3 =	sadd.s32 $0xFFFFFFFF, s13  }
0x11a: {  	_ =	sdelay $0x1  }
0x11b: {  	v20 =	vadd.s32 s15, v6  }
0x11c: {  	v21 =	vmov s15;
	vm0 =	vgt.s32 v20, $0x0  }
0x11d: {  	v23 =	vsub.s32 v16, v21;
	v20 =	vsub.s32 v17, v18;
	v22 =	vsub.s32 v19, v17  }
0x11e: {  	vm3 =	vgt.s32 v23, $0x0;
	vm1 =	vlt.u32 v20, $0x7FFFFFFF;
	vm2 =	vgt.s32 v22, $0x0  }
0x11f: {  	vm0 =	vmand vm0, vm3;
	vm1 =	vmand vm1, vm2  }
0x120: {  	vm0 =	vmand vm0, vm1  }
0x121: {  	v20 =	vsel vm0, $0x1, v2  }
0x122: {  	(xrf0) =	vadd.scan.msk.s32 $0xffff, v20;
	_ =	sdelay $0x3  }
0x123: {  	v20 =	vadd.s32 $0xFFFFFFFF, v21  }
0x124: {  	v20 =	vbroadcast v20, $0x0  }
0x125: {  	v62, _, _ =	vpop (xrf0)  }
0x126: {  	v20 =	vadd.s32 v62, v20;
	(v2sf) =	vpush v62, $0xF  }
0x127: {  	v20 =	vsel vm0, v20, v7  }
0x128: {  	v63 =	vld [tilespmem:s21+$0x0]  }
0x129: {  	p3 =	seq.s32 s3, $0x1  }
.Ltmp10:
0x12a: {  	_ = 	snop;
	(pc) =	sbr.rel @p3 .LBB2_22-.Ltmp10, $4  }
0x12b: {  	_ = 	snop  }
0x12c: {  	[tilespmem:v20+s31+$0x0] =	vst.idx.msk $0xffff, v17  }
0x12d: {  	s28 =	simm.s32 $0x1C010;
	s11 =	sadd.s32 $0xFFFFFFFF, s3;
	p2 =	por $0x1, $0x1;
	[tilespmem:v20+s4+$0x0] =	vst.idx.msk $0xffff, v63  }
0x12e: {  	s23 =	simm.s32 $0x0;
	s22 =	simm.s32 $0x0;
	s9 =	simm.s32 $0x1C880;
	v17 =	vld [tilespmem:s28+$0x0]  }
.LBB2_23:
0x12f: {  	p3 =	seq.s32 s11, $0x1  }
0x130: {  	s23 =	sadd.s32 $0x10, s23  }
0x131: {  	v20 =	vadd.s32 s23, v6  }
0x132: {  	v21 =	vmov s23;
	vm0 =	vgt.s32 v20, $0x0  }
0x133: {  	v21 =	vsub.s32 v16, v21;
	v20 =	vsub.s32 v17, v18;
	v22 =	vsub.s32 v19, v17  }
0x134: {  	vm3 =	vgt.s32 v21, $0x0;
	vm1 =	vlt.u32 v20, $0x7FFFFFFF;
	vm2 =	vgt.s32 v22, $0x0  }
0x135: {  	vm0 =	vmand vm0, vm3;
	vm1 =	vmand vm1, vm2;
	s3 =	spop (v2sf)  }
0x136: {  	vm0 =	vmand vm0, vm1;
	s22 =	sadd.s32 s22, s3  }
0x137: {  	v20 =	vsel vm0, $0x1, v2;
	v21 =	vmov s22  }
0x138: {  	v21 =	vadd.s32 $0xFFFFFFFF, v21;
	(xrf0) =	vadd.scan.msk.s32 $0xffff, v20  }
0x139: {  	v20 =	vbroadcast v21, $0x0;
	_ =	sdelay $0x4  }
0x13a: {  	v21, _, _ =	vpop (xrf0)  }
0x13b: {  	v20 =	vadd.s32 v21, v20;
	(v2sf) =	vpush v21, $0xF  }
0x13c: {  	s9 =	sadd.s32 $0x10, s9;
	v20 =	vsel vm0, v20, v7  }
0x13d: {  	v21 =	vld [tilespmem:s9+$0x0];
	_ =	sdelay $0x1  }
.Ltmp11:
0x13e: {  	(pc) =	sbr.rel @!p3 .LBB2_23-.Ltmp11, $4  }
0x13f: {  	_ = 	snop  }
0x140: {  	[tilespmem:v20+s31+$0x0] =	vst.idx.msk $0xffff, v17  }
0x141: {  	s28 =	sadd.s32 $0x10, s28;
	[tilespmem:v20+s4+$0x0] =	vst.idx.msk $0xffff, v21  }
0x142: {  	s11 =	sadd.s32 $0xFFFFFFFF, s11;
	v17 =	vld [tilespmem:s28+$0x0]  }
.LBB2_24:
0x143: {  	s3 =	sadd.s32 @p2 $0x10, s23;
	s11 =	simm.s32 $0x0  }
0x144: {  	s11 =	smov.u32 @p2 s3  }
0x145: {  	v20 =	vadd.s32 s11, v6  }
0x146: {  	v21 =	vmov s11;
	vm0 =	vgt.s32 v20, $0x0  }
0x147: {  	v63 =	vsub.s32 v16, v21;
	v18 =	vsub.s32 v17, v18;
	v19 =	vsub.s32 v19, v17  }
0x148: {  	vm3 =	vgt.s32 v63, $0x0;
	vm1 =	vlt.u32 v18, $0x7FFFFFFF;
	vm2 =	vgt.s32 v19, $0x0  }
0x149: {  	vm0 =	vmand vm0, vm3;
	vm1 =	vmand vm1, vm2  }
0x14a: {  	vm0 =	vmand vm0, vm1  }
0x14b: {  	v18 =	vsel vm0, $0x1, v2  }
0x14c: {  	(xrf0) =	vadd.scan.msk.s32 $0xffff, v18;
	_ =	sdelay $0x5  }
0x14d: {  	v18, _, _ =	vpop (xrf0)  }
0x14e: {  	(v2sf) =	vpush v18, $0xF;
	_ =	sdelay $0x1  }
0x14f: {  	s3 =	spop @p2 (v2sf)  }
0x150: {  	s3 =	sadd.s32 @p2 s22, s3  }
0x151: {  	s15 =	smov.u32 @p2 s3  }
0x152: {  	v19 =	vmov s15  }
0x153: {  	v19 =	vadd.s32 $0xFFFFFFFF, v19  }
0x154: {  	v19 =	vbroadcast v19, $0x0;
	_ =	sdelay $0x1  }
0x155: {  	s3 =	sadd.s32 @p2 $0x10, s9;
	v18 =	vadd.s32 v18, v19  }
0x156: {  	s21 =	smov.u32 @p2 s3;
	v18 =	vsel vm0, v18, v7  }
0x157: {  	v19 =	vld [tilespmem:s21+$0x0];
	_ =	sdelay $0x3  }
0x158: {  	[tilespmem:v18+s31+$0x0] =	vst.idx.msk $0xffff, v17;
	s28 =	spop (v2sf)  }
0x159: {  	[tilespmem:v18+s4+$0x0] =	vst.idx.msk $0xffff, v19;
	s9 =	sadd.s32 s15, s28  }
0x15a: {  	p2 =	slt.s32 s9, $0x1  }
.Ltmp12:
0x15b: {  	_ = 	snop;
	(pc) =	sbr.rel @p2 .LBB2_17-.Ltmp12, $1  }
0x15c: {  	_ =	sdelay $0x3  }
0x15d: {  	s15 =	simm.s32 $0x1D100  }
0x15e: {  	v17 =	vld [tilespmem:s15+$0x0];
	_ =	sdelay $0x4  }
0x15f: {  	(v2sf) =	vpush v17, $0x0;
	_ =	sdelay $0xe  }
0x160: {  	s23 =	spop (v2sf)  }
0x161: {  	s15 =	ssub.s32 s23, s20  }
0x162: {  	v17 =	vmov s15  }
0x163: {  	v18 =	vshll.u32 v17, $0x3  }
0x164: {  	v17 =	vand.u32 $0x7F, v17;
	v18 =	vand.u32 $0xFFFFFC00, v18  }
0x165: {  	v17 =	vor.u32 v17, v18  }
0x166: {  	s11 =	simm.s32 $0x1D380;
	p2 =	slt.s32 s12, $0x10;
	v18 =	vadd.s32 v8, v17  }
0x167: {  	v19 =	vld [tilespmem:s11+$0x0];
	s11 =	simm.s32 @!p2 $0x2  }
0x168: {  	_ =	swait.ge @!p2 [sflag:s11], $0x80  }
0x169: {  	[sflag:s11] =	ssyncset.done @!p2 $0x0  }
0x16a: {  	[sflag:s11] =	ssyncadd.s32 @!p2 $0xFFFFFF80  }
0x16b: {  	v18 =	vld.idx.msk [tilespmem:v18+s24+$0x0], $0xffff  }
0x16c: {  	v20 =	vadd.s32 v10, v17;
	_ =	sdelay $0x1  }
0x16d: {  	s3 =	sshll.u32 s12, $0x7  }
0x16e: {  	s22 =	sand.u32 $0x780, s3  }
0x16f: {  	(v2sf) =	vpush v19, $0x0;
	[tilespmem:s22+$0x1D600] =	vst v18  }
0x170: {  	v18 =	vld.idx.msk [tilespmem:v20+s24+$0x0], $0xffff  }
0x171: {  	v19 =	vadd.s32 v11, v17;
	_ =	sdelay $0x3  }
0x172: {  	[tilespmem:s22+$0x1D610] =	vst v18  }
0x173: {  	v18 =	vld.idx.msk [tilespmem:v19+s24+$0x0], $0xffff  }
0x174: {  	v17 =	vadd.s32 v12, v17;
	_ =	sdelay $0x3  }
0x175: {  	s9 =	sadd.s32 $0xFFFFFFFF, s9;
	[tilespmem:s22+$0x1D620] =	vst v18  }
0x176: {  	p2 =	sne.s32 s9, $0x0;
	v17 =	vld.idx.msk [tilespmem:v17+s24+$0x0], $0xffff  }
.Ltmp13:
0x177: {  	_ = 	snop;
	(pc) =	sbr.rel @!p2 .LBB2_16-.Ltmp13, $4  }
0x178: {  	s28 =	spop (v2sf)  }
0x179: {  	s12 =	sadd.s32 $0x1, s12;
	s21 =	simm.s32 $0x1D101;
	s11 =	sshll.u32 s28, $0x4  }
0x17a: {  	s15 =	simm.s32 $0x1D381;
	[smem:$0x0] =	sst s12;
	s23 =	sand.u32 $0x1FFFFFF0, s11  }
0x17b: {  	s11 =	sadd.s32 $0x1D600, s22;
	s23 =	sadd.s32 s7, s23;
	[tilespmem:s22+$0x1D630] =	vst v17;
	s22 =	sadd.s32 $0x80, s3  }
.LBB2_15:
0x17c: {  	[hbm4b:s23+s5] =	stream.linear.scatter [tilespmem:s11], [sflag:$0x2], $0x80, $0x38;
	[tilespmem:$0x1DE00] =	vst v63  }
0x17d: {  	s9 =	sadd.s32 $0xFFFFFFFF, s9;
	v17 =	vld [tilespmem:s21+$0x0]  }
0x17e: {  	p2 =	sne.s32 s9, $0x0;
	_ =	sdelay $0x3  }
0x17f: {  	(v2sf) =	vpush v17, $0x0;
	_ =	sdelay $0xe  }
0x180: {  	s3 =	spop (v2sf)  }
0x181: {  	s3 =	ssub.s32 s3, s20  }
0x182: {  	v17 =	vmov s3  }
0x183: {  	v18 =	vshll.u32 v17, $0x3  }
0x184: {  	v17 =	vand.u32 $0x7F, v17;
	v18 =	vand.u32 $0xFFFFFC00, v18  }
0x185: {  	v17 =	vor.u32 v17, v18  }
0x186: {  	p3 =	slt.s32 s12, $0x10;
	v18 =	vadd.s32 v8, v17  }
0x187: {  	s3 =	simm.s32 @!p3 $0x2;
	v19 =	vld [tilespmem:s15+$0x0]  }
0x188: {  	_ =	swait.ge @!p3 [sflag:s3], $0x80  }
0x189: {  	[sflag:s3] =	ssyncset.done @!p3 $0x0  }
0x18a: {  	s12 =	sadd.s32 $0x1, s12;
	[sflag:s3] =	ssyncadd.s32 @!p3 $0xFFFFFF80  }
0x18b: {  	v18 =	vld.idx.msk [tilespmem:v18+s24+$0x0], $0xffff;
	[smem:$0x0] =	sst s12  }
0x18c: {  	(v2sf) =	vpush v19, $0x0  }
0x18d: {  	v19 =	vadd.s32 v10, v17;
	_ =	sdelay $0x2  }
0x18e: {  	s3 =	sand.u32 $0x780, s22  }
0x18f: {  	[tilespmem:s3+$0x1D600] =	vst v18  }
0x190: {  	v18 =	vld.idx.msk [tilespmem:v19+s24+$0x0], $0xffff;
	_ =	sdelay $0x1  }
0x191: {  	v19 =	vadd.s32 v11, v17;
	_ =	sdelay $0x3  }
0x192: {  	[tilespmem:s3+$0x1D610] =	vst v18  }
0x193: {  	v18 =	vld.idx.msk [tilespmem:v19+s24+$0x0], $0xffff;
	_ =	sdelay $0x1  }
0x194: {  	v17 =	vadd.s32 v12, v17;
	s11 =	spop (v2sf)  }
0x195: {  	s11 =	sshll.u32 s11, $0x4  }
0x196: {  	s23 =	sand.u32 $0x1FFFFFF0, s11;
	_ =	sdelay $0x1  }
0x197: {  	[tilespmem:s3+$0x1D620] =	vst v18  }
0x198: {  	v17 =	vld.idx.msk [tilespmem:v17+s24+$0x0], $0xffff;
	_ =	sdelay $0x1  }
.Ltmp14:
0x199: {  	(pc) =	sbr.rel @p2 .LBB2_15-.Ltmp14, $3  }
0x19a: {  	_ =	sdelay $0x1  }
0x19b: {  	s21 =	sadd.s32 $0x1, s21;
	s15 =	sadd.s32 $0x1, s15  }
0x19c: {  	s22 =	sadd.s32 $0x80, s22;
	s11 =	sadd.s32 $0x1D600, s3;
	s23 =	sadd.s32 s7, s23;
	[tilespmem:s3+$0x1D630] =	vst v17  }
.LBB2_16:
0x19d: {  	[hbm4b:s23+s5] =	stream.linear.scatter [tilespmem:s11], [sflag:$0x2], $0x80, $0x38;
	[tilespmem:$0x1DE00] =	vst v63  }
.LBB2_17:
0x19e: {  	s15 =	smul.u32 $0x3, s14;
	_ =	sdelay $0x1  }
0x19f: {  	p2 =	sge.u32 s15, s16  }
0x1a0: {  	s3 =	sadd.s32 @!p2 $0x600, s20  }
0x1a1: {  	s9 =	rddreg [dreg:$0x0];
	s11 =	simm.s32 @!p2 $0x7A1400;
	s3 =	sand.u32 @!p2 $0x1FFFFE00, s3  }
0x1a2: {  	s20 =	simm.s32 @!p2 $0x2000;
	s3 =	sadd.s32 @!p2 s9, s3;
	s9 =	simm.s32 @!p2 $0x1000  }
0x1a3: {  	[tilespmem:s20], [sflag:$0x1] =	stream.strided.gather @!p2 [hbm4b:s3+s9], $0x8000, s11, s9, $0x38;
	[tilespmem:$0x1DE00] =	vst v63  }
0x1a4: {  	s3 =	sadd.s32 $0x1, s15  }
0x1a5: {  	p2 =	sge.u32 s3, s8  }
.Ltmp15:
0x1a6: {  	_ = 	snop;
	(pc) =	sbr.rel @p2 .LBB2_30-.Ltmp15, $1  }
0x1a7: {  	_ =	sdelay $0x3  }
.Ltmp16:
0x1a8: {  	(pc) =	sbr.rel @p1 .LBB2_29-.Ltmp16, $4  }
0x1a9: {  	_ = 	snop  }
0x1aa: {  	_ =	swait.ge [sflag:s10], $0x8000  }
0x1ab: {  	s3 =	sadd.s32 s1, s3;
	[sflag:s10] =	ssyncset.done $0x0  }
0x1ac: {  	s20 =	sshll.u32 s3, $0x9;
	[sflag:s10] =	ssyncadd.s32 $0xFFFF8000  }
0x1ad: {  	p3 =	seq.s32 s13, $0x1  }
.Ltmp17:
0x1ae: {  	_ = 	snop;
	(pc) =	sbr.rel @p3 .LBB2_20-.Ltmp17, $3  }
0x1af: {  	_ =	sdelay $0x1  }
0x1b0: {  	s3 =	sadd.s32 $0x200, s20;
	s28 =	simm.s32 $0x1C000;
	s9 =	simm.s32 $0x1C880  }
0x1b1: {  	v18 =	vmov s20;
	s21 =	simm.s32 $0x0;
	p2 =	por $0x0, $0x0;
	v19 =	vmov s3;
	v17 =	vld [tilespmem:s28+$0x0];
	s3 =	sadd.s32 $0xFFFFFFFF, s13  }
0x1b2: {  	_ =	sdelay $0x1  }
0x1b3: {  	v20 =	vadd.s32 s21, v6  }
0x1b4: {  	v21 =	vmov s21;
	vm0 =	vgt.s32 v20, $0x0  }
0x1b5: {  	v23 =	vsub.s32 v16, v21;
	v20 =	vsub.s32 v17, v18;
	v22 =	vsub.s32 v19, v17  }
0x1b6: {  	vm3 =	vgt.s32 v23, $0x0;
	vm1 =	vlt.u32 v20, $0x7FFFFFFF;
	vm2 =	vgt.s32 v22, $0x0  }
0x1b7: {  	vm0 =	vmand vm0, vm3;
	vm1 =	vmand vm1, vm2  }
0x1b8: {  	vm0 =	vmand vm0, vm1  }
0x1b9: {  	v20 =	vsel vm0, $0x1, v2  }
0x1ba: {  	(xrf0) =	vadd.scan.msk.s32 $0xffff, v20;
	_ =	sdelay $0x3  }
0x1bb: {  	v20 =	vadd.s32 $0xFFFFFFFF, v21  }
0x1bc: {  	v20 =	vbroadcast v20, $0x0  }
0x1bd: {  	v62, _, _ =	vpop (xrf0)  }
0x1be: {  	v20 =	vadd.s32 v62, v20;
	(v2sf) =	vpush v62, $0xF  }
0x1bf: {  	v20 =	vsel vm0, v20, v7  }
0x1c0: {  	v63 =	vld [tilespmem:s9+$0x0]  }
0x1c1: {  	p3 =	seq.s32 s3, $0x1  }
.Ltmp18:
0x1c2: {  	_ = 	snop;
	(pc) =	sbr.rel @p3 .LBB2_35-.Ltmp18, $4  }
0x1c3: {  	_ = 	snop  }
0x1c4: {  	[tilespmem:v20+s31+$0x0] =	vst.idx.msk $0xffff, v17  }
0x1c5: {  	s11 =	simm.s32 $0x1C010;
	s3 =	sadd.s32 $0xFFFFFFFF, s3;
	p2 =	por $0x1, $0x1;
	[tilespmem:v20+s4+$0x0] =	vst.idx.msk $0xffff, v63  }
0x1c6: {  	s28 =	simm.s32 $0x0;
	s23 =	simm.s32 $0x0;
	s22 =	simm.s32 $0x1C880;
	v17 =	vld [tilespmem:s11+$0x0]  }
.LBB2_36:
0x1c7: {  	p3 =	seq.s32 s3, $0x1  }
0x1c8: {  	s28 =	sadd.s32 $0x10, s28  }
0x1c9: {  	v20 =	vadd.s32 s28, v6  }
0x1ca: {  	v21 =	vmov s28;
	vm0 =	vgt.s32 v20, $0x0  }
0x1cb: {  	v21 =	vsub.s32 v16, v21;
	v20 =	vsub.s32 v17, v18;
	v22 =	vsub.s32 v19, v17  }
0x1cc: {  	vm3 =	vgt.s32 v21, $0x0;
	vm1 =	vlt.u32 v20, $0x7FFFFFFF;
	vm2 =	vgt.s32 v22, $0x0  }
0x1cd: {  	vm0 =	vmand vm0, vm3;
	vm1 =	vmand vm1, vm2;
	s17 =	spop (v2sf)  }
0x1ce: {  	vm0 =	vmand vm0, vm1;
	s23 =	sadd.s32 s23, s17  }
0x1cf: {  	v20 =	vsel vm0, $0x1, v2;
	v21 =	vmov s23  }
0x1d0: {  	v21 =	vadd.s32 $0xFFFFFFFF, v21;
	(xrf0) =	vadd.scan.msk.s32 $0xffff, v20  }
0x1d1: {  	v20 =	vbroadcast v21, $0x0;
	_ =	sdelay $0x4  }
0x1d2: {  	v21, _, _ =	vpop (xrf0)  }
0x1d3: {  	v20 =	vadd.s32 v21, v20;
	(v2sf) =	vpush v21, $0xF  }
0x1d4: {  	s22 =	sadd.s32 $0x10, s22;
	v20 =	vsel vm0, v20, v7  }
0x1d5: {  	v21 =	vld [tilespmem:s22+$0x0];
	_ =	sdelay $0x1  }
.Ltmp19:
0x1d6: {  	(pc) =	sbr.rel @!p3 .LBB2_36-.Ltmp19, $4  }
0x1d7: {  	_ = 	snop  }
0x1d8: {  	[tilespmem:v20+s31+$0x0] =	vst.idx.msk $0xffff, v17  }
0x1d9: {  	s11 =	sadd.s32 $0x10, s11;
	[tilespmem:v20+s4+$0x0] =	vst.idx.msk $0xffff, v21  }
0x1da: {  	s3 =	sadd.s32 $0xFFFFFFFF, s3;
	v17 =	vld [tilespmem:s11+$0x0]  }
.LBB2_37:
0x1db: {  	s3 =	sadd.s32 @p2 $0x10, s28;
	s11 =	simm.s32 $0x0  }
0x1dc: {  	s11 =	smov.u32 @p2 s3  }
0x1dd: {  	v20 =	vadd.s32 s11, v6  }
0x1de: {  	v21 =	vmov s11;
	vm0 =	vgt.s32 v20, $0x0  }
0x1df: {  	v63 =	vsub.s32 v16, v21;
	v18 =	vsub.s32 v17, v18;
	v19 =	vsub.s32 v19, v17  }
0x1e0: {  	vm3 =	vgt.s32 v63, $0x0;
	vm1 =	vlt.u32 v18, $0x7FFFFFFF;
	vm2 =	vgt.s32 v19, $0x0  }
0x1e1: {  	vm0 =	vmand vm0, vm3;
	vm1 =	vmand vm1, vm2  }
0x1e2: {  	vm0 =	vmand vm0, vm1  }
0x1e3: {  	v18 =	vsel vm0, $0x1, v2  }
0x1e4: {  	(xrf0) =	vadd.scan.msk.s32 $0xffff, v18;
	_ =	sdelay $0x5  }
0x1e5: {  	v18, _, _ =	vpop (xrf0)  }
0x1e6: {  	(v2sf) =	vpush v18, $0xF;
	_ =	sdelay $0x1  }
0x1e7: {  	s3 =	spop @p2 (v2sf)  }
0x1e8: {  	s3 =	sadd.s32 @p2 s23, s3  }
0x1e9: {  	s21 =	smov.u32 @p2 s3  }
0x1ea: {  	v19 =	vmov s21  }
0x1eb: {  	v19 =	vadd.s32 $0xFFFFFFFF, v19  }
0x1ec: {  	v19 =	vbroadcast v19, $0x0;
	_ =	sdelay $0x1  }
0x1ed: {  	s3 =	sadd.s32 @p2 $0x10, s22;
	v18 =	vadd.s32 v18, v19  }
0x1ee: {  	s9 =	smov.u32 @p2 s3;
	v18 =	vsel vm0, v18, v7  }
0x1ef: {  	v19 =	vld [tilespmem:s9+$0x0];
	_ =	sdelay $0x3  }
0x1f0: {  	[tilespmem:v18+s31+$0x0] =	vst.idx.msk $0xffff, v17;
	s28 =	spop (v2sf)  }
0x1f1: {  	[tilespmem:v18+s4+$0x0] =	vst.idx.msk $0xffff, v19;
	s9 =	sadd.s32 s21, s28  }
0x1f2: {  	p2 =	slt.s32 s9, $0x1  }
.Ltmp20:
0x1f3: {  	_ = 	snop;
	(pc) =	sbr.rel @p2 .LBB2_29-.Ltmp20, $1  }
0x1f4: {  	_ =	sdelay $0x3  }
0x1f5: {  	s21 =	simm.s32 $0x1D100  }
0x1f6: {  	v17 =	vld [tilespmem:s21+$0x0];
	_ =	sdelay $0x4  }
0x1f7: {  	(v2sf) =	vpush v17, $0x0;
	_ =	sdelay $0xe  }
0x1f8: {  	s17 =	spop (v2sf)  }
0x1f9: {  	s17 =	ssub.s32 s17, s20  }
0x1fa: {  	v17 =	vmov s17  }
0x1fb: {  	v18 =	vshll.u32 v17, $0x3  }
0x1fc: {  	v17 =	vand.u32 $0x7F, v17;
	v18 =	vand.u32 $0xFFFFFC00, v18  }
0x1fd: {  	v17 =	vor.u32 v17, v18  }
0x1fe: {  	s11 =	simm.s32 $0x1D380;
	p2 =	slt.s32 s12, $0x10;
	v18 =	vadd.s32 v8, v17  }
0x1ff: {  	v19 =	vld [tilespmem:s11+$0x0];
	s11 =	simm.s32 @!p2 $0x2  }
0x200: {  	_ =	swait.ge @!p2 [sflag:s11], $0x80  }
0x201: {  	[sflag:s11] =	ssyncset.done @!p2 $0x0  }
0x202: {  	[sflag:s11] =	ssyncadd.s32 @!p2 $0xFFFFFF80  }
0x203: {  	v18 =	vld.idx.msk [tilespmem:v18+s25+$0x0], $0xffff  }
0x204: {  	v20 =	vadd.s32 v10, v17;
	_ =	sdelay $0x1  }
0x205: {  	s3 =	sshll.u32 s12, $0x7  }
0x206: {  	s17 =	sand.u32 $0x780, s3  }
0x207: {  	(v2sf) =	vpush v19, $0x0;
	[tilespmem:s17+$0x1D600] =	vst v18  }
0x208: {  	v18 =	vld.idx.msk [tilespmem:v20+s25+$0x0], $0xffff  }
0x209: {  	v19 =	vadd.s32 v11, v17;
	_ =	sdelay $0x3  }
0x20a: {  	[tilespmem:s17+$0x1D610] =	vst v18  }
0x20b: {  	v18 =	vld.idx.msk [tilespmem:v19+s25+$0x0], $0xffff  }
0x20c: {  	v17 =	vadd.s32 v12, v17;
	_ =	sdelay $0x3  }
0x20d: {  	s9 =	sadd.s32 $0xFFFFFFFF, s9;
	[tilespmem:s17+$0x1D620] =	vst v18  }
0x20e: {  	p2 =	sne.s32 s9, $0x0;
	v17 =	vld.idx.msk [tilespmem:v17+s25+$0x0], $0xffff  }
.Ltmp21:
0x20f: {  	_ = 	snop;
	(pc) =	sbr.rel @!p2 .LBB2_28-.Ltmp21, $4  }
0x210: {  	s23 =	spop (v2sf)  }
0x211: {  	s12 =	sadd.s32 $0x1, s12;
	s22 =	simm.s32 $0x1D101;
	s11 =	sshll.u32 s23, $0x4  }
0x212: {  	s21 =	simm.s32 $0x1D381;
	[smem:$0x0] =	sst s12;
	s23 =	sand.u32 $0x1FFFFFF0, s11  }
0x213: {  	s11 =	sadd.s32 $0x1D600, s17;
	s28 =	sadd.s32 s7, s23;
	s23 =	sadd.s32 $0x80, s3;
	[tilespmem:s17+$0x1D630] =	vst v17  }
.LBB2_27:
0x214: {  	[hbm4b:s28+s5] =	stream.linear.scatter [tilespmem:s11], [sflag:$0x2], $0x80, $0x38;
	[tilespmem:$0x1DE00] =	vst v63  }
0x215: {  	s9 =	sadd.s32 $0xFFFFFFFF, s9;
	v17 =	vld [tilespmem:s22+$0x0]  }
0x216: {  	p2 =	sne.s32 s9, $0x0;
	_ =	sdelay $0x3  }
0x217: {  	(v2sf) =	vpush v17, $0x0;
	_ =	sdelay $0xe  }
0x218: {  	s3 =	spop (v2sf)  }
0x219: {  	s3 =	ssub.s32 s3, s20  }
0x21a: {  	v17 =	vmov s3  }
0x21b: {  	v18 =	vshll.u32 v17, $0x3  }
0x21c: {  	v17 =	vand.u32 $0x7F, v17;
	v18 =	vand.u32 $0xFFFFFC00, v18  }
0x21d: {  	v17 =	vor.u32 v17, v18  }
0x21e: {  	p3 =	slt.s32 s12, $0x10;
	v18 =	vadd.s32 v8, v17  }
0x21f: {  	s3 =	simm.s32 @!p3 $0x2;
	v19 =	vld [tilespmem:s21+$0x0]  }
0x220: {  	_ =	swait.ge @!p3 [sflag:s3], $0x80  }
0x221: {  	[sflag:s3] =	ssyncset.done @!p3 $0x0  }
0x222: {  	s12 =	sadd.s32 $0x1, s12;
	[sflag:s3] =	ssyncadd.s32 @!p3 $0xFFFFFF80  }
0x223: {  	v18 =	vld.idx.msk [tilespmem:v18+s25+$0x0], $0xffff;
	[smem:$0x0] =	sst s12  }
0x224: {  	(v2sf) =	vpush v19, $0x0  }
0x225: {  	v19 =	vadd.s32 v10, v17;
	_ =	sdelay $0x2  }
0x226: {  	s3 =	sand.u32 $0x780, s23  }
0x227: {  	[tilespmem:s3+$0x1D600] =	vst v18  }
0x228: {  	v18 =	vld.idx.msk [tilespmem:v19+s25+$0x0], $0xffff;
	_ =	sdelay $0x1  }
0x229: {  	v19 =	vadd.s32 v11, v17;
	_ =	sdelay $0x3  }
0x22a: {  	[tilespmem:s3+$0x1D610] =	vst v18  }
0x22b: {  	v18 =	vld.idx.msk [tilespmem:v19+s25+$0x0], $0xffff;
	_ =	sdelay $0x1  }
0x22c: {  	v17 =	vadd.s32 v12, v17;
	s11 =	spop (v2sf)  }
0x22d: {  	s11 =	sshll.u32 s11, $0x4  }
0x22e: {  	s17 =	sand.u32 $0x1FFFFFF0, s11;
	_ =	sdelay $0x1  }
0x22f: {  	[tilespmem:s3+$0x1D620] =	vst v18  }
0x230: {  	v17 =	vld.idx.msk [tilespmem:v17+s25+$0x0], $0xffff;
	_ =	sdelay $0x1  }
.Ltmp22:
0x231: {  	(pc) =	sbr.rel @p2 .LBB2_27-.Ltmp22, $3  }
0x232: {  	_ =	sdelay $0x1  }
0x233: {  	s22 =	sadd.s32 $0x1, s22;
	s21 =	sadd.s32 $0x1, s21  }
0x234: {  	s23 =	sadd.s32 $0x80, s23;
	s11 =	sadd.s32 $0x1D600, s3;
	s28 =	sadd.s32 s7, s17;
	[tilespmem:s3+$0x1D630] =	vst v17  }
.LBB2_28:
0x235: {  	[hbm4b:s28+s5] =	stream.linear.scatter [tilespmem:s11], [sflag:$0x2], $0x80, $0x38;
	[tilespmem:$0x1DE00] =	vst v63  }
.LBB2_29:
0x236: {  	s3 =	rddreg [dreg:$0xa]  }
0x237: {  	p2 =	sge.u32 s15, s3  }
0x238: {  	s3 =	sadd.s32 @!p2 s20, s19  }
0x239: {  	s9 =	simm.s32 @!p2 $0x1000;
	s11 =	simm.s32 @!p2 $0x7A1400;
	s17 =	simm.s32 @!p2 $0xA000  }
0x23a: {  	[tilespmem:s17], [sflag:$0x1] =	stream.strided.gather @!p2 [hbm4b:s3+s9], $0x8000, s11, s9, $0x38;
	[tilespmem:$0x1DE00] =	vst v63  }
.LBB2_30:
0x23b: {  	s3 =	sadd.s32 $0x2, s15  }
0x23c: {  	p2 =	sge.u32 s3, s8  }
.Ltmp23:
0x23d: {  	_ = 	snop;
	(pc) =	sbr.rel @p2 .LBB2_43-.Ltmp23, $1  }
0x23e: {  	_ =	sdelay $0x3  }
.Ltmp24:
0x23f: {  	(pc) =	sbr.rel @p1 .LBB2_42-.Ltmp24, $4  }
0x240: {  	_ = 	snop  }
0x241: {  	_ =	swait.ge [sflag:s10], $0x8000  }
0x242: {  	s3 =	sadd.s32 s1, s3;
	[sflag:s10] =	ssyncset.done $0x0  }
0x243: {  	s20 =	sshll.u32 s3, $0x9;
	[sflag:s10] =	ssyncadd.s32 $0xFFFF8000  }
0x244: {  	p3 =	seq.s32 s13, $0x1  }
.Ltmp25:
0x245: {  	_ = 	snop;
	(pc) =	sbr.rel @p3 .LBB2_33-.Ltmp25, $3  }
0x246: {  	_ =	sdelay $0x1  }
0x247: {  	s3 =	sadd.s32 $0x200, s20;
	s28 =	simm.s32 $0x1C000;
	s9 =	simm.s32 $0x1C880  }
0x248: {  	v18 =	vmov s20;
	s21 =	simm.s32 $0x0;
	p2 =	por $0x0, $0x0;
	v19 =	vmov s3;
	v17 =	vld [tilespmem:s28+$0x0];
	s3 =	sadd.s32 $0xFFFFFFFF, s13  }
0x249: {  	_ =	sdelay $0x1  }
0x24a: {  	v20 =	vadd.s32 s21, v6  }
0x24b: {  	v21 =	vmov s21;
	vm0 =	vgt.s32 v20, $0x0  }
0x24c: {  	v23 =	vsub.s32 v16, v21;
	v20 =	vsub.s32 v17, v18;
	v22 =	vsub.s32 v19, v17  }
0x24d: {  	vm3 =	vgt.s32 v23, $0x0;
	vm1 =	vlt.u32 v20, $0x7FFFFFFF;
	vm2 =	vgt.s32 v22, $0x0  }
0x24e: {  	vm0 =	vmand vm0, vm3;
	vm1 =	vmand vm1, vm2  }
0x24f: {  	vm0 =	vmand vm0, vm1  }
0x250: {  	v20 =	vsel vm0, $0x1, v2  }
0x251: {  	(xrf0) =	vadd.scan.msk.s32 $0xffff, v20;
	_ =	sdelay $0x3  }
0x252: {  	v20 =	vadd.s32 $0xFFFFFFFF, v21  }
0x253: {  	v20 =	vbroadcast v20, $0x0  }
0x254: {  	v62, _, _ =	vpop (xrf0)  }
0x255: {  	v20 =	vadd.s32 v62, v20;
	(v2sf) =	vpush v62, $0xF  }
0x256: {  	v20 =	vsel vm0, v20, v7  }
0x257: {  	v63 =	vld [tilespmem:s9+$0x0]  }
0x258: {  	p3 =	seq.s32 s3, $0x1  }
.Ltmp26:
0x259: {  	_ = 	snop;
	(pc) =	sbr.rel @p3 .LBB2_48-.Ltmp26, $4  }
0x25a: {  	_ = 	snop  }
0x25b: {  	[tilespmem:v20+s31+$0x0] =	vst.idx.msk $0xffff, v17  }
0x25c: {  	s11 =	simm.s32 $0x1C010;
	s3 =	sadd.s32 $0xFFFFFFFF, s3;
	p2 =	por $0x1, $0x1;
	[tilespmem:v20+s4+$0x0] =	vst.idx.msk $0xffff, v63  }
0x25d: {  	s28 =	simm.s32 $0x0;
	s23 =	simm.s32 $0x0;
	s22 =	simm.s32 $0x1C880;
	v17 =	vld [tilespmem:s11+$0x0]  }
.LBB2_49:
0x25e: {  	p3 =	seq.s32 s3, $0x1  }
0x25f: {  	s28 =	sadd.s32 $0x10, s28  }
0x260: {  	v20 =	vadd.s32 s28, v6  }
0x261: {  	v21 =	vmov s28;
	vm0 =	vgt.s32 v20, $0x0  }
0x262: {  	v21 =	vsub.s32 v16, v21;
	v20 =	vsub.s32 v17, v18;
	v22 =	vsub.s32 v19, v17  }
0x263: {  	vm3 =	vgt.s32 v21, $0x0;
	vm1 =	vlt.u32 v20, $0x7FFFFFFF;
	vm2 =	vgt.s32 v22, $0x0  }
0x264: {  	vm0 =	vmand vm0, vm3;
	vm1 =	vmand vm1, vm2;
	s17 =	spop (v2sf)  }
0x265: {  	vm0 =	vmand vm0, vm1;
	s23 =	sadd.s32 s23, s17  }
0x266: {  	v20 =	vsel vm0, $0x1, v2;
	v21 =	vmov s23  }
0x267: {  	v21 =	vadd.s32 $0xFFFFFFFF, v21;
	(xrf0) =	vadd.scan.msk.s32 $0xffff, v20  }
0x268: {  	v20 =	vbroadcast v21, $0x0;
	_ =	sdelay $0x4  }
0x269: {  	v21, _, _ =	vpop (xrf0)  }
0x26a: {  	v20 =	vadd.s32 v21, v20;
	(v2sf) =	vpush v21, $0xF  }
0x26b: {  	s22 =	sadd.s32 $0x10, s22;
	v20 =	vsel vm0, v20, v7  }
0x26c: {  	v21 =	vld [tilespmem:s22+$0x0];
	_ =	sdelay $0x1  }
.Ltmp27:
0x26d: {  	(pc) =	sbr.rel @!p3 .LBB2_49-.Ltmp27, $4  }
0x26e: {  	_ = 	snop  }
0x26f: {  	[tilespmem:v20+s31+$0x0] =	vst.idx.msk $0xffff, v17  }
0x270: {  	s11 =	sadd.s32 $0x10, s11;
	[tilespmem:v20+s4+$0x0] =	vst.idx.msk $0xffff, v21  }
0x271: {  	s3 =	sadd.s32 $0xFFFFFFFF, s3;
	v17 =	vld [tilespmem:s11+$0x0]  }
.LBB2_50:
0x272: {  	s3 =	sadd.s32 @p2 $0x10, s28;
	s11 =	simm.s32 $0x0  }
0x273: {  	s11 =	smov.u32 @p2 s3  }
0x274: {  	v20 =	vadd.s32 s11, v6  }
0x275: {  	v21 =	vmov s11;
	vm0 =	vgt.s32 v20, $0x0  }
0x276: {  	v63 =	vsub.s32 v16, v21;
	v18 =	vsub.s32 v17, v18;
	v19 =	vsub.s32 v19, v17  }
0x277: {  	vm3 =	vgt.s32 v63, $0x0;
	vm1 =	vlt.u32 v18, $0x7FFFFFFF;
	vm2 =	vgt.s32 v19, $0x0  }
0x278: {  	vm0 =	vmand vm0, vm3;
	vm1 =	vmand vm1, vm2  }
0x279: {  	vm0 =	vmand vm0, vm1  }
0x27a: {  	v18 =	vsel vm0, $0x1, v2  }
0x27b: {  	(xrf0) =	vadd.scan.msk.s32 $0xffff, v18;
	_ =	sdelay $0x5  }
0x27c: {  	v18, _, _ =	vpop (xrf0)  }
0x27d: {  	(v2sf) =	vpush v18, $0xF;
	_ =	sdelay $0x1  }
0x27e: {  	s3 =	spop @p2 (v2sf)  }
0x27f: {  	s3 =	sadd.s32 @p2 s23, s3  }
0x280: {  	s21 =	smov.u32 @p2 s3  }
0x281: {  	v19 =	vmov s21  }
0x282: {  	v19 =	vadd.s32 $0xFFFFFFFF, v19  }
0x283: {  	v19 =	vbroadcast v19, $0x0;
	_ =	sdelay $0x1  }
0x284: {  	s3 =	sadd.s32 @p2 $0x10, s22;
	v18 =	vadd.s32 v18, v19  }
0x285: {  	s9 =	smov.u32 @p2 s3;
	v18 =	vsel vm0, v18, v7  }
0x286: {  	v19 =	vld [tilespmem:s9+$0x0];
	_ =	sdelay $0x3  }
0x287: {  	[tilespmem:v18+s31+$0x0] =	vst.idx.msk $0xffff, v17;
	s28 =	spop (v2sf)  }
0x288: {  	[tilespmem:v18+s4+$0x0] =	vst.idx.msk $0xffff, v19;
	s9 =	sadd.s32 s21, s28  }
0x289: {  	p2 =	slt.s32 s9, $0x1  }
.Ltmp28:
0x28a: {  	_ = 	snop;
	(pc) =	sbr.rel @p2 .LBB2_42-.Ltmp28, $1  }
0x28b: {  	_ =	sdelay $0x3  }
0x28c: {  	s21 =	simm.s32 $0x1D100  }
0x28d: {  	v17 =	vld [tilespmem:s21+$0x0];
	_ =	sdelay $0x4  }
0x28e: {  	(v2sf) =	vpush v17, $0x0;
	_ =	sdelay $0xe  }
0x28f: {  	s17 =	spop (v2sf)  }
0x290: {  	s17 =	ssub.s32 s17, s20  }
0x291: {  	v17 =	vmov s17  }
0x292: {  	v18 =	vshll.u32 v17, $0x3  }
0x293: {  	v17 =	vand.u32 $0x7F, v17;
	v18 =	vand.u32 $0xFFFFFC00, v18  }
0x294: {  	v17 =	vor.u32 v17, v18  }
0x295: {  	s11 =	simm.s32 $0x1D380;
	p2 =	slt.s32 s12, $0x10;
	v18 =	vadd.s32 v8, v17  }
0x296: {  	v19 =	vld [tilespmem:s11+$0x0];
	s11 =	simm.s32 @!p2 $0x2  }
0x297: {  	_ =	swait.ge @!p2 [sflag:s11], $0x80  }
0x298: {  	[sflag:s11] =	ssyncset.done @!p2 $0x0  }
0x299: {  	[sflag:s11] =	ssyncadd.s32 @!p2 $0xFFFFFF80  }
0x29a: {  	v18 =	vld.idx.msk [tilespmem:v18+s26+$0x0], $0xffff  }
0x29b: {  	v20 =	vadd.s32 v10, v17;
	_ =	sdelay $0x1  }
0x29c: {  	s3 =	sshll.u32 s12, $0x7  }
0x29d: {  	s17 =	sand.u32 $0x780, s3  }
0x29e: {  	(v2sf) =	vpush v19, $0x0;
	[tilespmem:s17+$0x1D600] =	vst v18  }
0x29f: {  	v18 =	vld.idx.msk [tilespmem:v20+s26+$0x0], $0xffff  }
0x2a0: {  	v19 =	vadd.s32 v11, v17;
	_ =	sdelay $0x3  }
0x2a1: {  	[tilespmem:s17+$0x1D610] =	vst v18  }
0x2a2: {  	v18 =	vld.idx.msk [tilespmem:v19+s26+$0x0], $0xffff  }
0x2a3: {  	v17 =	vadd.s32 v12, v17;
	_ =	sdelay $0x3  }
0x2a4: {  	s9 =	sadd.s32 $0xFFFFFFFF, s9;
	[tilespmem:s17+$0x1D620] =	vst v18  }
0x2a5: {  	p2 =	sne.s32 s9, $0x0;
	v17 =	vld.idx.msk [tilespmem:v17+s26+$0x0], $0xffff  }
.Ltmp29:
0x2a6: {  	_ = 	snop;
	(pc) =	sbr.rel @!p2 .LBB2_41-.Ltmp29, $4  }
0x2a7: {  	s23 =	spop (v2sf)  }
0x2a8: {  	s12 =	sadd.s32 $0x1, s12;
	s22 =	simm.s32 $0x1D101;
	s11 =	sshll.u32 s23, $0x4  }
0x2a9: {  	s21 =	simm.s32 $0x1D381;
	[smem:$0x0] =	sst s12;
	s23 =	sand.u32 $0x1FFFFFF0, s11  }
0x2aa: {  	s11 =	sadd.s32 $0x1D600, s17;
	s28 =	sadd.s32 s7, s23;
	s23 =	sadd.s32 $0x80, s3;
	[tilespmem:s17+$0x1D630] =	vst v17  }
.LBB2_40:
0x2ab: {  	[hbm4b:s28+s5] =	stream.linear.scatter [tilespmem:s11], [sflag:$0x2], $0x80, $0x38;
	[tilespmem:$0x1DE00] =	vst v63  }
0x2ac: {  	s9 =	sadd.s32 $0xFFFFFFFF, s9;
	v17 =	vld [tilespmem:s22+$0x0]  }
0x2ad: {  	p2 =	sne.s32 s9, $0x0;
	_ =	sdelay $0x3  }
0x2ae: {  	(v2sf) =	vpush v17, $0x0;
	_ =	sdelay $0xe  }
0x2af: {  	s3 =	spop (v2sf)  }
0x2b0: {  	s3 =	ssub.s32 s3, s20  }
0x2b1: {  	v17 =	vmov s3  }
0x2b2: {  	v18 =	vshll.u32 v17, $0x3  }
0x2b3: {  	v17 =	vand.u32 $0x7F, v17;
	v18 =	vand.u32 $0xFFFFFC00, v18  }
0x2b4: {  	v17 =	vor.u32 v17, v18  }
0x2b5: {  	p3 =	slt.s32 s12, $0x10;
	v18 =	vadd.s32 v8, v17  }
0x2b6: {  	s3 =	simm.s32 @!p3 $0x2;
	v19 =	vld [tilespmem:s21+$0x0]  }
0x2b7: {  	_ =	swait.ge @!p3 [sflag:s3], $0x80  }
0x2b8: {  	[sflag:s3] =	ssyncset.done @!p3 $0x0  }
0x2b9: {  	s12 =	sadd.s32 $0x1, s12;
	[sflag:s3] =	ssyncadd.s32 @!p3 $0xFFFFFF80  }
0x2ba: {  	v18 =	vld.idx.msk [tilespmem:v18+s26+$0x0], $0xffff;
	[smem:$0x0] =	sst s12  }
0x2bb: {  	(v2sf) =	vpush v19, $0x0  }
0x2bc: {  	v19 =	vadd.s32 v10, v17;
	_ =	sdelay $0x2  }
0x2bd: {  	s3 =	sand.u32 $0x780, s23  }
0x2be: {  	[tilespmem:s3+$0x1D600] =	vst v18  }
0x2bf: {  	v18 =	vld.idx.msk [tilespmem:v19+s26+$0x0], $0xffff;
	_ =	sdelay $0x1  }
0x2c0: {  	v19 =	vadd.s32 v11, v17;
	_ =	sdelay $0x3  }
0x2c1: {  	[tilespmem:s3+$0x1D610] =	vst v18  }
0x2c2: {  	v18 =	vld.idx.msk [tilespmem:v19+s26+$0x0], $0xffff;
	_ =	sdelay $0x1  }
0x2c3: {  	v17 =	vadd.s32 v12, v17;
	s11 =	spop (v2sf)  }
0x2c4: {  	s11 =	sshll.u32 s11, $0x4  }
0x2c5: {  	s17 =	sand.u32 $0x1FFFFFF0, s11;
	_ =	sdelay $0x1  }
0x2c6: {  	[tilespmem:s3+$0x1D620] =	vst v18  }
0x2c7: {  	v17 =	vld.idx.msk [tilespmem:v17+s26+$0x0], $0xffff;
	_ =	sdelay $0x1  }
.Ltmp30:
0x2c8: {  	(pc) =	sbr.rel @p2 .LBB2_40-.Ltmp30, $3  }
0x2c9: {  	_ =	sdelay $0x1  }
0x2ca: {  	s22 =	sadd.s32 $0x1, s22;
	s21 =	sadd.s32 $0x1, s21  }
0x2cb: {  	s23 =	sadd.s32 $0x80, s23;
	s11 =	sadd.s32 $0x1D600, s3;
	s28 =	sadd.s32 s7, s17;
	[tilespmem:s3+$0x1D630] =	vst v17  }
.Ltmp31:
0x2cc: {  	_ = 	snop;
	(pc) =	sbr.rel .LBB2_41-.Ltmp31, $1  }
0x2cd: {  	_ =	sdelay $0x3  }
.LBB2_12:
.Ltmp32:
0x2ce: {  	(pc) =	sbr.rel .LBB2_24-.Ltmp32, $2  }
0x2cf: {  	_ =	sdelay $0x2  }
0x2d0: {  	s23 =	simm.s32 $0x0;
	s22 =	simm.s32 $0x0;
	s9 =	simm.s32 $0x1C880  }
.LBB2_22:
.Ltmp33:
0x2d1: {  	(pc) =	sbr.rel .LBB2_24-.Ltmp33, $2  }
0x2d2: {  	_ =	sdelay $0x2  }
0x2d3: {  	s23 =	simm.s32 $0x0;
	s22 =	simm.s32 $0x0;
	s9 =	simm.s32 $0x1C880  }
.LBB2_20:
.Ltmp34:
0x2d4: {  	(pc) =	sbr.rel .LBB2_37-.Ltmp34, $2  }
0x2d5: {  	_ =	sdelay $0x2  }
0x2d6: {  	s28 =	simm.s32 $0x0;
	s23 =	simm.s32 $0x0;
	s22 =	simm.s32 $0x1C880  }
.LBB2_33:
.Ltmp35:
0x2d7: {  	(pc) =	sbr.rel .LBB2_50-.Ltmp35, $2  }
0x2d8: {  	_ =	sdelay $0x2  }
0x2d9: {  	s28 =	simm.s32 $0x0;
	s23 =	simm.s32 $0x0;
	s22 =	simm.s32 $0x1C880  }
.LBB2_35:
.Ltmp36:
0x2da: {  	(pc) =	sbr.rel .LBB2_37-.Ltmp36, $2  }
0x2db: {  	_ =	sdelay $0x2  }
0x2dc: {  	s28 =	simm.s32 $0x0;
	s23 =	simm.s32 $0x0;
	s22 =	simm.s32 $0x1C880  }
.LBB2_48:
.Ltmp37:
0x2dd: {  	(pc) =	sbr.rel .LBB2_50-.Ltmp37, $2  }
0x2de: {  	_ =	sdelay $0x2  }
0x2df: {  	s28 =	simm.s32 $0x0;
	s23 =	simm.s32 $0x0;
	s22 =	simm.s32 $0x1C880  }
.LBB2_44:
0x2e0: {  	s3 =	simm.s32 @!p0 $0x400;
	s9 =	simm.s32 @!p0 $0x7A1400  }
0x2e1: {  	s11 =	simm.s32 @!p0 $0x1A000;
	s14 =	rddreg [dreg:$0xb];
	p1 =	seq.s32 @!p0 s13, $0x0  }
0x2e2: {  	[tilespmem:s11], [sflag:$0x3] =	stream.strided.gather @!p0 [hbm4b:s14+s3], $0x2000, s9, s3, $0x38;
	[tilespmem:$0x1DE00] =	vst v63  }
0x2e3: {  	p1 =	por p0, p1  }
.Ltmp38:
0x2e4: {  	_ = 	snop;
	(pc) =	sbr.rel @p1 .LBB2_51-.Ltmp38, $4  }
0x2e5: {  	s3 =	simm.s32 @!p0 $0x3  }
0x2e6: {  	_ =	swait.ge @!p0 [sflag:s3], $0x2000  }
0x2e7: {  	[sflag:s3] =	ssyncset.done @!p0 $0x0  }
0x2e8: {  	[sflag:s3] =	ssyncadd.s32 @!p0 $0xFFFFE000  }
0x2e9: {  	p2 =	seq.s32 s13, $0x1  }
.Ltmp39:
0x2ea: {  	_ = 	snop;
	(pc) =	sbr.rel @p2 .LBB2_46-.Ltmp39, $3  }
0x2eb: {  	_ =	sdelay $0x1  }
0x2ec: {  	s3 =	simm.s32 @!p0 $0x1C000;
	s14 =	simm.s32 @!p0 $0x1C880  }
0x2ed: {  	s9 =	simm.s32 @!p0 $0x0;
	s11 =	sadd.s32 $0xFFFFFFFF, s13;
	p1 =	por $0x0, $0x0;
	v17 =	vld [tilespmem:s3+$0x0]  }
0x2ee: {  	_ =	sdelay $0x1  }
0x2ef: {  	v18 =	vmov s9  }
0x2f0: {  	v19 =	vadd.s32 s9, v6;
	v20 =	vsub.s32 v16, v18  }
0x2f1: {  	vm0 =	vgt.s32 v19, $0x0;
	vm1 =	vgt.s32 v20, $0x0;
	v21 =	vand.u32 $0xFFFFFFC0, v17  }
0x2f2: {  	vm0 =	vmand vm0, vm1;
	vm2 =	veq.s32 v21, $0xF4200  }
0x2f3: {  	vm0 =	vmand vm0, vm2  }
0x2f4: {  	v19 =	vsel vm0, $0x1, v2  }
0x2f5: {  	(xrf0) =	vadd.scan.msk.s32 $0xffff, v19;
	_ =	sdelay $0x3  }
0x2f6: {  	v18 =	vadd.s32 $0xFFFFFFFF, v18  }
0x2f7: {  	v18 =	vbroadcast v18, $0x0  }
0x2f8: {  	v19, _, _ =	vpop (xrf0)  }
0x2f9: {  	v18 =	vadd.s32 v19, v18;
	(v2sf) =	vpush v19, $0xF  }
0x2fa: {  	v18 =	vsel vm0, v18, v7  }
0x2fb: {  	v63 =	vld [tilespmem:s14+$0x0]  }
0x2fc: {  	p2 =	seq.s32 s11, $0x1  }
.Ltmp40:
0x2fd: {  	_ = 	snop;
	(pc) =	sbr.rel @p2 .LBB2_55-.Ltmp40, $4  }
0x2fe: {  	_ = 	snop  }
0x2ff: {  	[tilespmem:v18+s31+$0x0] =	vst.idx.msk $0xffff, v17  }
0x300: {  	s3 =	simm.s32 $0x1C010;
	s11 =	sadd.s32 $0xFFFFFFFF, s11;
	p1 =	por $0x1, $0x1;
	[tilespmem:v18+s4+$0x0] =	vst.idx.msk $0xffff, v63  }
0x301: {  	s20 =	simm.s32 @!p0 $0x0;
	s15 =	simm.s32 @!p0 $0x0;
	s13 =	simm.s32 @!p0 $0x1C880;
	v17 =	vld [tilespmem:s3+$0x0]  }
.LBB2_56:
0x302: {  	p2 =	seq.s32 s11, $0x1  }
0x303: {  	s20 =	sadd.s32 $0x10, s20  }
0x304: {  	v18 =	vmov s20  }
0x305: {  	v19 =	vadd.s32 s20, v6;
	v18 =	vsub.s32 v16, v18  }
0x306: {  	vm0 =	vgt.s32 v19, $0x0;
	vm1 =	vgt.s32 v18, $0x0;
	v20 =	vand.u32 $0xFFFFFFC0, v17  }
0x307: {  	vm0 =	vmand vm0, vm1;
	vm2 =	veq.s32 v20, $0xF4200  }
0x308: {  	vm0 =	vmand vm0, vm2;
	s17 =	spop (v2sf)  }
0x309: {  	v18 =	vsel vm0, $0x1, v2;
	s15 =	sadd.s32 s15, s17  }
0x30a: {  	v19 =	vmov s15;
	(xrf0) =	vadd.scan.msk.s32 $0xffff, v18  }
0x30b: {  	v18 =	vadd.s32 $0xFFFFFFFF, v19  }
0x30c: {  	v18 =	vbroadcast v18, $0x0;
	_ =	sdelay $0x3  }
0x30d: {  	v19, _, _ =	vpop (xrf0)  }
0x30e: {  	v18 =	vadd.s32 v19, v18;
	(v2sf) =	vpush v19, $0xF  }
0x30f: {  	s13 =	sadd.s32 $0x10, s13;
	v18 =	vsel vm0, v18, v7  }
0x310: {  	v19 =	vld [tilespmem:s13+$0x0];
	_ =	sdelay $0x1  }
.Ltmp41:
0x311: {  	(pc) =	sbr.rel @!p2 .LBB2_56-.Ltmp41, $4  }
0x312: {  	_ = 	snop  }
0x313: {  	[tilespmem:v18+s31+$0x0] =	vst.idx.msk $0xffff, v17  }
0x314: {  	s3 =	sadd.s32 $0x10, s3;
	[tilespmem:v18+s4+$0x0] =	vst.idx.msk $0xffff, v19  }
0x315: {  	s11 =	sadd.s32 $0xFFFFFFFF, s11;
	v17 =	vld [tilespmem:s3+$0x0]  }
.LBB2_57:
0x316: {  	s3 =	sadd.s32 @p1 $0x10, s20;
	s11 =	simm.s32 @!p0 $0x0  }
0x317: {  	s11 =	smov.u32 @p1 s3  }
0x318: {  	v18 =	vmov s11  }
0x319: {  	v19 =	vadd.s32 s11, v6;
	v16 =	vsub.s32 v16, v18  }
0x31a: {  	vm0 =	vgt.s32 v19, $0x0;
	v61 =	vand.u32 $0xFFFFFFC0, v17;
	vm1 =	vgt.s32 v16, $0x0  }
0x31b: {  	vm2 =	veq.s32 v61, $0xF4200;
	vm0 =	vmand vm0, vm1  }
0x31c: {  	vm0 =	vmand vm0, vm2  }
0x31d: {  	v16 =	vsel vm0, $0x1, v2  }
0x31e: {  	(xrf0) =	vadd.scan.msk.s32 $0xffff, v16;
	_ =	sdelay $0x5  }
0x31f: {  	v16, _, _ =	vpop (xrf0)  }
0x320: {  	(v2sf) =	vpush v16, $0xF;
	_ =	sdelay $0x1  }
0x321: {  	s3 =	spop @p1 (v2sf)  }
0x322: {  	s3 =	sadd.s32 @p1 s15, s3  }
0x323: {  	s9 =	smov.u32 @p1 s3  }
0x324: {  	v62 =	vmov s9  }
0x325: {  	v18 =	vadd.s32 $0xFFFFFFFF, v62  }
0x326: {  	v18 =	vbroadcast v18, $0x0;
	_ =	sdelay $0x1  }
0x327: {  	s3 =	sadd.s32 @p1 $0x10, s13;
	v16 =	vadd.s32 v16, v18  }
0x328: {  	s14 =	smov.u32 @p1 s3;
	v16 =	vsel vm0, v16, v7  }
0x329: {  	v63 =	vld [tilespmem:s14+$0x0];
	_ =	sdelay $0x3  }
0x32a: {  	[tilespmem:v16+s31+$0x0] =	vst.idx.msk $0xffff, v17;
	s28 =	spop (v2sf)  }
0x32b: {  	[tilespmem:v16+s4+$0x0] =	vst.idx.msk $0xffff, v63;
	s9 =	sadd.s32 s9, s28  }
0x32c: {  	p1 =	slt.s32 s9, $0x1  }
.Ltmp42:
0x32d: {  	_ = 	snop;
	(pc) =	sbr.rel @p1 .LBB2_53-.Ltmp42, $2  }
0x32e: {  	_ =	sdelay $0x2  }
0x32f: {  	s14 =	simm.s32 $0x3  }
0x330: {  	s13 =	simm.s32 $0x1D100  }
0x331: {  	v16 =	vld [tilespmem:s13+$0x0];
	_ =	sdelay $0x4  }
0x332: {  	(v2sf) =	vpush v16, $0x0;
	_ =	sdelay $0xe  }
0x333: {  	s23 =	spop (v2sf)  }
0x334: {  	s13 =	sadd.s32 $0xFFF0BE00, s23  }
0x335: {  	s11 =	simm.s32 $0x1D380;
	p1 =	slt.s32 s12, $0x10;
	v16 =	vadd.s32 s13, v9  }
0x336: {  	v17 =	vld [tilespmem:s11+$0x0];
	s11 =	simm.s32 @!p1 $0x2  }
0x337: {  	_ =	swait.ge @!p1 [sflag:s11], $0x80  }
0x338: {  	[sflag:s11] =	ssyncset.done @!p1 $0x0  }
0x339: {  	[sflag:s11] =	ssyncadd.s32 @!p1 $0xFFFFFF80  }
0x33a: {  	v16 =	vld.idx.msk [tilespmem:v16+s6+$0x0], $0xffff  }
0x33b: {  	v18 =	vadd.s32 s13, v13;
	_ =	sdelay $0x1  }
0x33c: {  	s3 =	sshll.u32 s12, $0x7  }
0x33d: {  	s15 =	sand.u32 $0x780, s3  }
0x33e: {  	(v2sf) =	vpush v17, $0x0;
	[tilespmem:s15+$0x1D600] =	vst v16  }
0x33f: {  	v16 =	vld.idx.msk [tilespmem:v18+s6+$0x0], $0xffff  }
0x340: {  	v17 =	vadd.s32 s13, v14;
	_ =	sdelay $0x3  }
0x341: {  	[tilespmem:s15+$0x1D610] =	vst v16  }
0x342: {  	v16 =	vld.idx.msk [tilespmem:v17+s6+$0x0], $0xffff  }
0x343: {  	v17 =	vadd.s32 s13, v15;
	_ =	sdelay $0x3  }
0x344: {  	s9 =	sadd.s32 $0xFFFFFFFF, s9;
	[tilespmem:s15+$0x1D620] =	vst v16  }
0x345: {  	p1 =	sne.s32 s9, $0x0;
	v16 =	vld.idx.msk [tilespmem:v17+s6+$0x0], $0xffff  }
.Ltmp43:
0x346: {  	_ = 	snop;
	(pc) =	sbr.rel @!p1 .LBB2_60-.Ltmp43, $4  }
0x347: {  	s28 =	spop (v2sf)  }
0x348: {  	s12 =	sadd.s32 $0x1, s12;
	s14 =	simm.s32 $0x1D101;
	s11 =	sshll.u32 s28, $0x4  }
0x349: {  	[smem:$0x0] =	sst s12;
	s17 =	sand.u32 $0x1FFFFFF0, s11;
	s13 =	simm.s32 $0x1D381  }
0x34a: {  	s11 =	sadd.s32 $0x1D600, s15;
	s20 =	sadd.s32 s7, s17;
	[tilespmem:s15+$0x1D630] =	vst v16;
	s15 =	sadd.s32 $0x80, s3  }
.LBB2_59:
0x34b: {  	[hbm4b:s20+s5] =	stream.linear.scatter [tilespmem:s11], [sflag:$0x2], $0x80, $0x38;
	[tilespmem:$0x1DE00] =	vst v63  }
0x34c: {  	s9 =	sadd.s32 $0xFFFFFFFF, s9;
	v16 =	vld [tilespmem:s14+$0x0]  }
0x34d: {  	p1 =	sne.s32 s9, $0x0;
	_ =	sdelay $0x3  }
0x34e: {  	(v2sf) =	vpush v16, $0x0;
	_ =	sdelay $0xe  }
0x34f: {  	s3 =	spop (v2sf)  }
0x350: {  	s3 =	sadd.s32 $0xFFF0BE00, s3  }
0x351: {  	p2 =	slt.s32 s12, $0x10;
	v16 =	vadd.s32 s3, v9  }
0x352: {  	s11 =	simm.s32 @!p2 $0x2;
	v17 =	vld [tilespmem:s13+$0x0]  }
0x353: {  	_ =	swait.ge @!p2 [sflag:s11], $0x80  }
0x354: {  	[sflag:s11] =	ssyncset.done @!p2 $0x0  }
0x355: {  	s12 =	sadd.s32 $0x1, s12;
	[sflag:s11] =	ssyncadd.s32 @!p2 $0xFFFFFF80  }
0x356: {  	v16 =	vld.idx.msk [tilespmem:v16+s6+$0x0], $0xffff;
	[smem:$0x0] =	sst s12  }
0x357: {  	(v2sf) =	vpush v17, $0x0  }
0x358: {  	v17 =	vadd.s32 s3, v13;
	_ =	sdelay $0x2  }
0x359: {  	s17 =	sand.u32 $0x780, s15  }
0x35a: {  	[tilespmem:s17+$0x1D600] =	vst v16  }
0x35b: {  	v16 =	vld.idx.msk [tilespmem:v17+s6+$0x0], $0xffff;
	_ =	sdelay $0x1  }
0x35c: {  	v17 =	vadd.s32 s3, v14;
	_ =	sdelay $0x3  }
0x35d: {  	[tilespmem:s17+$0x1D610] =	vst v16  }
0x35e: {  	v16 =	vld.idx.msk [tilespmem:v17+s6+$0x0], $0xffff;
	_ =	sdelay $0x1  }
0x35f: {  	v17 =	vadd.s32 s3, v15;
	s3 =	spop (v2sf)  }
0x360: {  	s3 =	sshll.u32 s3, $0x4  }
0x361: {  	s3 =	sand.u32 $0x1FFFFFF0, s3;
	_ =	sdelay $0x1  }
0x362: {  	[tilespmem:s17+$0x1D620] =	vst v16  }
0x363: {  	v16 =	vld.idx.msk [tilespmem:v17+s6+$0x0], $0xffff;
	_ =	sdelay $0x1  }
.Ltmp44:
0x364: {  	(pc) =	sbr.rel @p1 .LBB2_59-.Ltmp44, $3  }
0x365: {  	_ =	sdelay $0x1  }
0x366: {  	s14 =	sadd.s32 $0x1, s14;
	s13 =	sadd.s32 $0x1, s13  }
0x367: {  	s15 =	sadd.s32 $0x80, s15;
	s11 =	sadd.s32 $0x1D600, s17;
	s20 =	sadd.s32 s7, s3;
	[tilespmem:s17+$0x1D630] =	vst v16  }
.LBB2_60:
.Ltmp45:
0x368: {  	(pc) =	sbr.rel .LBB2_61-.Ltmp45, $3  }
0x369: {  	_ =	sdelay $0x1  }
0x36a: {  	[hbm4b:s20+s5] =	stream.linear.scatter [tilespmem:s11], [sflag:$0x2], $0x80, $0x38;
	[tilespmem:$0x1DE00] =	vst v63  }
0x36b: {  	s14 =	simm.s32 $0x3;
	s9 =	rddreg [dreg:$0xd]  }
.LBB2_51:
.Ltmp46:
0x36c: {  	(pc) =	sbr.rel .LBB2_61-.Ltmp46, $2  }
0x36d: {  	_ =	sdelay $0x2  }
0x36e: {  	s12 =	smov.u32 @p0 s12;
	s14 =	simm.s32 $0x3;
	s9 =	rddreg [dreg:$0xd]  }
.LBB2_53:
0x36f: {  	s9 =	rddreg [dreg:$0xd]  }
.LBB2_61:
0x370: {  	p1 =	slt.s32 s12, $0x1  }
.Ltmp47:
0x371: {  	_ = 	snop;
	(pc) =	sbr.rel @p1 .LBB2_65-.Ltmp47, $1  }
0x372: {  	_ =	sdelay $0x3  }
0x373: {  	p1 =	slt.s32 s12, $0x10  }
0x374: {  	s12 =	simm.s32 @!p1 $0x10  }
0x375: {  	p1 =	sne.s32 s12, $0x1  }
.Ltmp48:
0x376: {  	_ = 	snop;
	(pc) =	sbr.rel @!p1 .LBB2_64-.Ltmp48, $3  }
0x377: {  	_ =	sdelay $0x1  }
0x378: {  	_ =	swait.ge [sflag:s0], $0x80  }
0x379: {  	[sflag:s0] =	ssyncset.done $0x0;
	s3 =	sadd.s32 $0xFFFFFFFF, s12  }
.LBB2_63:
0x37a: {  	p1 =	sne.s32 s3, $0x1;
	s3 =	sadd.s32 $0xFFFFFFFF, s3;
	[sflag:s0] =	ssyncadd.s32 $0xFFFFFF80  }
.Ltmp49:
0x37b: {  	(pc) =	sbr.rel @p1 .LBB2_63-.Ltmp49, $3  }
0x37c: {  	_ =	sdelay $0x1  }
0x37d: {  	_ =	swait.ge [sflag:s0], $0x80  }
0x37e: {  	[sflag:s0] =	ssyncset.done $0x0  }
.Ltmp50:
0x37f: {  	_ = 	snop;
	(pc) =	sbr.rel .LBB2_64-.Ltmp50, $1  }
0x380: {  	_ =	sdelay $0x3  }
.LBB2_46:
.Ltmp51:
0x381: {  	(pc) =	sbr.rel .LBB2_57-.Ltmp51, $2  }
0x382: {  	_ =	sdelay $0x2  }
0x383: {  	s20 =	simm.s32 @!p0 $0x0;
	s15 =	simm.s32 @!p0 $0x0;
	s13 =	simm.s32 @!p0 $0x1C880  }
.LBB2_55:
.Ltmp52:
0x384: {  	(pc) =	sbr.rel .LBB2_57-.Ltmp52, $2  }
0x385: {  	_ =	sdelay $0x2  }
0x386: {  	s20 =	simm.s32 @!p0 $0x0;
	s15 =	simm.s32 @!p0 $0x0;
	s13 =	simm.s32 @!p0 $0x1C880  }
.LBB2_66:
0x387: {  	_ =	sfence.sel $0x180000  }
0x388: {  	[bflag:$0x0] =	sbarrier.arrive $0xFFFF  }
0x389: {  	_ =	strace $0x90000047  }
0x38a: {  	s0 =	stileid.u32;
	[bflag:$0x2] =	sbarrier.arrive $0xFFFF  }
0x38b: {  	p0 =	sne.s32 s0, $0x0;
	s0 =	rddreg [dreg:$0x2]  }
0x38c: {  	s0 =	sadd.s32 @!p0 $0x100000, s0  }
0x38d: {  	[sflag:s0] =	ssyncadd.tile.s32 @!p0 $0x1;
	_ =	shalt  }
.Lfunc_end2:
_tile_overlayer_lowered:
.L_overlay_start_2:
0x38e: {  	(tag) =	ssettag $0x2  }
0x38f: {  	s0 =	rddreg [dreg:$0x0];
	s2 =	stileid.u32  }
0x390: {  	s1 =	rddreg [dreg:$0x1];
	p0 =	sne.s32 s2, $0x0  }
0x391: {  	s3 =	rddreg [dreg:$0x2];
	[bflag:$0x3] =	sbarrier.arrive $0xFFFF;
	s2 =	simm.s32 @!p0 $0x1C03  }
0x392: {  	[timem:s3], [sflag:s2] =	dma.local @!p0 [hbm:s0], s1  }
0x393: {  	s0 =	simm.s32 @!p0 $0x3  }
0x394: {  	_ =	swait.ge @!p0 [sflag:s0], s1  }
0x395: {  	s1 =	ssub.s32 @!p0 $0x0, s1;
	[sflag:s0] =	ssyncset.done @!p0 $0x0  }
0x396: {  	[sflag:s0] =	ssyncadd.s32 @!p0 s1  }
0x397: {  	[bflag:$0x3] =	sbarrier.arrive $0xFFFF  }
0x398: {  	_ =	shalt  }

</sc_bundles>
